<compile_context>
chip_gen: v7x
topology: tpu7x:2x2x1
jax: 0.10.2.dev20260603
libtpu: 0.0.44.dev20260713+nightly
codegen_flags: <defaults>
</compile_context>

<pallas_src>
import functools

import jax
import jax.numpy as jnp
from jax import lax
from jax.experimental import pallas as pl
from jax.experimental.pallas import tpu as pltpu
from jax.experimental.pallas import tpu_sc as plsc

K = 8
TILE_A = 512
TILE_C = 1024


def _knn_body(xc_ref, x_ref, wn_ref, idx_ref, y_ref):
    n_total = x_ref.shape[2]
    xc = xc_ref[0]
    xb = x_ref[0]
    cdims = (((0,), (0,)), ((), ()))
    s = lax.dot_general(xc, xb, cdims,
                        preferred_element_type=jnp.float32)
    inner = -2.0 * s
    xx_all = jnp.sum(xb * xb, axis=0, keepdims=True)
    xx_row = jnp.transpose(
        jnp.sum(xc * xc, axis=0, keepdims=True))
    p = (0.0 - xx_row) - inner - xx_all

    colidx = lax.broadcasted_iota(
        jnp.int32, p.shape, 1).astype(jnp.float32)
    neg = jnp.float32(-jnp.inf)
    big = jnp.float32(n_total)
    picks = []
    for ki in range(K):
        m = jnp.max(p, axis=1, keepdims=True)
        cand = jnp.where(p >= m, colidx, big)
        am = jnp.min(cand, axis=1, keepdims=True)
        picks.append(am)
        if ki + 1 < K:
            p = jnp.where(cand == am, neg, p)
    idx_ref[0] = jnp.transpose(
        jnp.concatenate(picks, axis=1)).astype(jnp.int32)

    y_ref[0] = lax.dot_general(xc, wn_ref[...], cdims,
                               preferred_element_type=jnp.float32)


def _mlp_body(g_ref, x_ref, wc_ref, b1_ref, w2_ref, b2_ref, w3_ref, b3_ref,
              wa_ref, ba_ref, out_ref):
    k, t, c = g_ref.shape
    g = g_ref[...]
    xc = x_ref[0]
    z = (lax.dot_general(xc, wc_ref[...], (((0,), (0,)), ((), ())),
                         preferred_element_type=jnp.float32)
         + b1_ref[...])
    h1 = jnp.maximum(g + z[None, :, :], 0.0)
    h1f = h1.reshape(k * t, c)
    h2 = jnp.maximum(
        jnp.dot(h1f, w2_ref[...], preferred_element_type=jnp.float32)
        + b2_ref[...], 0.0)
    h3 = jnp.maximum(
        jnp.dot(h2, w3_ref[...], preferred_element_type=jnp.float32)
        + b3_ref[...], 0.0).reshape(k, t, c)
    m = h3[0]
    for i in range(1, k):
        m = jnp.maximum(m, h3[i])
    pre = x_ref[0] + jnp.transpose(m)
    out_ref[...] = jnp.maximum(
        jnp.dot(wa_ref[...], pre, preferred_element_type=jnp.float32)
        + ba_ref[...], 0.0)


def _make_sc_gather(n_rows, d, n_idx):
    info = plsc.get_sparse_core_info()
    nc, ns = info.num_cores, info.num_subcores
    nw = nc * ns
    per_w = n_idx // nw
    chunk = 256
    n_chunks = per_w // chunk
    mesh = plsc.VectorSubcoreMesh(core_axis_name="c", subcore_axis_name="s")

    @functools.partial(
        pl.kernel, mesh=mesh,
        out_type=jax.ShapeDtypeStruct((n_idx, d), jnp.float32),
        scratch_types=[
            pltpu.VMEM((per_w,), jnp.int32),
            pltpu.VMEM((chunk, d), jnp.float32),
            pltpu.VMEM((chunk, d), jnp.float32),
            pltpu.SemaphoreType.DMA,
            pltpu.SemaphoreType.DMA,
        ],
    )
    def gather_kernel(table_hbm, idx_hbm, out_hbm, idx_v, rows0, rows1, s0, s1):
        wid = lax.axis_index("s") * nc + lax.axis_index("c")
        base = wid * per_w
        pltpu.sync_copy(idx_hbm.at[pl.ds(base, per_w)], idx_v)
        bufs = (rows0, rows1)
        sems = (s0, s1)
        descs = [None] * n_chunks
        descs[0] = pltpu.async_copy(
            table_hbm.at[idx_v.at[pl.ds(0, chunk)]], bufs[0], sems[0])
        for i in range(n_chunks):
            if i + 1 < n_chunks:
                descs[i + 1] = pltpu.async_copy(
                    table_hbm.at[idx_v.at[pl.ds((i + 1) * chunk, chunk)]],
                    bufs[(i + 1) % 2], sems[(i + 1) % 2])
            descs[i].wait()
            pltpu.sync_copy(bufs[i % 2],
                            out_hbm.at[pl.ds(base + i * chunk, chunk)])

    return gather_kernel


def kernel(x, W_s1, b_s1, W_s2, b_s2, W_s3, b_s3, W_a, b_a):
    b, c, n = x.shape
    groups = 32
    cpg = W_s2.shape[1]
    width = W_s1.shape[0]
    c_out = W_s3.shape[0]

    wn_t = jnp.transpose(W_s1[:, :c])
    wc_t = jnp.transpose(W_s1[:, c:])
    b1r = b_s1.reshape(1, width)

    bd_mask = jnp.kron(jnp.eye(groups, dtype=jnp.float32),
                       jnp.ones((cpg, cpg), jnp.float32))
    w2_tiled = jnp.tile(
        W_s2.reshape(groups, cpg, cpg).transpose(2, 0, 1).reshape(
            cpg, width), (groups, 1))
    w2_bd = bd_mask * w2_tiled
    w3_t = jnp.transpose(W_s3)
    b2r = b_s2.reshape(1, width)
    b3r = b_s3.reshape(1, c_out)
    bar = b_a.reshape(c_out, 1)

    gather_fn = _make_sc_gather(n, width, n * K)

    outs = []
    for bi in range(b):
        idx_b, y_b = pl.pallas_call(
            _knn_body,
            grid=(n // TILE_A,),
            in_specs=[
                pl.BlockSpec((1, c, TILE_A), lambda ti, bi=bi: (bi, 0, ti)),
                pl.BlockSpec((1, c, n), lambda ti, bi=bi: (bi, 0, 0)),
                pl.BlockSpec((c, width), lambda ti: (0, 0)),
            ],
            out_specs=[
                pl.BlockSpec((1, K, TILE_A), lambda ti: (0, 0, ti)),
                pl.BlockSpec((1, TILE_A, width), lambda ti: (0, ti, 0)),
            ],
            out_shape=[
                jax.ShapeDtypeStruct((1, K, n), jnp.int32),
                jax.ShapeDtypeStruct((1, n, width), jnp.float32),
            ],
        )(x, x, wn_t)

        g_b = gather_fn(y_b.reshape(n, width), idx_b.reshape(n * K))

        out_b = pl.pallas_call(
            _mlp_body,
            grid=(n // TILE_C,),
            in_specs=[
                pl.BlockSpec((K, TILE_C, width), lambda ti: (0, ti, 0)),
                pl.BlockSpec((1, c, TILE_C), lambda ti, bi=bi: (bi, 0, ti)),
                pl.BlockSpec((c, width), lambda ti: (0, 0)),
                pl.BlockSpec((1, width), lambda ti: (0, 0)),
                pl.BlockSpec((width, width), lambda ti: (0, 0)),
                pl.BlockSpec((1, width), lambda ti: (0, 0)),
                pl.BlockSpec((width, c_out), lambda ti: (0, 0)),
                pl.BlockSpec((1, c_out), lambda ti: (0, 0)),
                pl.BlockSpec((c_out, c), lambda ti: (0, 0)),
                pl.BlockSpec((c_out, 1), lambda ti: (0, 0)),
            ],
            out_specs=pl.BlockSpec((c_out, TILE_C), lambda ti: (0, ti)),
            out_shape=jax.ShapeDtypeStruct((c_out, n), jnp.float32),
        )(g_b.reshape(K, n, width), x, wc_t, b1r, w2_bd, b2r,
          w3_t, b3r, W_a, bar)
        outs.append(out_b)

    return jnp.stack(outs)

# --- scband reference (transcript-rebuilt; emitter-appended) ---
"""Pipeline reference for scband-gcne-xt-4861902979213 (READ-ONLY COPY).

The authoritative reference and input builder live on the scoring server;
editing this copy changes nothing except your own understanding.
"""

import jax, jax.numpy as jnp
import numpy as np

B, C_IN, N, K = 4, 128, 2048, 8
C_OUT = 128
GROUPS = 32
WIDTH = 4 * GROUPS  # width_group * groups = 128


def setup_inputs(seed: int = 0) -> dict:
    key = jax.random.key(seed)
    ks = jax.random.split(key, 9)

    def p(k, shape, fan_in):
        return jax.random.normal(k, shape, dtype=jnp.float32) * (1.0 / np.sqrt(fan_in))

    return {
        "x": jax.random.normal(ks[0], (B, C_IN, N), dtype=jnp.float32),
        "W_s1": p(ks[1], (WIDTH, 2 * C_IN), 2 * C_IN),
        "b_s1": jnp.zeros((WIDTH,), jnp.float32),
        "W_s2": p(ks[2], (WIDTH, WIDTH // GROUPS), WIDTH // GROUPS),
        "b_s2": jnp.zeros((WIDTH,), jnp.float32),
        "W_s3": p(ks[3], (C_OUT, WIDTH), WIDTH),
        "b_s3": jnp.zeros((C_OUT,), jnp.float32),
        "W_a": p(ks[4], (C_OUT, C_IN), C_IN),
        "b_a": jnp.zeros((C_OUT,), jnp.float32),
    }


def _knn(x, k):
    # x: [B, C, N]
    inner = -2.0 * jnp.matmul(jnp.transpose(x, (0, 2, 1)), x)  # [B, N, N]
    xx = jnp.sum(x * x, axis=1, keepdims=True)  # [B, 1, N]
    pairwise = -xx - inner - jnp.transpose(xx, (0, 2, 1))
    _, idx = jax.lax.top_k(pairwise, k)  # [B, N, k]
    return idx


def _graph_feature(x, k):
    # style=1: concat(neighbor_feat, center_feat)
    idx = _knn(x, k)  # [B, N, k] int32, values in [0, N)
    x_t = jnp.transpose(x, (0, 2, 1))  # [B, N, C]
    feature = jax.vmap(lambda xt, i: xt[i])(x_t, idx)  # gather -> [B, N, k, C]
    x_rep = jnp.broadcast_to(x_t[:, :, None, :], feature.shape)
    f = jnp.concatenate([feature, x_rep], axis=3)  # [B, N, k, 2C]
    return jnp.transpose(f, (0, 3, 1, 2))  # [B, 2C, N, k]


def reference(x, W_s1, b_s1, W_s2, b_s2, W_s3, b_s3, W_a, b_a):
    identity = x
    f = _graph_feature(x, K)  # [B, 2C, N, k]
    # sconvs: 1x1 conv -> relu -> grouped 1x1 conv -> relu -> 1x1 conv -> relu
    h = jax.nn.relu(jnp.einsum('oc,bcnk->bonk', W_s1, f) + b_s1[None, :, None, None])
    bsz, _, n, k = h.shape
    cpg = WIDTH // GROUPS
    hr = h.reshape(bsz, GROUPS, cpg, n, k)
    W2r = W_s2.reshape(GROUPS, cpg, cpg)
    h2 = jnp.einsum('gop,bgpnk->bgonk', W2r, hr).reshape(bsz, WIDTH, n, k)
    h2 = jax.nn.relu(h2 + b_s2[None, :, None, None])
    h3 = jax.nn.relu(jnp.einsum('oc,bcnk->bonk', W_s3, h2) + b_s3[None, :, None, None])
    sout = jnp.max(h3, axis=-1)  # max over k neighbors -> [B, C_out, N]
    # aconvs: 1x1 conv1d on (identity + sout)
    out = jnp.einsum('oc,bcn->bon', W_a, identity + sout) + b_a[None, :, None]
    return jax.nn.relu(out)

if __name__ == "__main__":
    import jax
    _d = setup_inputs()
    print(jax.jit(kernel)(*tuple(_d.values())))

</pallas_src>

<mosaic_0001>
#map = affine_map<(d0, d1) -> (0, 0)>
#map1 = affine_map<(d0, d1) -> (0)>
module attributes {stable_mosaic.version = 14 : i64} {
  func.func @gather_kernel(%arg0: i32, %arg1: i32, %arg2: memref<2048x128xf32, #tpu.memory_space<hbm>>, %arg3: memref<16384xi32, #tpu.memory_space<hbm>>, %arg4: memref<16384x128xf32, #tpu.memory_space<hbm>>, %arg5: memref<512xi32, #tpu.memory_space<vmem>>, %arg6: memref<256x128xf32, #tpu.memory_space<vmem>>, %arg7: memref<256x128xf32, #tpu.memory_space<vmem>>, %arg8: memref<!tpu.dma_semaphore, #tpu.memory_space<semaphore_mem>>, %arg9: memref<!tpu.dma_semaphore, #tpu.memory_space<semaphore_mem>>) attributes {dimension_semantics = [#tpu.dimension_semantics<core_parallel>, #tpu.dimension_semantics<subcore_parallel>], iteration_bounds = array<i64: 2, 16>, scalar_prefetch = 0 : i64, scratch_operands = 5 : i64, tpu.core_type = #tpu.core_type<sc_vector_subcore>, window_params = [{transform_indices = #map}, {transform_indices = #map1}, {transform_indices = #map}]} {
    %mul3A = arith.constant 2 : i32
    %mul3A_0 = arith.muli %arg1, %mul3A : i32
    %add3A = arith.addi %mul3A_0, %arg0 : i32
    %mul3A_1 = arith.constant 512 : i32
    %mul3A_2 = arith.muli %add3A, %mul3A_1 : i32
    "tpu.region"() ({
      %run_scoped3A = tpu.sem_alloc : memref<!tpu.dma_semaphore, #tpu.memory_space<semaphore_mem>>
      %dma_start3A_25 = tpu.memref_slice %arg3[%mul3A_2] : memref<16384xi32, #tpu.memory_space<hbm>> -> memref<512xi32, #tpu.memory_space<hbm>>
      %dma_start3A_26 = tpu.memref_slice %arg3[%mul3A_2] : memref<16384xi32, #tpu.memory_space<hbm>> -> memref<512xi32, #tpu.memory_space<hbm>>
      tpu.enqueue_dma source(%dma_start3A_26 : memref<512xi32, #tpu.memory_space<hbm>>) target(%arg5 : memref<512xi32, #tpu.memory_space<vmem>>) target_semaphore(%run_scoped3A : memref<!tpu.dma_semaphore, #tpu.memory_space<semaphore_mem>>)
      %dma_wait3A_27 = tpu.memref_slice %arg3[%mul3A_2] : memref<16384xi32, #tpu.memory_space<hbm>> -> memref<512xi32, #tpu.memory_space<hbm>>
      %dma_wait3A_28 = tpu.memref_slice %arg3[%mul3A_2] : memref<16384xi32, #tpu.memory_space<hbm>> -> memref<512xi32, #tpu.memory_space<hbm>>
      tpu.wait_dma2 semaphore(%run_scoped3A : memref<!tpu.dma_semaphore, #tpu.memory_space<semaphore_mem>>) src(%dma_wait3A_28 : memref<512xi32, #tpu.memory_space<hbm>>) dst(%arg5 : memref<512xi32, #tpu.memory_space<vmem>>)
      tpu.yield
    }) : () -> ()
    %dma_start3A = arith.constant 0 : i32
    %dma_start3A_3 = tpu.memref_slice %arg5[%dma_start3A] : memref<512xi32, #tpu.memory_space<vmem>> -> memref<256xi32, #tpu.memory_space<vmem>>
    %dma_start3A_4 = arith.constant 0 : i32
    %dma_start3A_5 = arith.constant 0 : i32
    %dma_start3A_6 = tpu.memref_slice %arg2[%dma_start3A_4, %dma_start3A_5] : memref<2048x128xf32, #tpu.memory_space<hbm>> -> memref<2048x128xf32, #tpu.memory_space<hbm>>
    tpu.enqueue_indirect_dma source(%dma_start3A_6 : memref<2048x128xf32, #tpu.memory_space<hbm>>) target(%arg6 : memref<256x128xf32, #tpu.memory_space<vmem>>) offsets(%dma_start3A_3 : memref<256xi32, #tpu.memory_space<vmem>>) semaphore(%arg8 : memref<!tpu.dma_semaphore, #tpu.memory_space<semaphore_mem>>)
    %dma_start3A_7 = arith.constant 256 : i32
    %dma_start3A_8 = tpu.memref_slice %arg5[%dma_start3A_7] : memref<512xi32, #tpu.memory_space<vmem>> -> memref<256xi32, #tpu.memory_space<vmem>>
    %dma_start3A_9 = arith.constant 0 : i32
    %dma_start3A_10 = arith.constant 0 : i32
    %dma_start3A_11 = tpu.memref_slice %arg2[%dma_start3A_9, %dma_start3A_10] : memref<2048x128xf32, #tpu.memory_space<hbm>> -> memref<2048x128xf32, #tpu.memory_space<hbm>>
    tpu.enqueue_indirect_dma source(%dma_start3A_11 : memref<2048x128xf32, #tpu.memory_space<hbm>>) target(%arg7 : memref<256x128xf32, #tpu.memory_space<vmem>>) offsets(%dma_start3A_8 : memref<256xi32, #tpu.memory_space<vmem>>) semaphore(%arg9 : memref<!tpu.dma_semaphore, #tpu.memory_space<semaphore_mem>>)
    %dma_wait3A = arith.constant 0 : i32
    %dma_wait3A_12 = tpu.memref_slice %arg5[%dma_wait3A] : memref<512xi32, #tpu.memory_space<vmem>> -> memref<256xi32, #tpu.memory_space<vmem>>
    %dma_wait3A_13 = arith.constant 0 : i32
    %dma_wait3A_14 = arith.constant 0 : i32
    %dma_wait3A_15 = tpu.memref_slice %arg2[%dma_wait3A_13, %dma_wait3A_14] : memref<2048x128xf32, #tpu.memory_space<hbm>> -> memref<2048x128xf32, #tpu.memory_space<hbm>>
    tpu.wait_indirect_dma semaphore(%arg8 : memref<!tpu.dma_semaphore, #tpu.memory_space<semaphore_mem>>) src(%dma_wait3A_15 : memref<2048x128xf32, #tpu.memory_space<hbm>>) dst(%arg6 : memref<256x128xf32, #tpu.memory_space<vmem>>)
    %add3A_16 = arith.constant 0 : i32
    %add3A_17 = arith.addi %mul3A_2, %add3A_16 : i32
    "tpu.region"() ({
      %run_scoped3A = tpu.sem_alloc : memref<!tpu.dma_semaphore, #tpu.memory_space<semaphore_mem>>
      %dma_start3A_25 = arith.constant 0 : i32
      %dma_start3A_26 = tpu.memref_slice %arg4[%add3A_17, %dma_start3A_25] : memref<16384x128xf32, #tpu.memory_space<hbm>> -> memref<256x128xf32, #tpu.memory_space<hbm>>
      %dma_start3A_27 = arith.constant 0 : i32
      %dma_start3A_28 = tpu.memref_slice %arg4[%add3A_17, %dma_start3A_27] : memref<16384x128xf32, #tpu.memory_space<hbm>> -> memref<256x128xf32, #tpu.memory_space<hbm>>
      tpu.enqueue_dma source(%arg6 : memref<256x128xf32, #tpu.memory_space<vmem>>) target(%dma_start3A_28 : memref<256x128xf32, #tpu.memory_space<hbm>>) target_semaphore(%run_scoped3A : memref<!tpu.dma_semaphore, #tpu.memory_space<semaphore_mem>>)
      %dma_wait3A_29 = arith.constant 0 : i32
      %dma_wait3A_30 = tpu.memref_slice %arg4[%add3A_17, %dma_wait3A_29] : memref<16384x128xf32, #tpu.memory_space<hbm>> -> memref<256x128xf32, #tpu.memory_space<hbm>>
      %dma_wait3A_31 = arith.constant 0 : i32
      %dma_wait3A_32 = tpu.memref_slice %arg4[%add3A_17, %dma_wait3A_31] : memref<16384x128xf32, #tpu.memory_space<hbm>> -> memref<256x128xf32, #tpu.memory_space<hbm>>
      tpu.wait_dma2 semaphore(%run_scoped3A : memref<!tpu.dma_semaphore, #tpu.memory_space<semaphore_mem>>) src(%arg6 : memref<256x128xf32, #tpu.memory_space<vmem>>) dst(%dma_wait3A_32 : memref<256x128xf32, #tpu.memory_space<hbm>>)
      tpu.yield
    }) : () -> ()
    %dma_wait3A_18 = arith.constant 256 : i32
    %dma_wait3A_19 = tpu.memref_slice %arg5[%dma_wait3A_18] : memref<512xi32, #tpu.memory_space<vmem>> -> memref<256xi32, #tpu.memory_space<vmem>>
    %dma_wait3A_20 = arith.constant 0 : i32
    %dma_wait3A_21 = arith.constant 0 : i32
    %dma_wait3A_22 = tpu.memref_slice %arg2[%dma_wait3A_20, %dma_wait3A_21] : memref<2048x128xf32, #tpu.memory_space<hbm>> -> memref<2048x128xf32, #tpu.memory_space<hbm>>
    tpu.wait_indirect_dma semaphore(%arg9 : memref<!tpu.dma_semaphore, #tpu.memory_space<semaphore_mem>>) src(%dma_wait3A_22 : memref<2048x128xf32, #tpu.memory_space<hbm>>) dst(%arg7 : memref<256x128xf32, #tpu.memory_space<vmem>>)
    %add3A_23 = arith.constant 256 : i32
    %add3A_24 = arith.addi %mul3A_2, %add3A_23 : i32
    "tpu.region"() ({
      %run_scoped3A = tpu.sem_alloc : memref<!tpu.dma_semaphore, #tpu.memory_space<semaphore_mem>>
      %dma_start3A_25 = arith.constant 0 : i32
      %dma_start3A_26 = tpu.memref_slice %arg4[%add3A_24, %dma_start3A_25] : memref<16384x128xf32, #tpu.memory_space<hbm>> -> memref<256x128xf32, #tpu.memory_space<hbm>>
      %dma_start3A_27 = arith.constant 0 : i32
      %dma_start3A_28 = tpu.memref_slice %arg4[%add3A_24, %dma_start3A_27] : memref<16384x128xf32, #tpu.memory_space<hbm>> -> memref<256x128xf32, #tpu.memory_space<hbm>>
      tpu.enqueue_dma source(%arg7 : memref<256x128xf32, #tpu.memory_space<vmem>>) target(%dma_start3A_28 : memref<256x128xf32, #tpu.memory_space<hbm>>) target_semaphore(%run_scoped3A : memref<!tpu.dma_semaphore, #tpu.memory_space<semaphore_mem>>)
      %dma_wait3A_29 = arith.constant 0 : i32
      %dma_wait3A_30 = tpu.memref_slice %arg4[%add3A_24, %dma_wait3A_29] : memref<16384x128xf32, #tpu.memory_space<hbm>> -> memref<256x128xf32, #tpu.memory_space<hbm>>
      %dma_wait3A_31 = arith.constant 0 : i32
      %dma_wait3A_32 = tpu.memref_slice %arg4[%add3A_24, %dma_wait3A_31] : memref<16384x128xf32, #tpu.memory_space<hbm>> -> memref<256x128xf32, #tpu.memory_space<hbm>>
      tpu.wait_dma2 semaphore(%run_scoped3A : memref<!tpu.dma_semaphore, #tpu.memory_space<semaphore_mem>>) src(%arg7 : memref<256x128xf32, #tpu.memory_space<vmem>>) dst(%dma_wait3A_32 : memref<256x128xf32, #tpu.memory_space<hbm>>)
      tpu.yield
    }) : () -> ()
    return
  }
}

#map = affine_map<(d0, d1) -> (0, 0)>
#map1 = affine_map<(d0, d1) -> (0)>
module attributes {stable_mosaic.version = 14 : i64} {
  func.func @gather_kernel(%arg0: i32, %arg1: i32, %arg2: memref<2048x128xf32, #tpu.memory_space<hbm>>, %arg3: memref<16384xi32, #tpu.memory_space<hbm>>, %arg4: memref<16384x128xf32, #tpu.memory_space<hbm>>, %arg5: memref<512xi32, #tpu.memory_space<vmem>>, %arg6: memref<256x128xf32, #tpu.memory_space<vmem>>, %arg7: memref<256x128xf32, #tpu.memory_space<vmem>>, %arg8: memref<!tpu.dma_semaphore, #tpu.memory_space<semaphore_mem>>, %arg9: memref<!tpu.dma_semaphore, #tpu.memory_space<semaphore_mem>>) attributes {dimension_semantics = [#tpu.dimension_semantics<core_parallel>, #tpu.dimension_semantics<subcore_parallel>], iteration_bounds = array<i64: 2, 16>, scalar_prefetch = 0 : i64, scratch_operands = 5 : i64, tpu.core_type = #tpu.core_type<sc_vector_subcore>, window_params = [{transform_indices = #map}, {transform_indices = #map1}, {transform_indices = #map}]} {
    %mul3A = arith.constant 2 : i32
    %mul3A_0 = arith.muli %arg1, %mul3A : i32
    %add3A = arith.addi %mul3A_0, %arg0 : i32
    %mul3A_1 = arith.constant 512 : i32
    %mul3A_2 = arith.muli %add3A, %mul3A_1 : i32
    "tpu.region"() ({
      %run_scoped3A = tpu.sem_alloc : memref<!tpu.dma_semaphore, #tpu.memory_space<semaphore_mem>>
      %dma_start3A_25 = tpu.memref_slice %arg3[%mul3A_2] : memref<16384xi32, #tpu.memory_space<hbm>> -> memref<512xi32, #tpu.memory_space<hbm>>
      %dma_start3A_26 = tpu.memref_slice %arg3[%mul3A_2] : memref<16384xi32, #tpu.memory_space<hbm>> -> memref<512xi32, #tpu.memory_space<hbm>>
      tpu.enqueue_dma source(%dma_start3A_26 : memref<512xi32, #tpu.memory_space<hbm>>) target(%arg5 : memref<512xi32, #tpu.memory_space<vmem>>) target_semaphore(%run_scoped3A : memref<!tpu.dma_semaphore, #tpu.memory_space<semaphore_mem>>)
      %dma_wait3A_27 = tpu.memref_slice %arg3[%mul3A_2] : memref<16384xi32, #tpu.memory_space<hbm>> -> memref<512xi32, #tpu.memory_space<hbm>>
      %dma_wait3A_28 = tpu.memref_slice %arg3[%mul3A_2] : memref<16384xi32, #tpu.memory_space<hbm>> -> memref<512xi32, #tpu.memory_space<hbm>>
      tpu.wait_dma2 semaphore(%run_scoped3A : memref<!tpu.dma_semaphore, #tpu.memory_space<semaphore_mem>>) src(%dma_wait3A_28 : memref<512xi32, #tpu.memory_space<hbm>>) dst(%arg5 : memref<512xi32, #tpu.memory_space<vmem>>)
      tpu.yield
    }) : () -> ()
    %dma_start3A = arith.constant 0 : i32
    %dma_start3A_3 = tpu.memref_slice %arg5[%dma_start3A] : memref<512xi32, #tpu.memory_space<vmem>> -> memref<256xi32, #tpu.memory_space<vmem>>
    %dma_start3A_4 = arith.constant 0 : i32
    %dma_start3A_5 = arith.constant 0 : i32
    %dma_start3A_6 = tpu.memref_slice %arg2[%dma_start3A_4, %dma_start3A_5] : memref<2048x128xf32, #tpu.memory_space<hbm>> -> memref<2048x128xf32, #tpu.memory_space<hbm>>
    tpu.enqueue_indirect_dma source(%dma_start3A_6 : memref<2048x128xf32, #tpu.memory_space<hbm>>) target(%arg6 : memref<256x128xf32, #tpu.memory_space<vmem>>) offsets(%dma_start3A_3 : memref<256xi32, #tpu.memory_space<vmem>>) semaphore(%arg8 : memref<!tpu.dma_semaphore, #tpu.memory_space<semaphore_mem>>)
    %dma_start3A_7 = arith.constant 256 : i32
    %dma_start3A_8 = tpu.memref_slice %arg5[%dma_start3A_7] : memref<512xi32, #tpu.memory_space<vmem>> -> memref<256xi32, #tpu.memory_space<vmem>>
    %dma_start3A_9 = arith.constant 0 : i32
    %dma_start3A_10 = arith.constant 0 : i32
    %dma_start3A_11 = tpu.memref_slice %arg2[%dma_start3A_9, %dma_start3A_10] : memref<2048x128xf32, #tpu.memory_space<hbm>> -> memref<2048x128xf32, #tpu.memory_space<hbm>>
    tpu.enqueue_indirect_dma source(%dma_start3A_11 : memref<2048x128xf32, #tpu.memory_space<hbm>>) target(%arg7 : memref<256x128xf32, #tpu.memory_space<vmem>>) offsets(%dma_start3A_8 : memref<256xi32, #tpu.memory_space<vmem>>) semaphore(%arg9 : memref<!tpu.dma_semaphore, #tpu.memory_space<semaphore_mem>>)
    %dma_wait3A = arith.constant 0 : i32
    %dma_wait3A_12 = tpu.memref_slice %arg5[%dma_wait3A] : memref<512xi32, #tpu.memory_space<vmem>> -> memref<256xi32, #tpu.memory_space<vmem>>
    %dma_wait3A_13 = arith.constant 0 : i32
    %dma_wait3A_14 = arith.constant 0 : i32
    %dma_wait3A_15 = tpu.memref_slice %arg2[%dma_wait3A_13, %dma_wait3A_14] : memref<2048x128xf32, #tpu.memory_space<hbm>> -> memref<2048x128xf32, #tpu.memory_space<hbm>>
    tpu.wait_indirect_dma semaphore(%arg8 : memref<!tpu.dma_semaphore, #tpu.memory_space<semaphore_mem>>) src(%dma_wait3A_15 : memref<2048x128xf32, #tpu.memory_space<hbm>>) dst(%arg6 : memref<256x128xf32, #tpu.memory_space<vmem>>)
    %add3A_16 = arith.constant 0 : i32
    %add3A_17 = arith.addi %mul3A_2, %add3A_16 : i32
    "tpu.region"() ({
      %run_scoped3A = tpu.sem_alloc : memref<!tpu.dma_semaphore, #tpu.memory_space<semaphore_mem>>
      %dma_start3A_25 = arith.constant 0 : i32
      %dma_start3A_26 = tpu.memref_slice %arg4[%add3A_17, %dma_start3A_25] : memref<16384x128xf32, #tpu.memory_space<hbm>> -> memref<256x128xf32, #tpu.memory_space<hbm>>
      %dma_start3A_27 = arith.constant 0 : i32
      %dma_start3A_28 = tpu.memref_slice %arg4[%add3A_17, %dma_start3A_27] : memref<16384x128xf32, #tpu.memory_space<hbm>> -> memref<256x128xf32, #tpu.memory_space<hbm>>
      tpu.enqueue_dma source(%arg6 : memref<256x128xf32, #tpu.memory_space<vmem>>) target(%dma_start3A_28 : memref<256x128xf32, #tpu.memory_space<hbm>>) target_semaphore(%run_scoped3A : memref<!tpu.dma_semaphore, #tpu.memory_space<semaphore_mem>>)
      %dma_wait3A_29 = arith.constant 0 : i32
      %dma_wait3A_30 = tpu.memref_slice %arg4[%add3A_17, %dma_wait3A_29] : memref<16384x128xf32, #tpu.memory_space<hbm>> -> memref<256x128xf32, #tpu.memory_space<hbm>>
      %dma_wait3A_31 = arith.constant 0 : i32
      %dma_wait3A_32 = tpu.memref_slice %arg4[%add3A_17, %dma_wait3A_31] : memref<16384x128xf32, #tpu.memory_space<hbm>> -> memref<256x128xf32, #tpu.memory_space<hbm>>
      tpu.wait_dma2 semaphore(%run_scoped3A : memref<!tpu.dma_semaphore, #tpu.memory_space<semaphore_mem>>) src(%arg6 : memref<256x128xf32, #tpu.memory_space<vmem>>) dst(%dma_wait3A_32 : memref<256x128xf32, #tpu.memory_space<hbm>>)
      tpu.yield
    }) : () -> ()
    %dma_wait3A_18 = arith.constant 256 : i32
    %dma_wait3A_19 = tpu.memref_slice %arg5[%dma_wait3A_18] : memref<512xi32, #tpu.memory_space<vmem>> -> memref<256xi32, #tpu.memory_space<vmem>>
    %dma_wait3A_20 = arith.constant 0 : i32
    %dma_wait3A_21 = arith.constant 0 : i32
    %dma_wait3A_22 = tpu.memref_slice %arg2[%dma_wait3A_20, %dma_wait3A_21] : memref<2048x128xf32, #tpu.memory_space<hbm>> -> memref<2048x128xf32, #tpu.memory_space<hbm>>
    tpu.wait_indirect_dma semaphore(%arg9 : memref<!tpu.dma_semaphore, #tpu.memory_space<semaphore_mem>>) src(%dma_wait3A_22 : memref<2048x128xf32, #tpu.memory_space<hbm>>) dst(%arg7 : memref<256x128xf32, #tpu.memory_space<vmem>>)
    %add3A_23 = arith.constant 256 : i32
    %add3A_24 = arith.addi %mul3A_2, %add3A_23 : i32
    "tpu.region"() ({
      %run_scoped3A = tpu.sem_alloc : memref<!tpu.dma_semaphore, #tpu.memory_space<semaphore_mem>>
      %dma_start3A_25 = arith.constant 0 : i32
      %dma_start3A_26 = tpu.memref_slice %arg4[%add3A_24, %dma_start3A_25] : memref<16384x128xf32, #tpu.memory_space<hbm>> -> memref<256x128xf32, #tpu.memory_space<hbm>>
      %dma_start3A_27 = arith.constant 0 : i32
      %dma_start3A_28 = tpu.memref_slice %arg4[%add3A_24, %dma_start3A_27] : memref<16384x128xf32, #tpu.memory_space<hbm>> -> memref<256x128xf32, #tpu.memory_space<hbm>>
      tpu.enqueue_dma source(%arg7 : memref<256x128xf32, #tpu.memory_space<vmem>>) target(%dma_start3A_28 : memref<256x128xf32, #tpu.memory_space<hbm>>) target_semaphore(%run_scoped3A : memref<!tpu.dma_semaphore, #tpu.memory_space<semaphore_mem>>)
      %dma_wait3A_29 = arith.constant 0 : i32
      %dma_wait3A_30 = tpu.memref_slice %arg4[%add3A_24, %dma_wait3A_29] : memref<16384x128xf32, #tpu.memory_space<hbm>> -> memref<256x128xf32, #tpu.memory_space<hbm>>
      %dma_wait3A_31 = arith.constant 0 : i32
      %dma_wait3A_32 = tpu.memref_slice %arg4[%add3A_24, %dma_wait3A_31] : memref<16384x128xf32, #tpu.memory_space<hbm>> -> memref<256x128xf32, #tpu.memory_space<hbm>>
      tpu.wait_dma2 semaphore(%run_scoped3A : memref<!tpu.dma_semaphore, #tpu.memory_space<semaphore_mem>>) src(%arg7 : memref<256x128xf32, #tpu.memory_space<vmem>>) dst(%dma_wait3A_32 : memref<256x128xf32, #tpu.memory_space<hbm>>)
      tpu.yield
    }) : () -> ()
    return
  }
}

#map = affine_map<(d0, d1) -> (0, 0)>
#map1 = affine_map<(d0, d1) -> (0)>
module attributes {stable_mosaic.version = 14 : i64} {
  func.func @gather_kernel(%arg0: i32, %arg1: i32, %arg2: memref<2048x128xf32, #tpu.memory_space<hbm>>, %arg3: memref<16384xi32, #tpu.memory_space<hbm>>, %arg4: memref<16384x128xf32, #tpu.memory_space<hbm>>, %arg5: memref<512xi32, #tpu.memory_space<vmem>>, %arg6: memref<256x128xf32, #tpu.memory_space<vmem>>, %arg7: memref<256x128xf32, #tpu.memory_space<vmem>>, %arg8: memref<!tpu.dma_semaphore, #tpu.memory_space<semaphore_mem>>, %arg9: memref<!tpu.dma_semaphore, #tpu.memory_space<semaphore_mem>>) attributes {dimension_semantics = [#tpu.dimension_semantics<core_parallel>, #tpu.dimension_semantics<subcore_parallel>], iteration_bounds = array<i64: 2, 16>, scalar_prefetch = 0 : i64, scratch_operands = 5 : i64, tpu.core_type = #tpu.core_type<sc_vector_subcore>, window_params = [{transform_indices = #map}, {transform_indices = #map1}, {transform_indices = #map}]} {
    %mul3A = arith.constant 2 : i32
    %mul3A_0 = arith.muli %arg1, %mul3A : i32
    %add3A = arith.addi %mul3A_0, %arg0 : i32
    %mul3A_1 = arith.constant 512 : i32
    %mul3A_2 = arith.muli %add3A, %mul3A_1 : i32
    "tpu.region"() ({
      %run_scoped3A = tpu.sem_alloc : memref<!tpu.dma_semaphore, #tpu.memory_space<semaphore_mem>>
      %dma_start3A_25 = tpu.memref_slice %arg3[%mul3A_2] : memref<16384xi32, #tpu.memory_space<hbm>> -> memref<512xi32, #tpu.memory_space<hbm>>
      %dma_start3A_26 = tpu.memref_slice %arg3[%mul3A_2] : memref<16384xi32, #tpu.memory_space<hbm>> -> memref<512xi32, #tpu.memory_space<hbm>>
      tpu.enqueue_dma source(%dma_start3A_26 : memref<512xi32, #tpu.memory_space<hbm>>) target(%arg5 : memref<512xi32, #tpu.memory_space<vmem>>) target_semaphore(%run_scoped3A : memref<!tpu.dma_semaphore, #tpu.memory_space<semaphore_mem>>)
      %dma_wait3A_27 = tpu.memref_slice %arg3[%mul3A_2] : memref<16384xi32, #tpu.memory_space<hbm>> -> memref<512xi32, #tpu.memory_space<hbm>>
      %dma_wait3A_28 = tpu.memref_slice %arg3[%mul3A_2] : memref<16384xi32, #tpu.memory_space<hbm>> -> memref<512xi32, #tpu.memory_space<hbm>>
      tpu.wait_dma2 semaphore(%run_scoped3A : memref<!tpu.dma_semaphore, #tpu.memory_space<semaphore_mem>>) src(%dma_wait3A_28 : memref<512xi32, #tpu.memory_space<hbm>>) dst(%arg5 : memref<512xi32, #tpu.memory_space<vmem>>)
      tpu.yield
    }) : () -> ()
    %dma_start3A = arith.constant 0 : i32
    %dma_start3A_3 = tpu.memref_slice %arg5[%dma_start3A] : memref<512xi32, #tpu.memory_space<vmem>> -> memref<256xi32, #tpu.memory_space<vmem>>
    %dma_start3A_4 = arith.constant 0 : i32
    %dma_start3A_5 = arith.constant 0 : i32
    %dma_start3A_6 = tpu.memref_slice %arg2[%dma_start3A_4, %dma_start3A_5] : memref<2048x128xf32, #tpu.memory_space<hbm>> -> memref<2048x128xf32, #tpu.memory_space<hbm>>
    tpu.enqueue_indirect_dma source(%dma_start3A_6 : memref<2048x128xf32, #tpu.memory_space<hbm>>) target(%arg6 : memref<256x128xf32, #tpu.memory_space<vmem>>) offsets(%dma_start3A_3 : memref<256xi32, #tpu.memory_space<vmem>>) semaphore(%arg8 : memref<!tpu.dma_semaphore, #tpu.memory_space<semaphore_mem>>)
    %dma_start3A_7 = arith.constant 256 : i32
    %dma_start3A_8 = tpu.memref_slice %arg5[%dma_start3A_7] : memref<512xi32, #tpu.memory_space<vmem>> -> memref<256xi32, #tpu.memory_space<vmem>>
    %dma_start3A_9 = arith.constant 0 : i32
    %dma_start3A_10 = arith.constant 0 : i32
    %dma_start3A_11 = tpu.memref_slice %arg2[%dma_start3A_9, %dma_start3A_10] : memref<2048x128xf32, #tpu.memory_space<hbm>> -> memref<2048x128xf32, #tpu.memory_space<hbm>>
    tpu.enqueue_indirect_dma source(%dma_start3A_11 : memref<2048x128xf32, #tpu.memory_space<hbm>>) target(%arg7 : memref<256x128xf32, #tpu.memory_space<vmem>>) offsets(%dma_start3A_8 : memref<256xi32, #tpu.memory_space<vmem>>) semaphore(%arg9 : memref<!tpu.dma_semaphore, #tpu.memory_space<semaphore_mem>>)
    %dma_wait3A = arith.constant 0 : i32
    %dma_wait3A_12 = tpu.memref_slice %arg5[%dma_wait3A] : memref<512xi32, #tpu.memory_space<vmem>> -> memref<256xi32, #tpu.memory_space<vmem>>
    %dma_wait3A_13 = arith.constant 0 : i32
    %dma_wait3A_14 = arith.constant 0 : i32
    %dma_wait3A_15 = tpu.memref_slice %arg2[%dma_wait3A_13, %dma_wait3A_14] : memref<2048x128xf32, #tpu.memory_space<hbm>> -> memref<2048x128xf32, #tpu.memory_space<hbm>>
    tpu.wait_indirect_dma semaphore(%arg8 : memref<!tpu.dma_semaphore, #tpu.memory_space<semaphore_mem>>) src(%dma_wait3A_15 : memref<2048x128xf32, #tpu.memory_space<hbm>>) dst(%arg6 : memref<256x128xf32, #tpu.memory_space<vmem>>)
    %add3A_16 = arith.constant 0 : i32
    %add3A_17 = arith.addi %mul3A_2, %add3A_16 : i32
    "tpu.region"() ({
      %run_scoped3A = tpu.sem_alloc : memref<!tpu.dma_semaphore, #tpu.memory_space<semaphore_mem>>
      %dma_start3A_25 = arith.constant 0 : i32
      %dma_start3A_26 = tpu.memref_slice %arg4[%add3A_17, %dma_start3A_25] : memref<16384x128xf32, #tpu.memory_space<hbm>> -> memref<256x128xf32, #tpu.memory_space<hbm>>
      %dma_start3A_27 = arith.constant 0 : i32
      %dma_start3A_28 = tpu.memref_slice %arg4[%add3A_17, %dma_start3A_27] : memref<16384x128xf32, #tpu.memory_space<hbm>> -> memref<256x128xf32, #tpu.memory_space<hbm>>
      tpu.enqueue_dma source(%arg6 : memref<256x128xf32, #tpu.memory_space<vmem>>) target(%dma_start3A_28 : memref<256x128xf32, #tpu.memory_space<hbm>>) target_semaphore(%run_scoped3A : memref<!tpu.dma_semaphore, #tpu.memory_space<semaphore_mem>>)
      %dma_wait3A_29 = arith.constant 0 : i32
      %dma_wait3A_30 = tpu.memref_slice %arg4[%add3A_17, %dma_wait3A_29] : memref<16384x128xf32, #tpu.memory_space<hbm>> -> memref<256x128xf32, #tpu.memory_space<hbm>>
      %dma_wait3A_31 = arith.constant 0 : i32
      %dma_wait3A_32 = tpu.memref_slice %arg4[%add3A_17, %dma_wait3A_31] : memref<16384x128xf32, #tpu.memory_space<hbm>> -> memref<256x128xf32, #tpu.memory_space<hbm>>
      tpu.wait_dma2 semaphore(%run_scoped3A : memref<!tpu.dma_semaphore, #tpu.memory_space<semaphore_mem>>) src(%arg6 : memref<256x128xf32, #tpu.memory_space<vmem>>) dst(%dma_wait3A_32 : memref<256x128xf32, #tpu.memory_space<hbm>>)
      tpu.yield
    }) : () -> ()
    %dma_wait3A_18 = arith.constant 256 : i32
    %dma_wait3A_19 = tpu.memref_slice %arg5[%dma_wait3A_18] : memref<512xi32, #tpu.memory_space<vmem>> -> memref<256xi32, #tpu.memory_space<vmem>>
    %dma_wait3A_20 = arith.constant 0 : i32
    %dma_wait3A_21 = arith.constant 0 : i32
    %dma_wait3A_22 = tpu.memref_slice %arg2[%dma_wait3A_20, %dma_wait3A_21] : memref<2048x128xf32, #tpu.memory_space<hbm>> -> memref<2048x128xf32, #tpu.memory_space<hbm>>
    tpu.wait_indirect_dma semaphore(%arg9 : memref<!tpu.dma_semaphore, #tpu.memory_space<semaphore_mem>>) src(%dma_wait3A_22 : memref<2048x128xf32, #tpu.memory_space<hbm>>) dst(%arg7 : memref<256x128xf32, #tpu.memory_space<vmem>>)
    %add3A_23 = arith.constant 256 : i32
    %add3A_24 = arith.addi %mul3A_2, %add3A_23 : i32
    "tpu.region"() ({
      %run_scoped3A = tpu.sem_alloc : memref<!tpu.dma_semaphore, #tpu.memory_space<semaphore_mem>>
      %dma_start3A_25 = arith.constant 0 : i32
      %dma_start3A_26 = tpu.memref_slice %arg4[%add3A_24, %dma_start3A_25] : memref<16384x128xf32, #tpu.memory_space<hbm>> -> memref<256x128xf32, #tpu.memory_space<hbm>>
      %dma_start3A_27 = arith.constant 0 : i32
      %dma_start3A_28 = tpu.memref_slice %arg4[%add3A_24, %dma_start3A_27] : memref<16384x128xf32, #tpu.memory_space<hbm>> -> memref<256x128xf32, #tpu.memory_space<hbm>>
      tpu.enqueue_dma source(%arg7 : memref<256x128xf32, #tpu.memory_space<vmem>>) target(%dma_start3A_28 : memref<256x128xf32, #tpu.memory_space<hbm>>) target_semaphore(%run_scoped3A : memref<!tpu.dma_semaphore, #tpu.memory_space<semaphore_mem>>)
      %dma_wait3A_29 = arith.constant 0 : i32
      %dma_wait3A_30 = tpu.memref_slice %arg4[%add3A_24, %dma_wait3A_29] : memref<16384x128xf32, #tpu.memory_space<hbm>> -> memref<256x128xf32, #tpu.memory_space<hbm>>
      %dma_wait3A_31 = arith.constant 0 : i32
      %dma_wait3A_32 = tpu.memref_slice %arg4[%add3A_24, %dma_wait3A_31] : memref<16384x128xf32, #tpu.memory_space<hbm>> -> memref<256x128xf32, #tpu.memory_space<hbm>>
      tpu.wait_dma2 semaphore(%run_scoped3A : memref<!tpu.dma_semaphore, #tpu.memory_space<semaphore_mem>>) src(%arg7 : memref<256x128xf32, #tpu.memory_space<vmem>>) dst(%dma_wait3A_32 : memref<256x128xf32, #tpu.memory_space<hbm>>)
      tpu.yield
    }) : () -> ()
    return
  }
}

#map = affine_map<(d0, d1) -> (0, 0)>
#map1 = affine_map<(d0, d1) -> (0)>
module attributes {stable_mosaic.version = 14 : i64} {
  func.func @gather_kernel(%arg0: i32, %arg1: i32, %arg2: memref<2048x128xf32, #tpu.memory_space<hbm>>, %arg3: memref<16384xi32, #tpu.memory_space<hbm>>, %arg4: memref<16384x128xf32, #tpu.memory_space<hbm>>, %arg5: memref<512xi32, #tpu.memory_space<vmem>>, %arg6: memref<256x128xf32, #tpu.memory_space<vmem>>, %arg7: memref<256x128xf32, #tpu.memory_space<vmem>>, %arg8: memref<!tpu.dma_semaphore, #tpu.memory_space<semaphore_mem>>, %arg9: memref<!tpu.dma_semaphore, #tpu.memory_space<semaphore_mem>>) attributes {dimension_semantics = [#tpu.dimension_semantics<core_parallel>, #tpu.dimension_semantics<subcore_parallel>], iteration_bounds = array<i64: 2, 16>, scalar_prefetch = 0 : i64, scratch_operands = 5 : i64, tpu.core_type = #tpu.core_type<sc_vector_subcore>, window_params = [{transform_indices = #map}, {transform_indices = #map1}, {transform_indices = #map}]} {
    %mul3A = arith.constant 2 : i32
    %mul3A_0 = arith.muli %arg1, %mul3A : i32
    %add3A = arith.addi %mul3A_0, %arg0 : i32
    %mul3A_1 = arith.constant 512 : i32
    %mul3A_2 = arith.muli %add3A, %mul3A_1 : i32
    "tpu.region"() ({
      %run_scoped3A = tpu.sem_alloc : memref<!tpu.dma_semaphore, #tpu.memory_space<semaphore_mem>>
      %dma_start3A_25 = tpu.memref_slice %arg3[%mul3A_2] : memref<16384xi32, #tpu.memory_space<hbm>> -> memref<512xi32, #tpu.memory_space<hbm>>
      %dma_start3A_26 = tpu.memref_slice %arg3[%mul3A_2] : memref<16384xi32, #tpu.memory_space<hbm>> -> memref<512xi32, #tpu.memory_space<hbm>>
      tpu.enqueue_dma source(%dma_start3A_26 : memref<512xi32, #tpu.memory_space<hbm>>) target(%arg5 : memref<512xi32, #tpu.memory_space<vmem>>) target_semaphore(%run_scoped3A : memref<!tpu.dma_semaphore, #tpu.memory_space<semaphore_mem>>)
      %dma_wait3A_27 = tpu.memref_slice %arg3[%mul3A_2] : memref<16384xi32, #tpu.memory_space<hbm>> -> memref<512xi32, #tpu.memory_space<hbm>>
      %dma_wait3A_28 = tpu.memref_slice %arg3[%mul3A_2] : memref<16384xi32, #tpu.memory_space<hbm>> -> memref<512xi32, #tpu.memory_space<hbm>>
      tpu.wait_dma2 semaphore(%run_scoped3A : memref<!tpu.dma_semaphore, #tpu.memory_space<semaphore_mem>>) src(%dma_wait3A_28 : memref<512xi32, #tpu.memory_space<hbm>>) dst(%arg5 : memref<512xi32, #tpu.memory_space<vmem>>)
      tpu.yield
    }) : () -> ()
    %dma_start3A = arith.constant 0 : i32
    %dma_start3A_3 = tpu.memref_slice %arg5[%dma_start3A] : memref<512xi32, #tpu.memory_space<vmem>> -> memref<256xi32, #tpu.memory_space<vmem>>
    %dma_start3A_4 = arith.constant 0 : i32
    %dma_start3A_5 = arith.constant 0 : i32
    %dma_start3A_6 = tpu.memref_slice %arg2[%dma_start3A_4, %dma_start3A_5] : memref<2048x128xf32, #tpu.memory_space<hbm>> -> memref<2048x128xf32, #tpu.memory_space<hbm>>
    tpu.enqueue_indirect_dma source(%dma_start3A_6 : memref<2048x128xf32, #tpu.memory_space<hbm>>) target(%arg6 : memref<256x128xf32, #tpu.memory_space<vmem>>) offsets(%dma_start3A_3 : memref<256xi32, #tpu.memory_space<vmem>>) semaphore(%arg8 : memref<!tpu.dma_semaphore, #tpu.memory_space<semaphore_mem>>)
    %dma_start3A_7 = arith.constant 256 : i32
    %dma_start3A_8 = tpu.memref_slice %arg5[%dma_start3A_7] : memref<512xi32, #tpu.memory_space<vmem>> -> memref<256xi32, #tpu.memory_space<vmem>>
    %dma_start3A_9 = arith.constant 0 : i32
    %dma_start3A_10 = arith.constant 0 : i32
    %dma_start3A_11 = tpu.memref_slice %arg2[%dma_start3A_9, %dma_start3A_10] : memref<2048x128xf32, #tpu.memory_space<hbm>> -> memref<2048x128xf32, #tpu.memory_space<hbm>>
    tpu.enqueue_indirect_dma source(%dma_start3A_11 : memref<2048x128xf32, #tpu.memory_space<hbm>>) target(%arg7 : memref<256x128xf32, #tpu.memory_space<vmem>>) offsets(%dma_start3A_8 : memref<256xi32, #tpu.memory_space<vmem>>) semaphore(%arg9 : memref<!tpu.dma_semaphore, #tpu.memory_space<semaphore_mem>>)
    %dma_wait3A = arith.constant 0 : i32
    %dma_wait3A_12 = tpu.memref_slice %arg5[%dma_wait3A] : memref<512xi32, #tpu.memory_space<vmem>> -> memref<256xi32, #tpu.memory_space<vmem>>
    %dma_wait3A_13 = arith.constant 0 : i32
    %dma_wait3A_14 = arith.constant 0 : i32
    %dma_wait3A_15 = tpu.memref_slice %arg2[%dma_wait3A_13, %dma_wait3A_14] : memref<2048x128xf32, #tpu.memory_space<hbm>> -> memref<2048x128xf32, #tpu.memory_space<hbm>>
    tpu.wait_indirect_dma semaphore(%arg8 : memref<!tpu.dma_semaphore, #tpu.memory_space<semaphore_mem>>) src(%dma_wait3A_15 : memref<2048x128xf32, #tpu.memory_space<hbm>>) dst(%arg6 : memref<256x128xf32, #tpu.memory_space<vmem>>)
    %add3A_16 = arith.constant 0 : i32
    %add3A_17 = arith.addi %mul3A_2, %add3A_16 : i32
    "tpu.region"() ({
      %run_scoped3A = tpu.sem_alloc : memref<!tpu.dma_semaphore, #tpu.memory_space<semaphore_mem>>
      %dma_start3A_25 = arith.constant 0 : i32
      %dma_start3A_26 = tpu.memref_slice %arg4[%add3A_17, %dma_start3A_25] : memref<16384x128xf32, #tpu.memory_space<hbm>> -> memref<256x128xf32, #tpu.memory_space<hbm>>
      %dma_start3A_27 = arith.constant 0 : i32
      %dma_start3A_28 = tpu.memref_slice %arg4[%add3A_17, %dma_start3A_27] : memref<16384x128xf32, #tpu.memory_space<hbm>> -> memref<256x128xf32, #tpu.memory_space<hbm>>
      tpu.enqueue_dma source(%arg6 : memref<256x128xf32, #tpu.memory_space<vmem>>) target(%dma_start3A_28 : memref<256x128xf32, #tpu.memory_space<hbm>>) target_semaphore(%run_scoped3A : memref<!tpu.dma_semaphore, #tpu.memory_space<semaphore_mem>>)
      %dma_wait3A_29 = arith.constant 0 : i32
      %dma_wait3A_30 = tpu.memref_slice %arg4[%add3A_17, %dma_wait3A_29] : memref<16384x128xf32, #tpu.memory_space<hbm>> -> memref<256x128xf32, #tpu.memory_space<hbm>>
      %dma_wait3A_31 = arith.constant 0 : i32
      %dma_wait3A_32 = tpu.memref_slice %arg4[%add3A_17, %dma_wait3A_31] : memref<16384x128xf32, #tpu.memory_space<hbm>> -> memref<256x128xf32, #tpu.memory_space<hbm>>
      tpu.wait_dma2 semaphore(%run_scoped3A : memref<!tpu.dma_semaphore, #tpu.memory_space<semaphore_mem>>) src(%arg6 : memref<256x128xf32, #tpu.memory_space<vmem>>) dst(%dma_wait3A_32 : memref<256x128xf32, #tpu.memory_space<hbm>>)
      tpu.yield
    }) : () -> ()
    %dma_wait3A_18 = arith.constant 256 : i32
    %dma_wait3A_19 = tpu.memref_slice %arg5[%dma_wait3A_18] : memref<512xi32, #tpu.memory_space<vmem>> -> memref<256xi32, #tpu.memory_space<vmem>>
    %dma_wait3A_20 = arith.constant 0 : i32
    %dma_wait3A_21 = arith.constant 0 : i32
    %dma_wait3A_22 = tpu.memref_slice %arg2[%dma_wait3A_20, %dma_wait3A_21] : memref<2048x128xf32, #tpu.memory_space<hbm>> -> memref<2048x128xf32, #tpu.memory_space<hbm>>
    tpu.wait_indirect_dma semaphore(%arg9 : memref<!tpu.dma_semaphore, #tpu.memory_space<semaphore_mem>>) src(%dma_wait3A_22 : memref<2048x128xf32, #tpu.memory_space<hbm>>) dst(%arg7 : memref<256x128xf32, #tpu.memory_space<vmem>>)
    %add3A_23 = arith.constant 256 : i32
    %add3A_24 = arith.addi %mul3A_2, %add3A_23 : i32
    "tpu.region"() ({
      %run_scoped3A = tpu.sem_alloc : memref<!tpu.dma_semaphore, #tpu.memory_space<semaphore_mem>>
      %dma_start3A_25 = arith.constant 0 : i32
      %dma_start3A_26 = tpu.memref_slice %arg4[%add3A_24, %dma_start3A_25] : memref<16384x128xf32, #tpu.memory_space<hbm>> -> memref<256x128xf32, #tpu.memory_space<hbm>>
      %dma_start3A_27 = arith.constant 0 : i32
      %dma_start3A_28 = tpu.memref_slice %arg4[%add3A_24, %dma_start3A_27] : memref<16384x128xf32, #tpu.memory_space<hbm>> -> memref<256x128xf32, #tpu.memory_space<hbm>>
      tpu.enqueue_dma source(%arg7 : memref<256x128xf32, #tpu.memory_space<vmem>>) target(%dma_start3A_28 : memref<256x128xf32, #tpu.memory_space<hbm>>) target_semaphore(%run_scoped3A : memref<!tpu.dma_semaphore, #tpu.memory_space<semaphore_mem>>)
      %dma_wait3A_29 = arith.constant 0 : i32
      %dma_wait3A_30 = tpu.memref_slice %arg4[%add3A_24, %dma_wait3A_29] : memref<16384x128xf32, #tpu.memory_space<hbm>> -> memref<256x128xf32, #tpu.memory_space<hbm>>
      %dma_wait3A_31 = arith.constant 0 : i32
      %dma_wait3A_32 = tpu.memref_slice %arg4[%add3A_24, %dma_wait3A_31] : memref<16384x128xf32, #tpu.memory_space<hbm>> -> memref<256x128xf32, #tpu.memory_space<hbm>>
      tpu.wait_dma2 semaphore(%run_scoped3A : memref<!tpu.dma_semaphore, #tpu.memory_space<semaphore_mem>>) src(%arg7 : memref<256x128xf32, #tpu.memory_space<vmem>>) dst(%dma_wait3A_32 : memref<256x128xf32, #tpu.memory_space<hbm>>)
      tpu.yield
    }) : () -> ()
    return
  }
}

module attributes {stable_mosaic.version = 14 : i64} {
  func.func @_knn_body(%arg0: i32, %arg1: memref<1x128x512xf32, #tpu.memory_space<vmem>>, %arg2: memref<1x128x2048xf32, #tpu.memory_space<vmem>>, %arg3: memref<128x128xf32, #tpu.memory_space<vmem>>, %arg4: memref<1x8x512xi32, #tpu.memory_space<vmem>>, %arg5: memref<1x512x128xf32, #tpu.memory_space<vmem>>) attributes {dimension_semantics = [#tpu.dimension_semantics<arbitrary>], iteration_bounds = array<i64: 4>, scalar_prefetch = 0 : i64, scratch_operands = 0 : i64, tpu.core_type = #tpu.core_type<tc>, window_params = [{transform_indices = @transform_0, window_bounds = array<i64: 1, 128, 512>}, {transform_indices = @transform_1, window_bounds = array<i64: 1, 128, 2048>}, {pipeline_mode = #tpu.pipeline_mode<synchronous>, transform_indices = @transform_2, window_bounds = array<i64: 128, 128>}, {transform_indices = @transform_3, window_bounds = array<i64: 1, 8, 512>}, {transform_indices = @transform_4, window_bounds = array<i64: 1, 512, 128>}]} {
    %get3A = arith.constant 0 : index
    %get3A_0 = arith.constant 0 : index
    %get3A_1 = arith.constant 0 : index
    %get3A_2 = vector.load %arg1[%get3A, %get3A_0, %get3A_1] : memref<1x128x512xf32, #tpu.memory_space<vmem>>, vector<1x128x512xf32>
    %get3A_3 = vector.shape_cast %get3A_2 : vector<1x128x512xf32> to vector<128x512xf32>
    %get3A_4 = arith.constant 0 : index
    %get3A_5 = arith.constant 0 : index
    %get3A_6 = arith.constant 0 : index
    %get3A_7 = vector.load %arg2[%get3A_4, %get3A_5, %get3A_6] : memref<1x128x2048xf32, #tpu.memory_space<vmem>>, vector<1x128x2048xf32>
    %get3A_8 = vector.shape_cast %get3A_7 : vector<1x128x2048xf32> to vector<128x2048xf32>
    %dot_general3A = arith.constant dense<0.000000e+00> : vector<512x2048xf32>
    %dot_general3A_9 = tpu.matmul %get3A_3, %get3A_8, %dot_general3A {dimension_numbers = #tpu.dot_dimension_numbers<[0], [0], [1], [1], [0, 1, 1, 1], [], []>, transpose_lhs_hint = false} : vector<128x512xf32>, vector<128x2048xf32>, vector<512x2048xf32> -> vector<512x2048xf32>
    %mul3A = arith.constant -2.000000e+00 : f32
    %mul3A_10 = vector.broadcast %mul3A : f32 to vector<512x2048xf32>
    %mul3A_11 = arith.mulf %mul3A_10, %dot_general3A_9 : vector<512x2048xf32>
    %mul3A_12 = arith.mulf %get3A_8, %get3A_8 : vector<128x2048xf32>
    %reduce_sum3A = arith.constant dense<0.000000e+00> : vector<2048xf32>
    %reduce_sum3A_13 = vector.multi_reduction <add>, %mul3A_12, %reduce_sum3A [0] : vector<128x2048xf32> to vector<2048xf32>
    %broadcast_in_dim3A = vector.shape_cast %reduce_sum3A_13 : vector<2048xf32> to vector<1x2048xf32>
    %mul3A_14 = arith.mulf %get3A_3, %get3A_3 : vector<128x512xf32>
    %reduce_sum3A_15 = arith.constant dense<0.000000e+00> : vector<512xf32>
    %reduce_sum3A_16 = vector.multi_reduction <add>, %mul3A_14, %reduce_sum3A_15 [0] : vector<128x512xf32> to vector<512xf32>
    %broadcast_in_dim3A_17 = vector.shape_cast %reduce_sum3A_16 : vector<512xf32> to vector<1x512xf32>
    %transpose3A = tpu.transpose %broadcast_in_dim3A_17, [1, 0] : vector<1x512xf32> -> vector<512x1xf32>
    %sub3A = arith.constant 0.000000e+00 : f32
    %sub3A_18 = vector.broadcast %sub3A : f32 to vector<512x1xf32>
    %sub3A_19 = arith.subf %sub3A_18, %transpose3A : vector<512x1xf32>
    %sub3A_20 = vector.broadcast %sub3A_19 : vector<512x1xf32> to vector<512x2048xf32>
    %sub3A_21 = arith.subf %sub3A_20, %mul3A_11 : vector<512x2048xf32>
    %sub3A_22 = vector.broadcast %broadcast_in_dim3A : vector<1x2048xf32> to vector<512x2048xf32>
    %sub3A_23 = arith.subf %sub3A_21, %sub3A_22 : vector<512x2048xf32>
    %iota3A = tpu.iota {dimensions = array<i32: 1>} : vector<512x2048xi32>
    %convert_element_type3A = arith.sitofp %iota3A : vector<512x2048xi32> to vector<512x2048xf32>
    %reduce_max3A = arith.constant dense<0xFF800000> : vector<512xf32>
    %reduce_max3A_24 = vector.multi_reduction <maximumf>, %sub3A_23, %reduce_max3A [1] : vector<512x2048xf32> to vector<512xf32>
    %broadcast_in_dim3A_25 = vector.shape_cast %reduce_max3A_24 : vector<512xf32> to vector<512x1xf32>
    %ge3A = vector.broadcast %broadcast_in_dim3A_25 : vector<512x1xf32> to vector<512x2048xf32>
    %ge3A_26 = arith.cmpf oge, %sub3A_23, %ge3A : vector<512x2048xf32>
    %jit3A = arith.constant 2.048000e+03 : f32
    %broadcast_in_dim3A_27 = vector.broadcast %jit3A : f32 to vector<512x2048xf32>
    %select_n3A = arith.select %ge3A_26, %convert_element_type3A, %broadcast_in_dim3A_27 : vector<512x2048xi1>, vector<512x2048xf32>
    %reduce_min3A = arith.constant dense<0x7F800000> : vector<512xf32>
    %reduce_min3A_28 = vector.multi_reduction <minimumf>, %select_n3A, %reduce_min3A [1] : vector<512x2048xf32> to vector<512xf32>
    %broadcast_in_dim3A_29 = vector.shape_cast %reduce_min3A_28 : vector<512xf32> to vector<512x1xf32>
    %eq3A = vector.broadcast %broadcast_in_dim3A_29 : vector<512x1xf32> to vector<512x2048xf32>
    %eq3A_30 = arith.cmpf oeq, %select_n3A, %eq3A : vector<512x2048xf32>
    %jit3A_31 = arith.constant 0xFF800000 : f32
    %broadcast_in_dim3A_32 = vector.broadcast %jit3A_31 : f32 to vector<512x2048xf32>
    %select_n3A_33 = arith.select %eq3A_30, %broadcast_in_dim3A_32, %sub3A_23 : vector<512x2048xi1>, vector<512x2048xf32>
    %reduce_max3A_34 = arith.constant dense<0xFF800000> : vector<512xf32>
    %reduce_max3A_35 = vector.multi_reduction <maximumf>, %select_n3A_33, %reduce_max3A_34 [1] : vector<512x2048xf32> to vector<512xf32>
    %broadcast_in_dim3A_36 = vector.shape_cast %reduce_max3A_35 : vector<512xf32> to vector<512x1xf32>
    %ge3A_37 = vector.broadcast %broadcast_in_dim3A_36 : vector<512x1xf32> to vector<512x2048xf32>
    %ge3A_38 = arith.cmpf oge, %select_n3A_33, %ge3A_37 : vector<512x2048xf32>
    %jit3A_39 = arith.constant 2.048000e+03 : f32
    %broadcast_in_dim3A_40 = vector.broadcast %jit3A_39 : f32 to vector<512x2048xf32>
    %select_n3A_41 = arith.select %ge3A_38, %convert_element_type3A, %broadcast_in_dim3A_40 : vector<512x2048xi1>, vector<512x2048xf32>
    %reduce_min3A_42 = arith.constant dense<0x7F800000> : vector<512xf32>
    %reduce_min3A_43 = vector.multi_reduction <minimumf>, %select_n3A_41, %reduce_min3A_42 [1] : vector<512x2048xf32> to vector<512xf32>
    %broadcast_in_dim3A_44 = vector.shape_cast %reduce_min3A_43 : vector<512xf32> to vector<512x1xf32>
    %eq3A_45 = vector.broadcast %broadcast_in_dim3A_44 : vector<512x1xf32> to vector<512x2048xf32>
    %eq3A_46 = arith.cmpf oeq, %select_n3A_41, %eq3A_45 : vector<512x2048xf32>
    %jit3A_47 = arith.constant 0xFF800000 : f32
    %broadcast_in_dim3A_48 = vector.broadcast %jit3A_47 : f32 to vector<512x2048xf32>
    %select_n3A_49 = arith.select %eq3A_46, %broadcast_in_dim3A_48, %select_n3A_33 : vector<512x2048xi1>, vector<512x2048xf32>
    %reduce_max3A_50 = arith.constant dense<0xFF800000> : vector<512xf32>
    %reduce_max3A_51 = vector.multi_reduction <maximumf>, %select_n3A_49, %reduce_max3A_50 [1] : vector<512x2048xf32> to vector<512xf32>
    %broadcast_in_dim3A_52 = vector.shape_cast %reduce_max3A_51 : vector<512xf32> to vector<512x1xf32>
    %ge3A_53 = vector.broadcast %broadcast_in_dim3A_52 : vector<512x1xf32> to vector<512x2048xf32>
    %ge3A_54 = arith.cmpf oge, %select_n3A_49, %ge3A_53 : vector<512x2048xf32>
    %jit3A_55 = arith.constant 2.048000e+03 : f32
    %broadcast_in_dim3A_56 = vector.broadcast %jit3A_55 : f32 to vector<512x2048xf32>
    %select_n3A_57 = arith.select %ge3A_54, %convert_element_type3A, %broadcast_in_dim3A_56 : vector<512x2048xi1>, vector<512x2048xf32>
    %reduce_min3A_58 = arith.constant dense<0x7F800000> : vector<512xf32>
    %reduce_min3A_59 = vector.multi_reduction <minimumf>, %select_n3A_57, %reduce_min3A_58 [1] : vector<512x2048xf32> to vector<512xf32>
    %broadcast_in_dim3A_60 = vector.shape_cast %reduce_min3A_59 : vector<512xf32> to vector<512x1xf32>
    %eq3A_61 = vector.broadcast %broadcast_in_dim3A_60 : vector<512x1xf32> to vector<512x2048xf32>
    %eq3A_62 = arith.cmpf oeq, %select_n3A_57, %eq3A_61 : vector<512x2048xf32>
    %jit3A_63 = arith.constant 0xFF800000 : f32
    %broadcast_in_dim3A_64 = vector.broadcast %jit3A_63 : f32 to vector<512x2048xf32>
    %select_n3A_65 = arith.select %eq3A_62, %broadcast_in_dim3A_64, %select_n3A_49 : vector<512x2048xi1>, vector<512x2048xf32>
    %reduce_max3A_66 = arith.constant dense<0xFF800000> : vector<512xf32>
    %reduce_max3A_67 = vector.multi_reduction <maximumf>, %select_n3A_65, %reduce_max3A_66 [1] : vector<512x2048xf32> to vector<512xf32>
    %broadcast_in_dim3A_68 = vector.shape_cast %reduce_max3A_67 : vector<512xf32> to vector<512x1xf32>
    %ge3A_69 = vector.broadcast %broadcast_in_dim3A_68 : vector<512x1xf32> to vector<512x2048xf32>
    %ge3A_70 = arith.cmpf oge, %select_n3A_65, %ge3A_69 : vector<512x2048xf32>
    %jit3A_71 = arith.constant 2.048000e+03 : f32
    %broadcast_in_dim3A_72 = vector.broadcast %jit3A_71 : f32 to vector<512x2048xf32>
    %select_n3A_73 = arith.select %ge3A_70, %convert_element_type3A, %broadcast_in_dim3A_72 : vector<512x2048xi1>, vector<512x2048xf32>
    %reduce_min3A_74 = arith.constant dense<0x7F800000> : vector<512xf32>
    %reduce_min3A_75 = vector.multi_reduction <minimumf>, %select_n3A_73, %reduce_min3A_74 [1] : vector<512x2048xf32> to vector<512xf32>
    %broadcast_in_dim3A_76 = vector.shape_cast %reduce_min3A_75 : vector<512xf32> to vector<512x1xf32>
    %eq3A_77 = vector.broadcast %broadcast_in_dim3A_76 : vector<512x1xf32> to vector<512x2048xf32>
    %eq3A_78 = arith.cmpf oeq, %select_n3A_73, %eq3A_77 : vector<512x2048xf32>
    %jit3A_79 = arith.constant 0xFF800000 : f32
    %broadcast_in_dim3A_80 = vector.broadcast %jit3A_79 : f32 to vector<512x2048xf32>
    %select_n3A_81 = arith.select %eq3A_78, %broadcast_in_dim3A_80, %select_n3A_65 : vector<512x2048xi1>, vector<512x2048xf32>
    %reduce_max3A_82 = arith.constant dense<0xFF800000> : vector<512xf32>
    %reduce_max3A_83 = vector.multi_reduction <maximumf>, %select_n3A_81, %reduce_max3A_82 [1] : vector<512x2048xf32> to vector<512xf32>
    %broadcast_in_dim3A_84 = vector.shape_cast %reduce_max3A_83 : vector<512xf32> to vector<512x1xf32>
    %ge3A_85 = vector.broadcast %broadcast_in_dim3A_84 : vector<512x1xf32> to vector<512x2048xf32>
    %ge3A_86 = arith.cmpf oge, %select_n3A_81, %ge3A_85 : vector<512x2048xf32>
    %jit3A_87 = arith.constant 2.048000e+03 : f32
    %broadcast_in_dim3A_88 = vector.broadcast %jit3A_87 : f32 to vector<512x2048xf32>
    %select_n3A_89 = arith.select %ge3A_86, %convert_element_type3A, %broadcast_in_dim3A_88 : vector<512x2048xi1>, vector<512x2048xf32>
    %reduce_min3A_90 = arith.constant dense<0x7F800000> : vector<512xf32>
    %reduce_min3A_91 = vector.multi_reduction <minimumf>, %select_n3A_89, %reduce_min3A_90 [1] : vector<512x2048xf32> to vector<512xf32>
    %broadcast_in_dim3A_92 = vector.shape_cast %reduce_min3A_91 : vector<512xf32> to vector<512x1xf32>
    %eq3A_93 = vector.broadcast %broadcast_in_dim3A_92 : vector<512x1xf32> to vector<512x2048xf32>
    %eq3A_94 = arith.cmpf oeq, %select_n3A_89, %eq3A_93 : vector<512x2048xf32>
    %jit3A_95 = arith.constant 0xFF800000 : f32
    %broadcast_in_dim3A_96 = vector.broadcast %jit3A_95 : f32 to vector<512x2048xf32>
    %select_n3A_97 = arith.select %eq3A_94, %broadcast_in_dim3A_96, %select_n3A_81 : vector<512x2048xi1>, vector<512x2048xf32>
    %reduce_max3A_98 = arith.constant dense<0xFF800000> : vector<512xf32>
    %reduce_max3A_99 = vector.multi_reduction <maximumf>, %select_n3A_97, %reduce_max3A_98 [1] : vector<512x2048xf32> to vector<512xf32>
    %broadcast_in_dim3A_100 = vector.shape_cast %reduce_max3A_99 : vector<512xf32> to vector<512x1xf32>
    %ge3A_101 = vector.broadcast %broadcast_in_dim3A_100 : vector<512x1xf32> to vector<512x2048xf32>
    %ge3A_102 = arith.cmpf oge, %select_n3A_97, %ge3A_101 : vector<512x2048xf32>
    %jit3A_103 = arith.constant 2.048000e+03 : f32
    %broadcast_in_dim3A_104 = vector.broadcast %jit3A_103 : f32 to vector<512x2048xf32>
    %select_n3A_105 = arith.select %ge3A_102, %convert_element_type3A, %broadcast_in_dim3A_104 : vector<512x2048xi1>, vector<512x2048xf32>
    %reduce_min3A_106 = arith.constant dense<0x7F800000> : vector<512xf32>
    %reduce_min3A_107 = vector.multi_reduction <minimumf>, %select_n3A_105, %reduce_min3A_106 [1] : vector<512x2048xf32> to vector<512xf32>
    %broadcast_in_dim3A_108 = vector.shape_cast %reduce_min3A_107 : vector<512xf32> to vector<512x1xf32>
    %eq3A_109 = vector.broadcast %broadcast_in_dim3A_108 : vector<512x1xf32> to vector<512x2048xf32>
    %eq3A_110 = arith.cmpf oeq, %select_n3A_105, %eq3A_109 : vector<512x2048xf32>
    %jit3A_111 = arith.constant 0xFF800000 : f32
    %broadcast_in_dim3A_112 = vector.broadcast %jit3A_111 : f32 to vector<512x2048xf32>
    %select_n3A_113 = arith.select %eq3A_110, %broadcast_in_dim3A_112, %select_n3A_97 : vector<512x2048xi1>, vector<512x2048xf32>
    %reduce_max3A_114 = arith.constant dense<0xFF800000> : vector<512xf32>
    %reduce_max3A_115 = vector.multi_reduction <maximumf>, %select_n3A_113, %reduce_max3A_114 [1] : vector<512x2048xf32> to vector<512xf32>
    %broadcast_in_dim3A_116 = vector.shape_cast %reduce_max3A_115 : vector<512xf32> to vector<512x1xf32>
    %ge3A_117 = vector.broadcast %broadcast_in_dim3A_116 : vector<512x1xf32> to vector<512x2048xf32>
    %ge3A_118 = arith.cmpf oge, %select_n3A_113, %ge3A_117 : vector<512x2048xf32>
    %jit3A_119 = arith.constant 2.048000e+03 : f32
    %broadcast_in_dim3A_120 = vector.broadcast %jit3A_119 : f32 to vector<512x2048xf32>
    %select_n3A_121 = arith.select %ge3A_118, %convert_element_type3A, %broadcast_in_dim3A_120 : vector<512x2048xi1>, vector<512x2048xf32>
    %reduce_min3A_122 = arith.constant dense<0x7F800000> : vector<512xf32>
    %reduce_min3A_123 = vector.multi_reduction <minimumf>, %select_n3A_121, %reduce_min3A_122 [1] : vector<512x2048xf32> to vector<512xf32>
    %broadcast_in_dim3A_124 = vector.shape_cast %reduce_min3A_123 : vector<512xf32> to vector<512x1xf32>
    %eq3A_125 = vector.broadcast %broadcast_in_dim3A_124 : vector<512x1xf32> to vector<512x2048xf32>
    %eq3A_126 = arith.cmpf oeq, %select_n3A_121, %eq3A_125 : vector<512x2048xf32>
    %jit3A_127 = arith.constant 0xFF800000 : f32
    %broadcast_in_dim3A_128 = vector.broadcast %jit3A_127 : f32 to vector<512x2048xf32>
    %select_n3A_129 = arith.select %eq3A_126, %broadcast_in_dim3A_128, %select_n3A_113 : vector<512x2048xi1>, vector<512x2048xf32>
    %reduce_max3A_130 = arith.constant dense<0xFF800000> : vector<512xf32>
    %reduce_max3A_131 = vector.multi_reduction <maximumf>, %select_n3A_129, %reduce_max3A_130 [1] : vector<512x2048xf32> to vector<512xf32>
    %broadcast_in_dim3A_132 = vector.shape_cast %reduce_max3A_131 : vector<512xf32> to vector<512x1xf32>
    %ge3A_133 = vector.broadcast %broadcast_in_dim3A_132 : vector<512x1xf32> to vector<512x2048xf32>
    %ge3A_134 = arith.cmpf oge, %select_n3A_129, %ge3A_133 : vector<512x2048xf32>
    %jit3A_135 = arith.constant 2.048000e+03 : f32
    %broadcast_in_dim3A_136 = vector.broadcast %jit3A_135 : f32 to vector<512x2048xf32>
    %select_n3A_137 = arith.select %ge3A_134, %convert_element_type3A, %broadcast_in_dim3A_136 : vector<512x2048xi1>, vector<512x2048xf32>
    %reduce_min3A_138 = arith.constant dense<0x7F800000> : vector<512xf32>
    %reduce_min3A_139 = vector.multi_reduction <minimumf>, %select_n3A_137, %reduce_min3A_138 [1] : vector<512x2048xf32> to vector<512xf32>
    %broadcast_in_dim3A_140 = vector.shape_cast %reduce_min3A_139 : vector<512xf32> to vector<512x1xf32>
    %concatenate3A = tpu.concatenate %broadcast_in_dim3A_29, %broadcast_in_dim3A_44, %broadcast_in_dim3A_60, %broadcast_in_dim3A_76, %broadcast_in_dim3A_92, %broadcast_in_dim3A_108, %broadcast_in_dim3A_124, %broadcast_in_dim3A_140 in 1 : vector<512x1xf32>, vector<512x1xf32>, vector<512x1xf32>, vector<512x1xf32>, vector<512x1xf32>, vector<512x1xf32>, vector<512x1xf32>, vector<512x1xf32> -> vector<512x8xf32>
    %transpose3A_141 = tpu.transpose %concatenate3A, [1, 0] : vector<512x8xf32> -> vector<8x512xf32>
    %convert_element_type3A_142 = arith.fptosi %transpose3A_141 : vector<8x512xf32> to vector<8x512xi32>
    %swap3A = arith.constant 0 : index
    %swap3A_143 = arith.constant 0 : index
    %swap3A_144 = arith.constant 0 : index
    %swap3A_145 = vector.load %arg4[%swap3A, %swap3A_143, %swap3A_144] : memref<1x8x512xi32, #tpu.memory_space<vmem>>, vector<1x8x512xi32>
    %swap3A_146 = vector.shape_cast %swap3A_145 : vector<1x8x512xi32> to vector<8x512xi32>
    %swap3A_147 = vector.shape_cast %convert_element_type3A_142 : vector<8x512xi32> to vector<1x8x512xi32>
    tpu.vector_store %arg4[%swap3A, %swap3A_143, %swap3A_144], %swap3A_147 {strides = array<i32>} : memref<1x8x512xi32, #tpu.memory_space<vmem>>, vector<1x8x512xi32>,
    %get3A_148 = arith.constant 0 : index
    %get3A_149 = arith.constant 0 : index
    %get3A_150 = vector.load %arg3[%get3A_148, %get3A_149] : memref<128x128xf32, #tpu.memory_space<vmem>>, vector<128x128xf32>
    %dot_general3A_151 = arith.constant dense<0.000000e+00> : vector<512x128xf32>
    %dot_general3A_152 = tpu.matmul %get3A_3, %get3A_150, %dot_general3A_151 {dimension_numbers = #tpu.dot_dimension_numbers<[0], [0], [1], [1], [0, 1, 1, 1], [], []>, transpose_lhs_hint = false} : vector<128x512xf32>, vector<128x128xf32>, vector<512x128xf32> -> vector<512x128xf32>
    %swap3A_153 = arith.constant 0 : index
    %swap3A_154 = arith.constant 0 : index
    %swap3A_155 = arith.constant 0 : index
    %swap3A_156 = vector.load %arg5[%swap3A_153, %swap3A_154, %swap3A_155] : memref<1x512x128xf32, #tpu.memory_space<vmem>>, vector<1x512x128xf32>
    %swap3A_157 = vector.shape_cast %swap3A_156 : vector<1x512x128xf32> to vector<512x128xf32>
    %swap3A_158 = vector.shape_cast %dot_general3A_152 : vector<512x128xf32> to vector<1x512x128xf32>
    tpu.vector_store %arg5[%swap3A_153, %swap3A_154, %swap3A_155], %swap3A_158 {strides = array<i32>} : memref<1x512x128xf32, #tpu.memory_space<vmem>>, vector<1x512x128xf32>,
    return
  }
  func.func @transform_0(%arg0: i32) -> (i32, i32, i32) {
    %c0_i32 = arith.constant 0 : i32
    %c0_i32_0 = arith.constant 0 : i32
    %c0_i32_1 = arith.constant 0 : i32
    return %c0_i32, %c0_i32_0, %arg0 : i32, i32, i32
  }
  func.func @transform_1(%arg0: i32) -> (i32, i32, i32) {
    %c0_i32 = arith.constant 0 : i32
    %c0_i32_0 = arith.constant 0 : i32
    %c0_i32_1 = arith.constant 0 : i32
    %c0_i32_2 = arith.constant 0 : i32
    return %c0_i32, %c0_i32_0, %c0_i32_1 : i32, i32, i32
  }
  func.func @transform_2(%arg0: i32) -> (i32, i32) {
    %c0_i32 = arith.constant 0 : i32
    %c0_i32_0 = arith.constant 0 : i32
    %c0_i32_1 = arith.constant 0 : i32
    return %c0_i32, %c0_i32_0 : i32, i32
  }
  func.func @transform_3(%arg0: i32) -> (i32, i32, i32) {
    %c0_i32 = arith.constant 0 : i32
    %c0_i32_0 = arith.constant 0 : i32
    %c0_i32_1 = arith.constant 0 : i32
    return %c0_i32, %c0_i32_0, %arg0 : i32, i32, i32
  }
  func.func @transform_4(%arg0: i32) -> (i32, i32, i32) {
    %c0_i32 = arith.constant 0 : i32
    %c0_i32_0 = arith.constant 0 : i32
    %c0_i32_1 = arith.constant 0 : i32
    return %c0_i32, %arg0, %c0_i32_0 : i32, i32, i32
  }
}

module attributes {stable_mosaic.version = 14 : i64} {
  func.func @_knn_body(%arg0: i32, %arg1: memref<1x128x512xf32, #tpu.memory_space<vmem>>, %arg2: memref<1x128x2048xf32, #tpu.memory_space<vmem>>, %arg3: memref<128x128xf32, #tpu.memory_space<vmem>>, %arg4: memref<1x8x512xi32, #tpu.memory_space<vmem>>, %arg5: memref<1x512x128xf32, #tpu.memory_space<vmem>>) attributes {dimension_semantics = [#tpu.dimension_semantics<arbitrary>], iteration_bounds = array<i64: 4>, scalar_prefetch = 0 : i64, scratch_operands = 0 : i64, tpu.core_type = #tpu.core_type<tc>, window_params = [{transform_indices = @transform_0, window_bounds = array<i64: 1, 128, 512>}, {transform_indices = @transform_1, window_bounds = array<i64: 1, 128, 2048>}, {pipeline_mode = #tpu.pipeline_mode<synchronous>, transform_indices = @transform_2, window_bounds = array<i64: 128, 128>}, {transform_indices = @transform_3, window_bounds = array<i64: 1, 8, 512>}, {transform_indices = @transform_4, window_bounds = array<i64: 1, 512, 128>}]} {
    %get3A = arith.constant 0 : index
    %get3A_0 = arith.constant 0 : index
    %get3A_1 = arith.constant 0 : index
    %get3A_2 = vector.load %arg1[%get3A, %get3A_0, %get3A_1] : memref<1x128x512xf32, #tpu.memory_space<vmem>>, vector<1x128x512xf32>
    %get3A_3 = vector.shape_cast %get3A_2 : vector<1x128x512xf32> to vector<128x512xf32>
    %get3A_4 = arith.constant 0 : index
    %get3A_5 = arith.constant 0 : index
    %get3A_6 = arith.constant 0 : index
    %get3A_7 = vector.load %arg2[%get3A_4, %get3A_5, %get3A_6] : memref<1x128x2048xf32, #tpu.memory_space<vmem>>, vector<1x128x2048xf32>
    %get3A_8 = vector.shape_cast %get3A_7 : vector<1x128x2048xf32> to vector<128x2048xf32>
    %dot_general3A = arith.constant dense<0.000000e+00> : vector<512x2048xf32>
    %dot_general3A_9 = tpu.matmul %get3A_3, %get3A_8, %dot_general3A {dimension_numbers = #tpu.dot_dimension_numbers<[0], [0], [1], [1], [0, 1, 1, 1], [], []>, transpose_lhs_hint = false} : vector<128x512xf32>, vector<128x2048xf32>, vector<512x2048xf32> -> vector<512x2048xf32>
    %mul3A = arith.constant -2.000000e+00 : f32
    %mul3A_10 = vector.broadcast %mul3A : f32 to vector<512x2048xf32>
    %mul3A_11 = arith.mulf %mul3A_10, %dot_general3A_9 : vector<512x2048xf32>
    %mul3A_12 = arith.mulf %get3A_8, %get3A_8 : vector<128x2048xf32>
    %reduce_sum3A = arith.constant dense<0.000000e+00> : vector<2048xf32>
    %reduce_sum3A_13 = vector.multi_reduction <add>, %mul3A_12, %reduce_sum3A [0] : vector<128x2048xf32> to vector<2048xf32>
    %broadcast_in_dim3A = vector.shape_cast %reduce_sum3A_13 : vector<2048xf32> to vector<1x2048xf32>
    %mul3A_14 = arith.mulf %get3A_3, %get3A_3 : vector<128x512xf32>
    %reduce_sum3A_15 = arith.constant dense<0.000000e+00> : vector<512xf32>
    %reduce_sum3A_16 = vector.multi_reduction <add>, %mul3A_14, %reduce_sum3A_15 [0] : vector<128x512xf32> to vector<512xf32>
    %broadcast_in_dim3A_17 = vector.shape_cast %reduce_sum3A_16 : vector<512xf32> to vector<1x512xf32>
    %transpose3A = tpu.transpose %broadcast_in_dim3A_17, [1, 0] : vector<1x512xf32> -> vector<512x1xf32>
    %sub3A = arith.constant 0.000000e+00 : f32
    %sub3A_18 = vector.broadcast %sub3A : f32 to vector<512x1xf32>
    %sub3A_19 = arith.subf %sub3A_18, %transpose3A : vector<512x1xf32>
    %sub3A_20 = vector.broadcast %sub3A_19 : vector<512x1xf32> to vector<512x2048xf32>
    %sub3A_21 = arith.subf %sub3A_20, %mul3A_11 : vector<512x2048xf32>
    %sub3A_22 = vector.broadcast %broadcast_in_dim3A : vector<1x2048xf32> to vector<512x2048xf32>
    %sub3A_23 = arith.subf %sub3A_21, %sub3A_22 : vector<512x2048xf32>
    %iota3A = tpu.iota {dimensions = array<i32: 1>} : vector<512x2048xi32>
    %convert_element_type3A = arith.sitofp %iota3A : vector<512x2048xi32> to vector<512x2048xf32>
    %reduce_max3A = arith.constant dense<0xFF800000> : vector<512xf32>
    %reduce_max3A_24 = vector.multi_reduction <maximumf>, %sub3A_23, %reduce_max3A [1] : vector<512x2048xf32> to vector<512xf32>
    %broadcast_in_dim3A_25 = vector.shape_cast %reduce_max3A_24 : vector<512xf32> to vector<512x1xf32>
    %ge3A = vector.broadcast %broadcast_in_dim3A_25 : vector<512x1xf32> to vector<512x2048xf32>
    %ge3A_26 = arith.cmpf oge, %sub3A_23, %ge3A : vector<512x2048xf32>
    %jit3A = arith.constant 2.048000e+03 : f32
    %broadcast_in_dim3A_27 = vector.broadcast %jit3A : f32 to vector<512x2048xf32>
    %select_n3A = arith.select %ge3A_26, %convert_element_type3A, %broadcast_in_dim3A_27 : vector<512x2048xi1>, vector<512x2048xf32>
    %reduce_min3A = arith.constant dense<0x7F800000> : vector<512xf32>
    %reduce_min3A_28 = vector.multi_reduction <minimumf>, %select_n3A, %reduce_min3A [1] : vector<512x2048xf32> to vector<512xf32>
    %broadcast_in_dim3A_29 = vector.shape_cast %reduce_min3A_28 : vector<512xf32> to vector<512x1xf32>
    %eq3A = vector.broadcast %broadcast_in_dim3A_29 : vector<512x1xf32> to vector<512x2048xf32>
    %eq3A_30 = arith.cmpf oeq, %select_n3A, %eq3A : vector<512x2048xf32>
    %jit3A_31 = arith.constant 0xFF800000 : f32
    %broadcast_in_dim3A_32 = vector.broadcast %jit3A_31 : f32 to vector<512x2048xf32>
    %select_n3A_33 = arith.select %eq3A_30, %broadcast_in_dim3A_32, %sub3A_23 : vector<512x2048xi1>, vector<512x2048xf32>
    %reduce_max3A_34 = arith.constant dense<0xFF800000> : vector<512xf32>
    %reduce_max3A_35 = vector.multi_reduction <maximumf>, %select_n3A_33, %reduce_max3A_34 [1] : vector<512x2048xf32> to vector<512xf32>
    %broadcast_in_dim3A_36 = vector.shape_cast %reduce_max3A_35 : vector<512xf32> to vector<512x1xf32>
    %ge3A_37 = vector.broadcast %broadcast_in_dim3A_36 : vector<512x1xf32> to vector<512x2048xf32>
    %ge3A_38 = arith.cmpf oge, %select_n3A_33, %ge3A_37 : vector<512x2048xf32>
    %jit3A_39 = arith.constant 2.048000e+03 : f32
    %broadcast_in_dim3A_40 = vector.broadcast %jit3A_39 : f32 to vector<512x2048xf32>
    %select_n3A_41 = arith.select %ge3A_38, %convert_element_type3A, %broadcast_in_dim3A_40 : vector<512x2048xi1>, vector<512x2048xf32>
    %reduce_min3A_42 = arith.constant dense<0x7F800000> : vector<512xf32>
    %reduce_min3A_43 = vector.multi_reduction <minimumf>, %select_n3A_41, %reduce_min3A_42 [1] : vector<512x2048xf32> to vector<512xf32>
    %broadcast_in_dim3A_44 = vector.shape_cast %reduce_min3A_43 : vector<512xf32> to vector<512x1xf32>
    %eq3A_45 = vector.broadcast %broadcast_in_dim3A_44 : vector<512x1xf32> to vector<512x2048xf32>
    %eq3A_46 = arith.cmpf oeq, %select_n3A_41, %eq3A_45 : vector<512x2048xf32>
    %jit3A_47 = arith.constant 0xFF800000 : f32
    %broadcast_in_dim3A_48 = vector.broadcast %jit3A_47 : f32 to vector<512x2048xf32>
    %select_n3A_49 = arith.select %eq3A_46, %broadcast_in_dim3A_48, %select_n3A_33 : vector<512x2048xi1>, vector<512x2048xf32>
    %reduce_max3A_50 = arith.constant dense<0xFF800000> : vector<512xf32>
    %reduce_max3A_51 = vector.multi_reduction <maximumf>, %select_n3A_49, %reduce_max3A_50 [1] : vector<512x2048xf32> to vector<512xf32>
    %broadcast_in_dim3A_52 = vector.shape_cast %reduce_max3A_51 : vector<512xf32> to vector<512x1xf32>
    %ge3A_53 = vector.broadcast %broadcast_in_dim3A_52 : vector<512x1xf32> to vector<512x2048xf32>
    %ge3A_54 = arith.cmpf oge, %select_n3A_49, %ge3A_53 : vector<512x2048xf32>
    %jit3A_55 = arith.constant 2.048000e+03 : f32
    %broadcast_in_dim3A_56 = vector.broadcast %jit3A_55 : f32 to vector<512x2048xf32>
    %select_n3A_57 = arith.select %ge3A_54, %convert_element_type3A, %broadcast_in_dim3A_56 : vector<512x2048xi1>, vector<512x2048xf32>
    %reduce_min3A_58 = arith.constant dense<0x7F800000> : vector<512xf32>
    %reduce_min3A_59 = vector.multi_reduction <minimumf>, %select_n3A_57, %reduce_min3A_58 [1] : vector<512x2048xf32> to vector<512xf32>
    %broadcast_in_dim3A_60 = vector.shape_cast %reduce_min3A_59 : vector<512xf32> to vector<512x1xf32>
    %eq3A_61 = vector.broadcast %broadcast_in_dim3A_60 : vector<512x1xf32> to vector<512x2048xf32>
    %eq3A_62 = arith.cmpf oeq, %select_n3A_57, %eq3A_61 : vector<512x2048xf32>
    %jit3A_63 = arith.constant 0xFF800000 : f32
    %broadcast_in_dim3A_64 = vector.broadcast %jit3A_63 : f32 to vector<512x2048xf32>
    %select_n3A_65 = arith.select %eq3A_62, %broadcast_in_dim3A_64, %select_n3A_49 : vector<512x2048xi1>, vector<512x2048xf32>
    %reduce_max3A_66 = arith.constant dense<0xFF800000> : vector<512xf32>
    %reduce_max3A_67 = vector.multi_reduction <maximumf>, %select_n3A_65, %reduce_max3A_66 [1] : vector<512x2048xf32> to vector<512xf32>
    %broadcast_in_dim3A_68 = vector.shape_cast %reduce_max3A_67 : vector<512xf32> to vector<512x1xf32>
    %ge3A_69 = vector.broadcast %broadcast_in_dim3A_68 : vector<512x1xf32> to vector<512x2048xf32>
    %ge3A_70 = arith.cmpf oge, %select_n3A_65, %ge3A_69 : vector<512x2048xf32>
    %jit3A_71 = arith.constant 2.048000e+03 : f32
    %broadcast_in_dim3A_72 = vector.broadcast %jit3A_71 : f32 to vector<512x2048xf32>
    %select_n3A_73 = arith.select %ge3A_70, %convert_element_type3A, %broadcast_in_dim3A_72 : vector<512x2048xi1>, vector<512x2048xf32>
    %reduce_min3A_74 = arith.constant dense<0x7F800000> : vector<512xf32>
    %reduce_min3A_75 = vector.multi_reduction <minimumf>, %select_n3A_73, %reduce_min3A_74 [1] : vector<512x2048xf32> to vector<512xf32>
    %broadcast_in_dim3A_76 = vector.shape_cast %reduce_min3A_75 : vector<512xf32> to vector<512x1xf32>
    %eq3A_77 = vector.broadcast %broadcast_in_dim3A_76 : vector<512x1xf32> to vector<512x2048xf32>
    %eq3A_78 = arith.cmpf oeq, %select_n3A_73, %eq3A_77 : vector<512x2048xf32>
    %jit3A_79 = arith.constant 0xFF800000 : f32
    %broadcast_in_dim3A_80 = vector.broadcast %jit3A_79 : f32 to vector<512x2048xf32>
    %select_n3A_81 = arith.select %eq3A_78, %broadcast_in_dim3A_80, %select_n3A_65 : vector<512x2048xi1>, vector<512x2048xf32>
    %reduce_max3A_82 = arith.constant dense<0xFF800000> : vector<512xf32>
    %reduce_max3A_83 = vector.multi_reduction <maximumf>, %select_n3A_81, %reduce_max3A_82 [1] : vector<512x2048xf32> to vector<512xf32>
    %broadcast_in_dim3A_84 = vector.shape_cast %reduce_max3A_83 : vector<512xf32> to vector<512x1xf32>
    %ge3A_85 = vector.broadcast %broadcast_in_dim3A_84 : vector<512x1xf32> to vector<512x2048xf32>
    %ge3A_86 = arith.cmpf oge, %select_n3A_81, %ge3A_85 : vector<512x2048xf32>
    %jit3A_87 = arith.constant 2.048000e+03 : f32
    %broadcast_in_dim3A_88 = vector.broadcast %jit3A_87 : f32 to vector<512x2048xf32>
    %select_n3A_89 = arith.select %ge3A_86, %convert_element_type3A, %broadcast_in_dim3A_88 : vector<512x2048xi1>, vector<512x2048xf32>
    %reduce_min3A_90 = arith.constant dense<0x7F800000> : vector<512xf32>
    %reduce_min3A_91 = vector.multi_reduction <minimumf>, %select_n3A_89, %reduce_min3A_90 [1] : vector<512x2048xf32> to vector<512xf32>
    %broadcast_in_dim3A_92 = vector.shape_cast %reduce_min3A_91 : vector<512xf32> to vector<512x1xf32>
    %eq3A_93 = vector.broadcast %broadcast_in_dim3A_92 : vector<512x1xf32> to vector<512x2048xf32>
    %eq3A_94 = arith.cmpf oeq, %select_n3A_89, %eq3A_93 : vector<512x2048xf32>
    %jit3A_95 = arith.constant 0xFF800000 : f32
    %broadcast_in_dim3A_96 = vector.broadcast %jit3A_95 : f32 to vector<512x2048xf32>
    %select_n3A_97 = arith.select %eq3A_94, %broadcast_in_dim3A_96, %select_n3A_81 : vector<512x2048xi1>, vector<512x2048xf32>
    %reduce_max3A_98 = arith.constant dense<0xFF800000> : vector<512xf32>
    %reduce_max3A_99 = vector.multi_reduction <maximumf>, %select_n3A_97, %reduce_max3A_98 [1] : vector<512x2048xf32> to vector<512xf32>
    %broadcast_in_dim3A_100 = vector.shape_cast %reduce_max3A_99 : vector<512xf32> to vector<512x1xf32>
    %ge3A_101 = vector.broadcast %broadcast_in_dim3A_100 : vector<512x1xf32> to vector<512x2048xf32>
    %ge3A_102 = arith.cmpf oge, %select_n3A_97, %ge3A_101 : vector<512x2048xf32>
    %jit3A_103 = arith.constant 2.048000e+03 : f32
    %broadcast_in_dim3A_104 = vector.broadcast %jit3A_103 : f32 to vector<512x2048xf32>
    %select_n3A_105 = arith.select %ge3A_102, %convert_element_type3A, %broadcast_in_dim3A_104 : vector<512x2048xi1>, vector<512x2048xf32>
    %reduce_min3A_106 = arith.constant dense<0x7F800000> : vector<512xf32>
    %reduce_min3A_107 = vector.multi_reduction <minimumf>, %select_n3A_105, %reduce_min3A_106 [1] : vector<512x2048xf32> to vector<512xf32>
    %broadcast_in_dim3A_108 = vector.shape_cast %reduce_min3A_107 : vector<512xf32> to vector<512x1xf32>
    %eq3A_109 = vector.broadcast %broadcast_in_dim3A_108 : vector<512x1xf32> to vector<512x2048xf32>
    %eq3A_110 = arith.cmpf oeq, %select_n3A_105, %eq3A_109 : vector<512x2048xf32>
    %jit3A_111 = arith.constant 0xFF800000 : f32
    %broadcast_in_dim3A_112 = vector.broadcast %jit3A_111 : f32 to vector<512x2048xf32>
    %select_n3A_113 = arith.select %eq3A_110, %broadcast_in_dim3A_112, %select_n3A_97 : vector<512x2048xi1>, vector<512x2048xf32>
    %reduce_max3A_114 = arith.constant dense<0xFF800000> : vector<512xf32>
    %reduce_max3A_115 = vector.multi_reduction <maximumf>, %select_n3A_113, %reduce_max3A_114 [1] : vector<512x2048xf32> to vector<512xf32>
    %broadcast_in_dim3A_116 = vector.shape_cast %reduce_max3A_115 : vector<512xf32> to vector<512x1xf32>
    %ge3A_117 = vector.broadcast %broadcast_in_dim3A_116 : vector<512x1xf32> to vector<512x2048xf32>
    %ge3A_118 = arith.cmpf oge, %select_n3A_113, %ge3A_117 : vector<512x2048xf32>
    %jit3A_119 = arith.constant 2.048000e+03 : f32
    %broadcast_in_dim3A_120 = vector.broadcast %jit3A_119 : f32 to vector<512x2048xf32>
    %select_n3A_121 = arith.select %ge3A_118, %convert_element_type3A, %broadcast_in_dim3A_120 : vector<512x2048xi1>, vector<512x2048xf32>
    %reduce_min3A_122 = arith.constant dense<0x7F800000> : vector<512xf32>
    %reduce_min3A_123 = vector.multi_reduction <minimumf>, %select_n3A_121, %reduce_min3A_122 [1] : vector<512x2048xf32> to vector<512xf32>
    %broadcast_in_dim3A_124 = vector.shape_cast %reduce_min3A_123 : vector<512xf32> to vector<512x1xf32>
    %eq3A_125 = vector.broadcast %broadcast_in_dim3A_124 : vector<512x1xf32> to vector<512x2048xf32>
    %eq3A_126 = arith.cmpf oeq, %select_n3A_121, %eq3A_125 : vector<512x2048xf32>
    %jit3A_127 = arith.constant 0xFF800000 : f32
    %broadcast_in_dim3A_128 = vector.broadcast %jit3A_127 : f32 to vector<512x2048xf32>
    %select_n3A_129 = arith.select %eq3A_126, %broadcast_in_dim3A_128, %select_n3A_113 : vector<512x2048xi1>, vector<512x2048xf32>
    %reduce_max3A_130 = arith.constant dense<0xFF800000> : vector<512xf32>
    %reduce_max3A_131 = vector.multi_reduction <maximumf>, %select_n3A_129, %reduce_max3A_130 [1] : vector<512x2048xf32> to vector<512xf32>
    %broadcast_in_dim3A_132 = vector.shape_cast %reduce_max3A_131 : vector<512xf32> to vector<512x1xf32>
    %ge3A_133 = vector.broadcast %broadcast_in_dim3A_132 : vector<512x1xf32> to vector<512x2048xf32>
    %ge3A_134 = arith.cmpf oge, %select_n3A_129, %ge3A_133 : vector<512x2048xf32>
    %jit3A_135 = arith.constant 2.048000e+03 : f32
    %broadcast_in_dim3A_136 = vector.broadcast %jit3A_135 : f32 to vector<512x2048xf32>
    %select_n3A_137 = arith.select %ge3A_134, %convert_element_type3A, %broadcast_in_dim3A_136 : vector<512x2048xi1>, vector<512x2048xf32>
    %reduce_min3A_138 = arith.constant dense<0x7F800000> : vector<512xf32>
    %reduce_min3A_139 = vector.multi_reduction <minimumf>, %select_n3A_137, %reduce_min3A_138 [1] : vector<512x2048xf32> to vector<512xf32>
    %broadcast_in_dim3A_140 = vector.shape_cast %reduce_min3A_139 : vector<512xf32> to vector<512x1xf32>
    %concatenate3A = tpu.concatenate %broadcast_in_dim3A_29, %broadcast_in_dim3A_44, %broadcast_in_dim3A_60, %broadcast_in_dim3A_76, %broadcast_in_dim3A_92, %broadcast_in_dim3A_108, %broadcast_in_dim3A_124, %broadcast_in_dim3A_140 in 1 : vector<512x1xf32>, vector<512x1xf32>, vector<512x1xf32>, vector<512x1xf32>, vector<512x1xf32>, vector<512x1xf32>, vector<512x1xf32>, vector<512x1xf32> -> vector<512x8xf32>
    %transpose3A_141 = tpu.transpose %concatenate3A, [1, 0] : vector<512x8xf32> -> vector<8x512xf32>
    %convert_element_type3A_142 = arith.fptosi %transpose3A_141 : vector<8x512xf32> to vector<8x512xi32>
    %swap3A = arith.constant 0 : index
    %swap3A_143 = arith.constant 0 : index
    %swap3A_144 = arith.constant 0 : index
    %swap3A_145 = vector.load %arg4[%swap3A, %swap3A_143, %swap3A_144] : memref<1x8x512xi32, #tpu.memory_space<vmem>>, vector<1x8x512xi32>
    %swap3A_146 = vector.shape_cast %swap3A_145 : vector<1x8x512xi32> to vector<8x512xi32>
    %swap3A_147 = vector.shape_cast %convert_element_type3A_142 : vector<8x512xi32> to vector<1x8x512xi32>
    tpu.vector_store %arg4[%swap3A, %swap3A_143, %swap3A_144], %swap3A_147 {strides = array<i32>} : memref<1x8x512xi32, #tpu.memory_space<vmem>>, vector<1x8x512xi32>,
    %get3A_148 = arith.constant 0 : index
    %get3A_149 = arith.constant 0 : index
    %get3A_150 = vector.load %arg3[%get3A_148, %get3A_149] : memref<128x128xf32, #tpu.memory_space<vmem>>, vector<128x128xf32>
    %dot_general3A_151 = arith.constant dense<0.000000e+00> : vector<512x128xf32>
    %dot_general3A_152 = tpu.matmul %get3A_3, %get3A_150, %dot_general3A_151 {dimension_numbers = #tpu.dot_dimension_numbers<[0], [0], [1], [1], [0, 1, 1, 1], [], []>, transpose_lhs_hint = false} : vector<128x512xf32>, vector<128x128xf32>, vector<512x128xf32> -> vector<512x128xf32>
    %swap3A_153 = arith.constant 0 : index
    %swap3A_154 = arith.constant 0 : index
    %swap3A_155 = arith.constant 0 : index
    %swap3A_156 = vector.load %arg5[%swap3A_153, %swap3A_154, %swap3A_155] : memref<1x512x128xf32, #tpu.memory_space<vmem>>, vector<1x512x128xf32>
    %swap3A_157 = vector.shape_cast %swap3A_156 : vector<1x512x128xf32> to vector<512x128xf32>
    %swap3A_158 = vector.shape_cast %dot_general3A_152 : vector<512x128xf32> to vector<1x512x128xf32>
    tpu.vector_store %arg5[%swap3A_153, %swap3A_154, %swap3A_155], %swap3A_158 {strides = array<i32>} : memref<1x512x128xf32, #tpu.memory_space<vmem>>, vector<1x512x128xf32>,
    return
  }
  func.func @transform_0(%arg0: i32) -> (i32, i32, i32) {
    %c1_i32 = arith.constant 1 : i32
    %c0_i32 = arith.constant 0 : i32
    %c0_i32_0 = arith.constant 0 : i32
    return %c1_i32, %c0_i32, %arg0 : i32, i32, i32
  }
  func.func @transform_1(%arg0: i32) -> (i32, i32, i32) {
    %c1_i32 = arith.constant 1 : i32
    %c0_i32 = arith.constant 0 : i32
    %c0_i32_0 = arith.constant 0 : i32
    %c0_i32_1 = arith.constant 0 : i32
    return %c1_i32, %c0_i32, %c0_i32_0 : i32, i32, i32
  }
  func.func @transform_2(%arg0: i32) -> (i32, i32) {
    %c0_i32 = arith.constant 0 : i32
    %c0_i32_0 = arith.constant 0 : i32
    %c0_i32_1 = arith.constant 0 : i32
    return %c0_i32, %c0_i32_0 : i32, i32
  }
  func.func @transform_3(%arg0: i32) -> (i32, i32, i32) {
    %c0_i32 = arith.constant 0 : i32
    %c0_i32_0 = arith.constant 0 : i32
    %c0_i32_1 = arith.constant 0 : i32
    return %c0_i32, %c0_i32_0, %arg0 : i32, i32, i32
  }
  func.func @transform_4(%arg0: i32) -> (i32, i32, i32) {
    %c0_i32 = arith.constant 0 : i32
    %c0_i32_0 = arith.constant 0 : i32
    %c0_i32_1 = arith.constant 0 : i32
    return %c0_i32, %arg0, %c0_i32_0 : i32, i32, i32
  }
}

module attributes {stable_mosaic.version = 14 : i64} {
  func.func @_knn_body(%arg0: i32, %arg1: memref<1x128x512xf32, #tpu.memory_space<vmem>>, %arg2: memref<1x128x2048xf32, #tpu.memory_space<vmem>>, %arg3: memref<128x128xf32, #tpu.memory_space<vmem>>, %arg4: memref<1x8x512xi32, #tpu.memory_space<vmem>>, %arg5: memref<1x512x128xf32, #tpu.memory_space<vmem>>) attributes {dimension_semantics = [#tpu.dimension_semantics<arbitrary>], iteration_bounds = array<i64: 4>, scalar_prefetch = 0 : i64, scratch_operands = 0 : i64, tpu.core_type = #tpu.core_type<tc>, window_params = [{transform_indices = @transform_0, window_bounds = array<i64: 1, 128, 512>}, {transform_indices = @transform_1, window_bounds = array<i64: 1, 128, 2048>}, {pipeline_mode = #tpu.pipeline_mode<synchronous>, transform_indices = @transform_2, window_bounds = array<i64: 128, 128>}, {transform_indices = @transform_3, window_bounds = array<i64: 1, 8, 512>}, {transform_indices = @transform_4, window_bounds = array<i64: 1, 512, 128>}]} {
    %get3A = arith.constant 0 : index
    %get3A_0 = arith.constant 0 : index
    %get3A_1 = arith.constant 0 : index
    %get3A_2 = vector.load %arg1[%get3A, %get3A_0, %get3A_1] : memref<1x128x512xf32, #tpu.memory_space<vmem>>, vector<1x128x512xf32>
    %get3A_3 = vector.shape_cast %get3A_2 : vector<1x128x512xf32> to vector<128x512xf32>
    %get3A_4 = arith.constant 0 : index
    %get3A_5 = arith.constant 0 : index
    %get3A_6 = arith.constant 0 : index
    %get3A_7 = vector.load %arg2[%get3A_4, %get3A_5, %get3A_6] : memref<1x128x2048xf32, #tpu.memory_space<vmem>>, vector<1x128x2048xf32>
    %get3A_8 = vector.shape_cast %get3A_7 : vector<1x128x2048xf32> to vector<128x2048xf32>
    %dot_general3A = arith.constant dense<0.000000e+00> : vector<512x2048xf32>
    %dot_general3A_9 = tpu.matmul %get3A_3, %get3A_8, %dot_general3A {dimension_numbers = #tpu.dot_dimension_numbers<[0], [0], [1], [1], [0, 1, 1, 1], [], []>, transpose_lhs_hint = false} : vector<128x512xf32>, vector<128x2048xf32>, vector<512x2048xf32> -> vector<512x2048xf32>
    %mul3A = arith.constant -2.000000e+00 : f32
    %mul3A_10 = vector.broadcast %mul3A : f32 to vector<512x2048xf32>
    %mul3A_11 = arith.mulf %mul3A_10, %dot_general3A_9 : vector<512x2048xf32>
    %mul3A_12 = arith.mulf %get3A_8, %get3A_8 : vector<128x2048xf32>
    %reduce_sum3A = arith.constant dense<0.000000e+00> : vector<2048xf32>
    %reduce_sum3A_13 = vector.multi_reduction <add>, %mul3A_12, %reduce_sum3A [0] : vector<128x2048xf32> to vector<2048xf32>
    %broadcast_in_dim3A = vector.shape_cast %reduce_sum3A_13 : vector<2048xf32> to vector<1x2048xf32>
    %mul3A_14 = arith.mulf %get3A_3, %get3A_3 : vector<128x512xf32>
    %reduce_sum3A_15 = arith.constant dense<0.000000e+00> : vector<512xf32>
    %reduce_sum3A_16 = vector.multi_reduction <add>, %mul3A_14, %reduce_sum3A_15 [0] : vector<128x512xf32> to vector<512xf32>
    %broadcast_in_dim3A_17 = vector.shape_cast %reduce_sum3A_16 : vector<512xf32> to vector<1x512xf32>
    %transpose3A = tpu.transpose %broadcast_in_dim3A_17, [1, 0] : vector<1x512xf32> -> vector<512x1xf32>
    %sub3A = arith.constant 0.000000e+00 : f32
    %sub3A_18 = vector.broadcast %sub3A : f32 to vector<512x1xf32>
    %sub3A_19 = arith.subf %sub3A_18, %transpose3A : vector<512x1xf32>
    %sub3A_20 = vector.broadcast %sub3A_19 : vector<512x1xf32> to vector<512x2048xf32>
    %sub3A_21 = arith.subf %sub3A_20, %mul3A_11 : vector<512x2048xf32>
    %sub3A_22 = vector.broadcast %broadcast_in_dim3A : vector<1x2048xf32> to vector<512x2048xf32>
    %sub3A_23 = arith.subf %sub3A_21, %sub3A_22 : vector<512x2048xf32>
    %iota3A = tpu.iota {dimensions = array<i32: 1>} : vector<512x2048xi32>
    %convert_element_type3A = arith.sitofp %iota3A : vector<512x2048xi32> to vector<512x2048xf32>
    %reduce_max3A = arith.constant dense<0xFF800000> : vector<512xf32>
    %reduce_max3A_24 = vector.multi_reduction <maximumf>, %sub3A_23, %reduce_max3A [1] : vector<512x2048xf32> to vector<512xf32>
    %broadcast_in_dim3A_25 = vector.shape_cast %reduce_max3A_24 : vector<512xf32> to vector<512x1xf32>
    %ge3A = vector.broadcast %broadcast_in_dim3A_25 : vector<512x1xf32> to vector<512x2048xf32>
    %ge3A_26 = arith.cmpf oge, %sub3A_23, %ge3A : vector<512x2048xf32>
    %jit3A = arith.constant 2.048000e+03 : f32
    %broadcast_in_dim3A_27 = vector.broadcast %jit3A : f32 to vector<512x2048xf32>
    %select_n3A = arith.select %ge3A_26, %convert_element_type3A, %broadcast_in_dim3A_27 : vector<512x2048xi1>, vector<512x2048xf32>
    %reduce_min3A = arith.constant dense<0x7F800000> : vector<512xf32>
    %reduce_min3A_28 = vector.multi_reduction <minimumf>, %select_n3A, %reduce_min3A [1] : vector<512x2048xf32> to vector<512xf32>
    %broadcast_in_dim3A_29 = vector.shape_cast %reduce_min3A_28 : vector<512xf32> to vector<512x1xf32>
    %eq3A = vector.broadcast %broadcast_in_dim3A_29 : vector<512x1xf32> to vector<512x2048xf32>
    %eq3A_30 = arith.cmpf oeq, %select_n3A, %eq3A : vector<512x2048xf32>
    %jit3A_31 = arith.constant 0xFF800000 : f32
    %broadcast_in_dim3A_32 = vector.broadcast %jit3A_31 : f32 to vector<512x2048xf32>
    %select_n3A_33 = arith.select %eq3A_30, %broadcast_in_dim3A_32, %sub3A_23 : vector<512x2048xi1>, vector<512x2048xf32>
    %reduce_max3A_34 = arith.constant dense<0xFF800000> : vector<512xf32>
    %reduce_max3A_35 = vector.multi_reduction <maximumf>, %select_n3A_33, %reduce_max3A_34 [1] : vector<512x2048xf32> to vector<512xf32>
    %broadcast_in_dim3A_36 = vector.shape_cast %reduce_max3A_35 : vector<512xf32> to vector<512x1xf32>
    %ge3A_37 = vector.broadcast %broadcast_in_dim3A_36 : vector<512x1xf32> to vector<512x2048xf32>
    %ge3A_38 = arith.cmpf oge, %select_n3A_33, %ge3A_37 : vector<512x2048xf32>
    %jit3A_39 = arith.constant 2.048000e+03 : f32
    %broadcast_in_dim3A_40 = vector.broadcast %jit3A_39 : f32 to vector<512x2048xf32>
    %select_n3A_41 = arith.select %ge3A_38, %convert_element_type3A, %broadcast_in_dim3A_40 : vector<512x2048xi1>, vector<512x2048xf32>
    %reduce_min3A_42 = arith.constant dense<0x7F800000> : vector<512xf32>
    %reduce_min3A_43 = vector.multi_reduction <minimumf>, %select_n3A_41, %reduce_min3A_42 [1] : vector<512x2048xf32> to vector<512xf32>
    %broadcast_in_dim3A_44 = vector.shape_cast %reduce_min3A_43 : vector<512xf32> to vector<512x1xf32>
    %eq3A_45 = vector.broadcast %broadcast_in_dim3A_44 : vector<512x1xf32> to vector<512x2048xf32>
    %eq3A_46 = arith.cmpf oeq, %select_n3A_41, %eq3A_45 : vector<512x2048xf32>
    %jit3A_47 = arith.constant 0xFF800000 : f32
    %broadcast_in_dim3A_48 = vector.broadcast %jit3A_47 : f32 to vector<512x2048xf32>
    %select_n3A_49 = arith.select %eq3A_46, %broadcast_in_dim3A_48, %select_n3A_33 : vector<512x2048xi1>, vector<512x2048xf32>
    %reduce_max3A_50 = arith.constant dense<0xFF800000> : vector<512xf32>
    %reduce_max3A_51 = vector.multi_reduction <maximumf>, %select_n3A_49, %reduce_max3A_50 [1] : vector<512x2048xf32> to vector<512xf32>
    %broadcast_in_dim3A_52 = vector.shape_cast %reduce_max3A_51 : vector<512xf32> to vector<512x1xf32>
    %ge3A_53 = vector.broadcast %broadcast_in_dim3A_52 : vector<512x1xf32> to vector<512x2048xf32>
    %ge3A_54 = arith.cmpf oge, %select_n3A_49, %ge3A_53 : vector<512x2048xf32>
    %jit3A_55 = arith.constant 2.048000e+03 : f32
    %broadcast_in_dim3A_56 = vector.broadcast %jit3A_55 : f32 to vector<512x2048xf32>
    %select_n3A_57 = arith.select %ge3A_54, %convert_element_type3A, %broadcast_in_dim3A_56 : vector<512x2048xi1>, vector<512x2048xf32>
    %reduce_min3A_58 = arith.constant dense<0x7F800000> : vector<512xf32>
    %reduce_min3A_59 = vector.multi_reduction <minimumf>, %select_n3A_57, %reduce_min3A_58 [1] : vector<512x2048xf32> to vector<512xf32>
    %broadcast_in_dim3A_60 = vector.shape_cast %reduce_min3A_59 : vector<512xf32> to vector<512x1xf32>
    %eq3A_61 = vector.broadcast %broadcast_in_dim3A_60 : vector<512x1xf32> to vector<512x2048xf32>
    %eq3A_62 = arith.cmpf oeq, %select_n3A_57, %eq3A_61 : vector<512x2048xf32>
    %jit3A_63 = arith.constant 0xFF800000 : f32
    %broadcast_in_dim3A_64 = vector.broadcast %jit3A_63 : f32 to vector<512x2048xf32>
    %select_n3A_65 = arith.select %eq3A_62, %broadcast_in_dim3A_64, %select_n3A_49 : vector<512x2048xi1>, vector<512x2048xf32>
    %reduce_max3A_66 = arith.constant dense<0xFF800000> : vector<512xf32>
    %reduce_max3A_67 = vector.multi_reduction <maximumf>, %select_n3A_65, %reduce_max3A_66 [1] : vector<512x2048xf32> to vector<512xf32>
    %broadcast_in_dim3A_68 = vector.shape_cast %reduce_max3A_67 : vector<512xf32> to vector<512x1xf32>
    %ge3A_69 = vector.broadcast %broadcast_in_dim3A_68 : vector<512x1xf32> to vector<512x2048xf32>
    %ge3A_70 = arith.cmpf oge, %select_n3A_65, %ge3A_69 : vector<512x2048xf32>
    %jit3A_71 = arith.constant 2.048000e+03 : f32
    %broadcast_in_dim3A_72 = vector.broadcast %jit3A_71 : f32 to vector<512x2048xf32>
    %select_n3A_73 = arith.select %ge3A_70, %convert_element_type3A, %broadcast_in_dim3A_72 : vector<512x2048xi1>, vector<512x2048xf32>
    %reduce_min3A_74 = arith.constant dense<0x7F800000> : vector<512xf32>
    %reduce_min3A_75 = vector.multi_reduction <minimumf>, %select_n3A_73, %reduce_min3A_74 [1] : vector<512x2048xf32> to vector<512xf32>
    %broadcast_in_dim3A_76 = vector.shape_cast %reduce_min3A_75 : vector<512xf32> to vector<512x1xf32>
    %eq3A_77 = vector.broadcast %broadcast_in_dim3A_76 : vector<512x1xf32> to vector<512x2048xf32>
    %eq3A_78 = arith.cmpf oeq, %select_n3A_73, %eq3A_77 : vector<512x2048xf32>
    %jit3A_79 = arith.constant 0xFF800000 : f32
    %broadcast_in_dim3A_80 = vector.broadcast %jit3A_79 : f32 to vector<512x2048xf32>
    %select_n3A_81 = arith.select %eq3A_78, %broadcast_in_dim3A_80, %select_n3A_65 : vector<512x2048xi1>, vector<512x2048xf32>
    %reduce_max3A_82 = arith.constant dense<0xFF800000> : vector<512xf32>
    %reduce_max3A_83 = vector.multi_reduction <maximumf>, %select_n3A_81, %reduce_max3A_82 [1] : vector<512x2048xf32> to vector<512xf32>
    %broadcast_in_dim3A_84 = vector.shape_cast %reduce_max3A_83 : vector<512xf32> to vector<512x1xf32>
    %ge3A_85 = vector.broadcast %broadcast_in_dim3A_84 : vector<512x1xf32> to vector<512x2048xf32>
    %ge3A_86 = arith.cmpf oge, %select_n3A_81, %ge3A_85 : vector<512x2048xf32>
    %jit3A_87 = arith.constant 2.048000e+03 : f32
    %broadcast_in_dim3A_88 = vector.broadcast %jit3A_87 : f32 to vector<512x2048xf32>
    %select_n3A_89 = arith.select %ge3A_86, %convert_element_type3A, %broadcast_in_dim3A_88 : vector<512x2048xi1>, vector<512x2048xf32>
    %reduce_min3A_90 = arith.constant dense<0x7F800000> : vector<512xf32>
    %reduce_min3A_91 = vector.multi_reduction <minimumf>, %select_n3A_89, %reduce_min3A_90 [1] : vector<512x2048xf32> to vector<512xf32>
    %broadcast_in_dim3A_92 = vector.shape_cast %reduce_min3A_91 : vector<512xf32> to vector<512x1xf32>
    %eq3A_93 = vector.broadcast %broadcast_in_dim3A_92 : vector<512x1xf32> to vector<512x2048xf32>
    %eq3A_94 = arith.cmpf oeq, %select_n3A_89, %eq3A_93 : vector<512x2048xf32>
    %jit3A_95 = arith.constant 0xFF800000 : f32
    %broadcast_in_dim3A_96 = vector.broadcast %jit3A_95 : f32 to vector<512x2048xf32>
    %select_n3A_97 = arith.select %eq3A_94, %broadcast_in_dim3A_96, %select_n3A_81 : vector<512x2048xi1>, vector<512x2048xf32>
    %reduce_max3A_98 = arith.constant dense<0xFF800000> : vector<512xf32>
    %reduce_max3A_99 = vector.multi_reduction <maximumf>, %select_n3A_97, %reduce_max3A_98 [1] : vector<512x2048xf32> to vector<512xf32>
    %broadcast_in_dim3A_100 = vector.shape_cast %reduce_max3A_99 : vector<512xf32> to vector<512x1xf32>
    %ge3A_101 = vector.broadcast %broadcast_in_dim3A_100 : vector<512x1xf32> to vector<512x2048xf32>
    %ge3A_102 = arith.cmpf oge, %select_n3A_97, %ge3A_101 : vector<512x2048xf32>
    %jit3A_103 = arith.constant 2.048000e+03 : f32
    %broadcast_in_dim3A_104 = vector.broadcast %jit3A_103 : f32 to vector<512x2048xf32>
    %select_n3A_105 = arith.select %ge3A_102, %convert_element_type3A, %broadcast_in_dim3A_104 : vector<512x2048xi1>, vector<512x2048xf32>
    %reduce_min3A_106 = arith.constant dense<0x7F800000> : vector<512xf32>
    %reduce_min3A_107 = vector.multi_reduction <minimumf>, %select_n3A_105, %reduce_min3A_106 [1] : vector<512x2048xf32> to vector<512xf32>
    %broadcast_in_dim3A_108 = vector.shape_cast %reduce_min3A_107 : vector<512xf32> to vector<512x1xf32>
    %eq3A_109 = vector.broadcast %broadcast_in_dim3A_108 : vector<512x1xf32> to vector<512x2048xf32>
    %eq3A_110 = arith.cmpf oeq, %select_n3A_105, %eq3A_109 : vector<512x2048xf32>
    %jit3A_111 = arith.constant 0xFF800000 : f32
    %broadcast_in_dim3A_112 = vector.broadcast %jit3A_111 : f32 to vector<512x2048xf32>
    %select_n3A_113 = arith.select %eq3A_110, %broadcast_in_dim3A_112, %select_n3A_97 : vector<512x2048xi1>, vector<512x2048xf32>
    %reduce_max3A_114 = arith.constant dense<0xFF800000> : vector<512xf32>
    %reduce_max3A_115 = vector.multi_reduction <maximumf>, %select_n3A_113, %reduce_max3A_114 [1] : vector<512x2048xf32> to vector<512xf32>
    %broadcast_in_dim3A_116 = vector.shape_cast %reduce_max3A_115 : vector<512xf32> to vector<512x1xf32>
    %ge3A_117 = vector.broadcast %broadcast_in_dim3A_116 : vector<512x1xf32> to vector<512x2048xf32>
    %ge3A_118 = arith.cmpf oge, %select_n3A_113, %ge3A_117 : vector<512x2048xf32>
    %jit3A_119 = arith.constant 2.048000e+03 : f32
    %broadcast_in_dim3A_120 = vector.broadcast %jit3A_119 : f32 to vector<512x2048xf32>
    %select_n3A_121 = arith.select %ge3A_118, %convert_element_type3A, %broadcast_in_dim3A_120 : vector<512x2048xi1>, vector<512x2048xf32>
    %reduce_min3A_122 = arith.constant dense<0x7F800000> : vector<512xf32>
    %reduce_min3A_123 = vector.multi_reduction <minimumf>, %select_n3A_121, %reduce_min3A_122 [1] : vector<512x2048xf32> to vector<512xf32>
    %broadcast_in_dim3A_124 = vector.shape_cast %reduce_min3A_123 : vector<512xf32> to vector<512x1xf32>
    %eq3A_125 = vector.broadcast %broadcast_in_dim3A_124 : vector<512x1xf32> to vector<512x2048xf32>
    %eq3A_126 = arith.cmpf oeq, %select_n3A_121, %eq3A_125 : vector<512x2048xf32>
    %jit3A_127 = arith.constant 0xFF800000 : f32
    %broadcast_in_dim3A_128 = vector.broadcast %jit3A_127 : f32 to vector<512x2048xf32>
    %select_n3A_129 = arith.select %eq3A_126, %broadcast_in_dim3A_128, %select_n3A_113 : vector<512x2048xi1>, vector<512x2048xf32>
    %reduce_max3A_130 = arith.constant dense<0xFF800000> : vector<512xf32>
    %reduce_max3A_131 = vector.multi_reduction <maximumf>, %select_n3A_129, %reduce_max3A_130 [1] : vector<512x2048xf32> to vector<512xf32>
    %broadcast_in_dim3A_132 = vector.shape_cast %reduce_max3A_131 : vector<512xf32> to vector<512x1xf32>
    %ge3A_133 = vector.broadcast %broadcast_in_dim3A_132 : vector<512x1xf32> to vector<512x2048xf32>
    %ge3A_134 = arith.cmpf oge, %select_n3A_129, %ge3A_133 : vector<512x2048xf32>
    %jit3A_135 = arith.constant 2.048000e+03 : f32
    %broadcast_in_dim3A_136 = vector.broadcast %jit3A_135 : f32 to vector<512x2048xf32>
    %select_n3A_137 = arith.select %ge3A_134, %convert_element_type3A, %broadcast_in_dim3A_136 : vector<512x2048xi1>, vector<512x2048xf32>
    %reduce_min3A_138 = arith.constant dense<0x7F800000> : vector<512xf32>
    %reduce_min3A_139 = vector.multi_reduction <minimumf>, %select_n3A_137, %reduce_min3A_138 [1] : vector<512x2048xf32> to vector<512xf32>
    %broadcast_in_dim3A_140 = vector.shape_cast %reduce_min3A_139 : vector<512xf32> to vector<512x1xf32>
    %concatenate3A = tpu.concatenate %broadcast_in_dim3A_29, %broadcast_in_dim3A_44, %broadcast_in_dim3A_60, %broadcast_in_dim3A_76, %broadcast_in_dim3A_92, %broadcast_in_dim3A_108, %broadcast_in_dim3A_124, %broadcast_in_dim3A_140 in 1 : vector<512x1xf32>, vector<512x1xf32>, vector<512x1xf32>, vector<512x1xf32>, vector<512x1xf32>, vector<512x1xf32>, vector<512x1xf32>, vector<512x1xf32> -> vector<512x8xf32>
    %transpose3A_141 = tpu.transpose %concatenate3A, [1, 0] : vector<512x8xf32> -> vector<8x512xf32>
    %convert_element_type3A_142 = arith.fptosi %transpose3A_141 : vector<8x512xf32> to vector<8x512xi32>
    %swap3A = arith.constant 0 : index
    %swap3A_143 = arith.constant 0 : index
    %swap3A_144 = arith.constant 0 : index
    %swap3A_145 = vector.load %arg4[%swap3A, %swap3A_143, %swap3A_144] : memref<1x8x512xi32, #tpu.memory_space<vmem>>, vector<1x8x512xi32>
    %swap3A_146 = vector.shape_cast %swap3A_145 : vector<1x8x512xi32> to vector<8x512xi32>
    %swap3A_147 = vector.shape_cast %convert_element_type3A_142 : vector<8x512xi32> to vector<1x8x512xi32>
    tpu.vector_store %arg4[%swap3A, %swap3A_143, %swap3A_144], %swap3A_147 {strides = array<i32>} : memref<1x8x512xi32, #tpu.memory_space<vmem>>, vector<1x8x512xi32>,
    %get3A_148 = arith.constant 0 : index
    %get3A_149 = arith.constant 0 : index
    %get3A_150 = vector.load %arg3[%get3A_148, %get3A_149] : memref<128x128xf32, #tpu.memory_space<vmem>>, vector<128x128xf32>
    %dot_general3A_151 = arith.constant dense<0.000000e+00> : vector<512x128xf32>
    %dot_general3A_152 = tpu.matmul %get3A_3, %get3A_150, %dot_general3A_151 {dimension_numbers = #tpu.dot_dimension_numbers<[0], [0], [1], [1], [0, 1, 1, 1], [], []>, transpose_lhs_hint = false} : vector<128x512xf32>, vector<128x128xf32>, vector<512x128xf32> -> vector<512x128xf32>
    %swap3A_153 = arith.constant 0 : index
    %swap3A_154 = arith.constant 0 : index
    %swap3A_155 = arith.constant 0 : index
    %swap3A_156 = vector.load %arg5[%swap3A_153, %swap3A_154, %swap3A_155] : memref<1x512x128xf32, #tpu.memory_space<vmem>>, vector<1x512x128xf32>
    %swap3A_157 = vector.shape_cast %swap3A_156 : vector<1x512x128xf32> to vector<512x128xf32>
    %swap3A_158 = vector.shape_cast %dot_general3A_152 : vector<512x128xf32> to vector<1x512x128xf32>
    tpu.vector_store %arg5[%swap3A_153, %swap3A_154, %swap3A_155], %swap3A_158 {strides = array<i32>} : memref<1x512x128xf32, #tpu.memory_space<vmem>>, vector<1x512x128xf32>,
    return
  }
  func.func @transform_0(%arg0: i32) -> (i32, i32, i32) {
    %c3_i32 = arith.constant 3 : i32
    %c0_i32 = arith.constant 0 : i32
    %c0_i32_0 = arith.constant 0 : i32
    return %c3_i32, %c0_i32, %arg0 : i32, i32, i32
  }
  func.func @transform_1(%arg0: i32) -> (i32, i32, i32) {
    %c3_i32 = arith.constant 3 : i32
    %c0_i32 = arith.constant 0 : i32
    %c0_i32_0 = arith.constant 0 : i32
    %c0_i32_1 = arith.constant 0 : i32
    return %c3_i32, %c0_i32, %c0_i32_0 : i32, i32, i32
  }
  func.func @transform_2(%arg0: i32) -> (i32, i32) {
    %c0_i32 = arith.constant 0 : i32
    %c0_i32_0 = arith.constant 0 : i32
    %c0_i32_1 = arith.constant 0 : i32
    return %c0_i32, %c0_i32_0 : i32, i32
  }
  func.func @transform_3(%arg0: i32) -> (i32, i32, i32) {
    %c0_i32 = arith.constant 0 : i32
    %c0_i32_0 = arith.constant 0 : i32
    %c0_i32_1 = arith.constant 0 : i32
    return %c0_i32, %c0_i32_0, %arg0 : i32, i32, i32
  }
  func.func @transform_4(%arg0: i32) -> (i32, i32, i32) {
    %c0_i32 = arith.constant 0 : i32
    %c0_i32_0 = arith.constant 0 : i32
    %c0_i32_1 = arith.constant 0 : i32
    return %c0_i32, %arg0, %c0_i32_0 : i32, i32, i32
  }
}

module attributes {stable_mosaic.version = 14 : i64} {
  func.func @_knn_body(%arg0: i32, %arg1: memref<1x128x512xf32, #tpu.memory_space<vmem>>, %arg2: memref<1x128x2048xf32, #tpu.memory_space<vmem>>, %arg3: memref<128x128xf32, #tpu.memory_space<vmem>>, %arg4: memref<1x8x512xi32, #tpu.memory_space<vmem>>, %arg5: memref<1x512x128xf32, #tpu.memory_space<vmem>>) attributes {dimension_semantics = [#tpu.dimension_semantics<arbitrary>], iteration_bounds = array<i64: 4>, scalar_prefetch = 0 : i64, scratch_operands = 0 : i64, tpu.core_type = #tpu.core_type<tc>, window_params = [{transform_indices = @transform_0, window_bounds = array<i64: 1, 128, 512>}, {transform_indices = @transform_1, window_bounds = array<i64: 1, 128, 2048>}, {pipeline_mode = #tpu.pipeline_mode<synchronous>, transform_indices = @transform_2, window_bounds = array<i64: 128, 128>}, {transform_indices = @transform_3, window_bounds = array<i64: 1, 8, 512>}, {transform_indices = @transform_4, window_bounds = array<i64: 1, 512, 128>}]} {
    %get3A = arith.constant 0 : index
    %get3A_0 = arith.constant 0 : index
    %get3A_1 = arith.constant 0 : index
    %get3A_2 = vector.load %arg1[%get3A, %get3A_0, %get3A_1] : memref<1x128x512xf32, #tpu.memory_space<vmem>>, vector<1x128x512xf32>
    %get3A_3 = vector.shape_cast %get3A_2 : vector<1x128x512xf32> to vector<128x512xf32>
    %get3A_4 = arith.constant 0 : index
    %get3A_5 = arith.constant 0 : index
    %get3A_6 = arith.constant 0 : index
    %get3A_7 = vector.load %arg2[%get3A_4, %get3A_5, %get3A_6] : memref<1x128x2048xf32, #tpu.memory_space<vmem>>, vector<1x128x2048xf32>
    %get3A_8 = vector.shape_cast %get3A_7 : vector<1x128x2048xf32> to vector<128x2048xf32>
    %dot_general3A = arith.constant dense<0.000000e+00> : vector<512x2048xf32>
    %dot_general3A_9 = tpu.matmul %get3A_3, %get3A_8, %dot_general3A {dimension_numbers = #tpu.dot_dimension_numbers<[0], [0], [1], [1], [0, 1, 1, 1], [], []>, transpose_lhs_hint = false} : vector<128x512xf32>, vector<128x2048xf32>, vector<512x2048xf32> -> vector<512x2048xf32>
    %mul3A = arith.constant -2.000000e+00 : f32
    %mul3A_10 = vector.broadcast %mul3A : f32 to vector<512x2048xf32>
    %mul3A_11 = arith.mulf %mul3A_10, %dot_general3A_9 : vector<512x2048xf32>
    %mul3A_12 = arith.mulf %get3A_8, %get3A_8 : vector<128x2048xf32>
    %reduce_sum3A = arith.constant dense<0.000000e+00> : vector<2048xf32>
    %reduce_sum3A_13 = vector.multi_reduction <add>, %mul3A_12, %reduce_sum3A [0] : vector<128x2048xf32> to vector<2048xf32>
    %broadcast_in_dim3A = vector.shape_cast %reduce_sum3A_13 : vector<2048xf32> to vector<1x2048xf32>
    %mul3A_14 = arith.mulf %get3A_3, %get3A_3 : vector<128x512xf32>
    %reduce_sum3A_15 = arith.constant dense<0.000000e+00> : vector<512xf32>
    %reduce_sum3A_16 = vector.multi_reduction <add>, %mul3A_14, %reduce_sum3A_15 [0] : vector<128x512xf32> to vector<512xf32>
    %broadcast_in_dim3A_17 = vector.shape_cast %reduce_sum3A_16 : vector<512xf32> to vector<1x512xf32>
    %transpose3A = tpu.transpose %broadcast_in_dim3A_17, [1, 0] : vector<1x512xf32> -> vector<512x1xf32>
    %sub3A = arith.constant 0.000000e+00 : f32
    %sub3A_18 = vector.broadcast %sub3A : f32 to vector<512x1xf32>
    %sub3A_19 = arith.subf %sub3A_18, %transpose3A : vector<512x1xf32>
    %sub3A_20 = vector.broadcast %sub3A_19 : vector<512x1xf32> to vector<512x2048xf32>
    %sub3A_21 = arith.subf %sub3A_20, %mul3A_11 : vector<512x2048xf32>
    %sub3A_22 = vector.broadcast %broadcast_in_dim3A : vector<1x2048xf32> to vector<512x2048xf32>
    %sub3A_23 = arith.subf %sub3A_21, %sub3A_22 : vector<512x2048xf32>
    %iota3A = tpu.iota {dimensions = array<i32: 1>} : vector<512x2048xi32>
    %convert_element_type3A = arith.sitofp %iota3A : vector<512x2048xi32> to vector<512x2048xf32>
    %reduce_max3A = arith.constant dense<0xFF800000> : vector<512xf32>
    %reduce_max3A_24 = vector.multi_reduction <maximumf>, %sub3A_23, %reduce_max3A [1] : vector<512x2048xf32> to vector<512xf32>
    %broadcast_in_dim3A_25 = vector.shape_cast %reduce_max3A_24 : vector<512xf32> to vector<512x1xf32>
    %ge3A = vector.broadcast %broadcast_in_dim3A_25 : vector<512x1xf32> to vector<512x2048xf32>
    %ge3A_26 = arith.cmpf oge, %sub3A_23, %ge3A : vector<512x2048xf32>
    %jit3A = arith.constant 2.048000e+03 : f32
    %broadcast_in_dim3A_27 = vector.broadcast %jit3A : f32 to vector<512x2048xf32>
    %select_n3A = arith.select %ge3A_26, %convert_element_type3A, %broadcast_in_dim3A_27 : vector<512x2048xi1>, vector<512x2048xf32>
    %reduce_min3A = arith.constant dense<0x7F800000> : vector<512xf32>
    %reduce_min3A_28 = vector.multi_reduction <minimumf>, %select_n3A, %reduce_min3A [1] : vector<512x2048xf32> to vector<512xf32>
    %broadcast_in_dim3A_29 = vector.shape_cast %reduce_min3A_28 : vector<512xf32> to vector<512x1xf32>
    %eq3A = vector.broadcast %broadcast_in_dim3A_29 : vector<512x1xf32> to vector<512x2048xf32>
    %eq3A_30 = arith.cmpf oeq, %select_n3A, %eq3A : vector<512x2048xf32>
    %jit3A_31 = arith.constant 0xFF800000 : f32
    %broadcast_in_dim3A_32 = vector.broadcast %jit3A_31 : f32 to vector<512x2048xf32>
    %select_n3A_33 = arith.select %eq3A_30, %broadcast_in_dim3A_32, %sub3A_23 : vector<512x2048xi1>, vector<512x2048xf32>
    %reduce_max3A_34 = arith.constant dense<0xFF800000> : vector<512xf32>
    %reduce_max3A_35 = vector.multi_reduction <maximumf>, %select_n3A_33, %reduce_max3A_34 [1] : vector<512x2048xf32> to vector<512xf32>
    %broadcast_in_dim3A_36 = vector.shape_cast %reduce_max3A_35 : vector<512xf32> to vector<512x1xf32>
    %ge3A_37 = vector.broadcast %broadcast_in_dim3A_36 : vector<512x1xf32> to vector<512x2048xf32>
    %ge3A_38 = arith.cmpf oge, %select_n3A_33, %ge3A_37 : vector<512x2048xf32>
    %jit3A_39 = arith.constant 2.048000e+03 : f32
    %broadcast_in_dim3A_40 = vector.broadcast %jit3A_39 : f32 to vector<512x2048xf32>
    %select_n3A_41 = arith.select %ge3A_38, %convert_element_type3A, %broadcast_in_dim3A_40 : vector<512x2048xi1>, vector<512x2048xf32>
    %reduce_min3A_42 = arith.constant dense<0x7F800000> : vector<512xf32>
    %reduce_min3A_43 = vector.multi_reduction <minimumf>, %select_n3A_41, %reduce_min3A_42 [1] : vector<512x2048xf32> to vector<512xf32>
    %broadcast_in_dim3A_44 = vector.shape_cast %reduce_min3A_43 : vector<512xf32> to vector<512x1xf32>
    %eq3A_45 = vector.broadcast %broadcast_in_dim3A_44 : vector<512x1xf32> to vector<512x2048xf32>
    %eq3A_46 = arith.cmpf oeq, %select_n3A_41, %eq3A_45 : vector<512x2048xf32>
    %jit3A_47 = arith.constant 0xFF800000 : f32
    %broadcast_in_dim3A_48 = vector.broadcast %jit3A_47 : f32 to vector<512x2048xf32>
    %select_n3A_49 = arith.select %eq3A_46, %broadcast_in_dim3A_48, %select_n3A_33 : vector<512x2048xi1>, vector<512x2048xf32>
    %reduce_max3A_50 = arith.constant dense<0xFF800000> : vector<512xf32>
    %reduce_max3A_51 = vector.multi_reduction <maximumf>, %select_n3A_49, %reduce_max3A_50 [1] : vector<512x2048xf32> to vector<512xf32>
    %broadcast_in_dim3A_52 = vector.shape_cast %reduce_max3A_51 : vector<512xf32> to vector<512x1xf32>
    %ge3A_53 = vector.broadcast %broadcast_in_dim3A_52 : vector<512x1xf32> to vector<512x2048xf32>
    %ge3A_54 = arith.cmpf oge, %select_n3A_49, %ge3A_53 : vector<512x2048xf32>
    %jit3A_55 = arith.constant 2.048000e+03 : f32
    %broadcast_in_dim3A_56 = vector.broadcast %jit3A_55 : f32 to vector<512x2048xf32>
    %select_n3A_57 = arith.select %ge3A_54, %convert_element_type3A, %broadcast_in_dim3A_56 : vector<512x2048xi1>, vector<512x2048xf32>
    %reduce_min3A_58 = arith.constant dense<0x7F800000> : vector<512xf32>
    %reduce_min3A_59 = vector.multi_reduction <minimumf>, %select_n3A_57, %reduce_min3A_58 [1] : vector<512x2048xf32> to vector<512xf32>
    %broadcast_in_dim3A_60 = vector.shape_cast %reduce_min3A_59 : vector<512xf32> to vector<512x1xf32>
    %eq3A_61 = vector.broadcast %broadcast_in_dim3A_60 : vector<512x1xf32> to vector<512x2048xf32>
    %eq3A_62 = arith.cmpf oeq, %select_n3A_57, %eq3A_61 : vector<512x2048xf32>
    %jit3A_63 = arith.constant 0xFF800000 : f32
    %broadcast_in_dim3A_64 = vector.broadcast %jit3A_63 : f32 to vector<512x2048xf32>
    %select_n3A_65 = arith.select %eq3A_62, %broadcast_in_dim3A_64, %select_n3A_49 : vector<512x2048xi1>, vector<512x2048xf32>
    %reduce_max3A_66 = arith.constant dense<0xFF800000> : vector<512xf32>
    %reduce_max3A_67 = vector.multi_reduction <maximumf>, %select_n3A_65, %reduce_max3A_66 [1] : vector<512x2048xf32> to vector<512xf32>
    %broadcast_in_dim3A_68 = vector.shape_cast %reduce_max3A_67 : vector<512xf32> to vector<512x1xf32>
    %ge3A_69 = vector.broadcast %broadcast_in_dim3A_68 : vector<512x1xf32> to vector<512x2048xf32>
    %ge3A_70 = arith.cmpf oge, %select_n3A_65, %ge3A_69 : vector<512x2048xf32>
    %jit3A_71 = arith.constant 2.048000e+03 : f32
    %broadcast_in_dim3A_72 = vector.broadcast %jit3A_71 : f32 to vector<512x2048xf32>
    %select_n3A_73 = arith.select %ge3A_70, %convert_element_type3A, %broadcast_in_dim3A_72 : vector<512x2048xi1>, vector<512x2048xf32>
    %reduce_min3A_74 = arith.constant dense<0x7F800000> : vector<512xf32>
    %reduce_min3A_75 = vector.multi_reduction <minimumf>, %select_n3A_73, %reduce_min3A_74 [1] : vector<512x2048xf32> to vector<512xf32>
    %broadcast_in_dim3A_76 = vector.shape_cast %reduce_min3A_75 : vector<512xf32> to vector<512x1xf32>
    %eq3A_77 = vector.broadcast %broadcast_in_dim3A_76 : vector<512x1xf32> to vector<512x2048xf32>
    %eq3A_78 = arith.cmpf oeq, %select_n3A_73, %eq3A_77 : vector<512x2048xf32>
    %jit3A_79 = arith.constant 0xFF800000 : f32
    %broadcast_in_dim3A_80 = vector.broadcast %jit3A_79 : f32 to vector<512x2048xf32>
    %select_n3A_81 = arith.select %eq3A_78, %broadcast_in_dim3A_80, %select_n3A_65 : vector<512x2048xi1>, vector<512x2048xf32>
    %reduce_max3A_82 = arith.constant dense<0xFF800000> : vector<512xf32>
    %reduce_max3A_83 = vector.multi_reduction <maximumf>, %select_n3A_81, %reduce_max3A_82 [1] : vector<512x2048xf32> to vector<512xf32>
    %broadcast_in_dim3A_84 = vector.shape_cast %reduce_max3A_83 : vector<512xf32> to vector<512x1xf32>
    %ge3A_85 = vector.broadcast %broadcast_in_dim3A_84 : vector<512x1xf32> to vector<512x2048xf32>
    %ge3A_86 = arith.cmpf oge, %select_n3A_81, %ge3A_85 : vector<512x2048xf32>
    %jit3A_87 = arith.constant 2.048000e+03 : f32
    %broadcast_in_dim3A_88 = vector.broadcast %jit3A_87 : f32 to vector<512x2048xf32>
    %select_n3A_89 = arith.select %ge3A_86, %convert_element_type3A, %broadcast_in_dim3A_88 : vector<512x2048xi1>, vector<512x2048xf32>
    %reduce_min3A_90 = arith.constant dense<0x7F800000> : vector<512xf32>
    %reduce_min3A_91 = vector.multi_reduction <minimumf>, %select_n3A_89, %reduce_min3A_90 [1] : vector<512x2048xf32> to vector<512xf32>
    %broadcast_in_dim3A_92 = vector.shape_cast %reduce_min3A_91 : vector<512xf32> to vector<512x1xf32>
    %eq3A_93 = vector.broadcast %broadcast_in_dim3A_92 : vector<512x1xf32> to vector<512x2048xf32>
    %eq3A_94 = arith.cmpf oeq, %select_n3A_89, %eq3A_93 : vector<512x2048xf32>
    %jit3A_95 = arith.constant 0xFF800000 : f32
    %broadcast_in_dim3A_96 = vector.broadcast %jit3A_95 : f32 to vector<512x2048xf32>
    %select_n3A_97 = arith.select %eq3A_94, %broadcast_in_dim3A_96, %select_n3A_81 : vector<512x2048xi1>, vector<512x2048xf32>
    %reduce_max3A_98 = arith.constant dense<0xFF800000> : vector<512xf32>
    %reduce_max3A_99 = vector.multi_reduction <maximumf>, %select_n3A_97, %reduce_max3A_98 [1] : vector<512x2048xf32> to vector<512xf32>
    %broadcast_in_dim3A_100 = vector.shape_cast %reduce_max3A_99 : vector<512xf32> to vector<512x1xf32>
    %ge3A_101 = vector.broadcast %broadcast_in_dim3A_100 : vector<512x1xf32> to vector<512x2048xf32>
    %ge3A_102 = arith.cmpf oge, %select_n3A_97, %ge3A_101 : vector<512x2048xf32>
    %jit3A_103 = arith.constant 2.048000e+03 : f32
    %broadcast_in_dim3A_104 = vector.broadcast %jit3A_103 : f32 to vector<512x2048xf32>
    %select_n3A_105 = arith.select %ge3A_102, %convert_element_type3A, %broadcast_in_dim3A_104 : vector<512x2048xi1>, vector<512x2048xf32>
    %reduce_min3A_106 = arith.constant dense<0x7F800000> : vector<512xf32>
    %reduce_min3A_107 = vector.multi_reduction <minimumf>, %select_n3A_105, %reduce_min3A_106 [1] : vector<512x2048xf32> to vector<512xf32>
    %broadcast_in_dim3A_108 = vector.shape_cast %reduce_min3A_107 : vector<512xf32> to vector<512x1xf32>
    %eq3A_109 = vector.broadcast %broadcast_in_dim3A_108 : vector<512x1xf32> to vector<512x2048xf32>
    %eq3A_110 = arith.cmpf oeq, %select_n3A_105, %eq3A_109 : vector<512x2048xf32>
    %jit3A_111 = arith.constant 0xFF800000 : f32
    %broadcast_in_dim3A_112 = vector.broadcast %jit3A_111 : f32 to vector<512x2048xf32>
    %select_n3A_113 = arith.select %eq3A_110, %broadcast_in_dim3A_112, %select_n3A_97 : vector<512x2048xi1>, vector<512x2048xf32>
    %reduce_max3A_114 = arith.constant dense<0xFF800000> : vector<512xf32>
    %reduce_max3A_115 = vector.multi_reduction <maximumf>, %select_n3A_113, %reduce_max3A_114 [1] : vector<512x2048xf32> to vector<512xf32>
    %broadcast_in_dim3A_116 = vector.shape_cast %reduce_max3A_115 : vector<512xf32> to vector<512x1xf32>
    %ge3A_117 = vector.broadcast %broadcast_in_dim3A_116 : vector<512x1xf32> to vector<512x2048xf32>
    %ge3A_118 = arith.cmpf oge, %select_n3A_113, %ge3A_117 : vector<512x2048xf32>
    %jit3A_119 = arith.constant 2.048000e+03 : f32
    %broadcast_in_dim3A_120 = vector.broadcast %jit3A_119 : f32 to vector<512x2048xf32>
    %select_n3A_121 = arith.select %ge3A_118, %convert_element_type3A, %broadcast_in_dim3A_120 : vector<512x2048xi1>, vector<512x2048xf32>
    %reduce_min3A_122 = arith.constant dense<0x7F800000> : vector<512xf32>
    %reduce_min3A_123 = vector.multi_reduction <minimumf>, %select_n3A_121, %reduce_min3A_122 [1] : vector<512x2048xf32> to vector<512xf32>
    %broadcast_in_dim3A_124 = vector.shape_cast %reduce_min3A_123 : vector<512xf32> to vector<512x1xf32>
    %eq3A_125 = vector.broadcast %broadcast_in_dim3A_124 : vector<512x1xf32> to vector<512x2048xf32>
    %eq3A_126 = arith.cmpf oeq, %select_n3A_121, %eq3A_125 : vector<512x2048xf32>
    %jit3A_127 = arith.constant 0xFF800000 : f32
    %broadcast_in_dim3A_128 = vector.broadcast %jit3A_127 : f32 to vector<512x2048xf32>
    %select_n3A_129 = arith.select %eq3A_126, %broadcast_in_dim3A_128, %select_n3A_113 : vector<512x2048xi1>, vector<512x2048xf32>
    %reduce_max3A_130 = arith.constant dense<0xFF800000> : vector<512xf32>
    %reduce_max3A_131 = vector.multi_reduction <maximumf>, %select_n3A_129, %reduce_max3A_130 [1] : vector<512x2048xf32> to vector<512xf32>
    %broadcast_in_dim3A_132 = vector.shape_cast %reduce_max3A_131 : vector<512xf32> to vector<512x1xf32>
    %ge3A_133 = vector.broadcast %broadcast_in_dim3A_132 : vector<512x1xf32> to vector<512x2048xf32>
    %ge3A_134 = arith.cmpf oge, %select_n3A_129, %ge3A_133 : vector<512x2048xf32>
    %jit3A_135 = arith.constant 2.048000e+03 : f32
    %broadcast_in_dim3A_136 = vector.broadcast %jit3A_135 : f32 to vector<512x2048xf32>
    %select_n3A_137 = arith.select %ge3A_134, %convert_element_type3A, %broadcast_in_dim3A_136 : vector<512x2048xi1>, vector<512x2048xf32>
    %reduce_min3A_138 = arith.constant dense<0x7F800000> : vector<512xf32>
    %reduce_min3A_139 = vector.multi_reduction <minimumf>, %select_n3A_137, %reduce_min3A_138 [1] : vector<512x2048xf32> to vector<512xf32>
    %broadcast_in_dim3A_140 = vector.shape_cast %reduce_min3A_139 : vector<512xf32> to vector<512x1xf32>
    %concatenate3A = tpu.concatenate %broadcast_in_dim3A_29, %broadcast_in_dim3A_44, %broadcast_in_dim3A_60, %broadcast_in_dim3A_76, %broadcast_in_dim3A_92, %broadcast_in_dim3A_108, %broadcast_in_dim3A_124, %broadcast_in_dim3A_140 in 1 : vector<512x1xf32>, vector<512x1xf32>, vector<512x1xf32>, vector<512x1xf32>, vector<512x1xf32>, vector<512x1xf32>, vector<512x1xf32>, vector<512x1xf32> -> vector<512x8xf32>
    %transpose3A_141 = tpu.transpose %concatenate3A, [1, 0] : vector<512x8xf32> -> vector<8x512xf32>
    %convert_element_type3A_142 = arith.fptosi %transpose3A_141 : vector<8x512xf32> to vector<8x512xi32>
    %swap3A = arith.constant 0 : index
    %swap3A_143 = arith.constant 0 : index
    %swap3A_144 = arith.constant 0 : index
    %swap3A_145 = vector.load %arg4[%swap3A, %swap3A_143, %swap3A_144] : memref<1x8x512xi32, #tpu.memory_space<vmem>>, vector<1x8x512xi32>
    %swap3A_146 = vector.shape_cast %swap3A_145 : vector<1x8x512xi32> to vector<8x512xi32>
    %swap3A_147 = vector.shape_cast %convert_element_type3A_142 : vector<8x512xi32> to vector<1x8x512xi32>
    tpu.vector_store %arg4[%swap3A, %swap3A_143, %swap3A_144], %swap3A_147 {strides = array<i32>} : memref<1x8x512xi32, #tpu.memory_space<vmem>>, vector<1x8x512xi32>,
    %get3A_148 = arith.constant 0 : index
    %get3A_149 = arith.constant 0 : index
    %get3A_150 = vector.load %arg3[%get3A_148, %get3A_149] : memref<128x128xf32, #tpu.memory_space<vmem>>, vector<128x128xf32>
    %dot_general3A_151 = arith.constant dense<0.000000e+00> : vector<512x128xf32>
    %dot_general3A_152 = tpu.matmul %get3A_3, %get3A_150, %dot_general3A_151 {dimension_numbers = #tpu.dot_dimension_numbers<[0], [0], [1], [1], [0, 1, 1, 1], [], []>, transpose_lhs_hint = false} : vector<128x512xf32>, vector<128x128xf32>, vector<512x128xf32> -> vector<512x128xf32>
    %swap3A_153 = arith.constant 0 : index
    %swap3A_154 = arith.constant 0 : index
    %swap3A_155 = arith.constant 0 : index
    %swap3A_156 = vector.load %arg5[%swap3A_153, %swap3A_154, %swap3A_155] : memref<1x512x128xf32, #tpu.memory_space<vmem>>, vector<1x512x128xf32>
    %swap3A_157 = vector.shape_cast %swap3A_156 : vector<1x512x128xf32> to vector<512x128xf32>
    %swap3A_158 = vector.shape_cast %dot_general3A_152 : vector<512x128xf32> to vector<1x512x128xf32>
    tpu.vector_store %arg5[%swap3A_153, %swap3A_154, %swap3A_155], %swap3A_158 {strides = array<i32>} : memref<1x512x128xf32, #tpu.memory_space<vmem>>, vector<1x512x128xf32>,
    return
  }
  func.func @transform_0(%arg0: i32) -> (i32, i32, i32) {
    %c2_i32 = arith.constant 2 : i32
    %c0_i32 = arith.constant 0 : i32
    %c0_i32_0 = arith.constant 0 : i32
    return %c2_i32, %c0_i32, %arg0 : i32, i32, i32
  }
  func.func @transform_1(%arg0: i32) -> (i32, i32, i32) {
    %c2_i32 = arith.constant 2 : i32
    %c0_i32 = arith.constant 0 : i32
    %c0_i32_0 = arith.constant 0 : i32
    %c0_i32_1 = arith.constant 0 : i32
    return %c2_i32, %c0_i32, %c0_i32_0 : i32, i32, i32
  }
  func.func @transform_2(%arg0: i32) -> (i32, i32) {
    %c0_i32 = arith.constant 0 : i32
    %c0_i32_0 = arith.constant 0 : i32
    %c0_i32_1 = arith.constant 0 : i32
    return %c0_i32, %c0_i32_0 : i32, i32
  }
  func.func @transform_3(%arg0: i32) -> (i32, i32, i32) {
    %c0_i32 = arith.constant 0 : i32
    %c0_i32_0 = arith.constant 0 : i32
    %c0_i32_1 = arith.constant 0 : i32
    return %c0_i32, %c0_i32_0, %arg0 : i32, i32, i32
  }
  func.func @transform_4(%arg0: i32) -> (i32, i32, i32) {
    %c0_i32 = arith.constant 0 : i32
    %c0_i32_0 = arith.constant 0 : i32
    %c0_i32_1 = arith.constant 0 : i32
    return %c0_i32, %arg0, %c0_i32_0 : i32, i32, i32
  }
}

module attributes {stable_mosaic.version = 14 : i64} {
  func.func @_mlp_body(%arg0: i32, %arg1: memref<8x1024x128xf32, #tpu.memory_space<vmem>>, %arg2: memref<1x128x1024xf32, #tpu.memory_space<vmem>>, %arg3: memref<128x128xf32, #tpu.memory_space<vmem>>, %arg4: memref<1x128xf32, #tpu.memory_space<vmem>>, %arg5: memref<128x128xf32, #tpu.memory_space<vmem>>, %arg6: memref<1x128xf32, #tpu.memory_space<vmem>>, %arg7: memref<128x128xf32, #tpu.memory_space<vmem>>, %arg8: memref<1x128xf32, #tpu.memory_space<vmem>>, %arg9: memref<128x128xf32, #tpu.memory_space<vmem>>, %arg10: memref<128x1xf32, #tpu.memory_space<vmem>>, %arg11: memref<128x1024xf32, #tpu.memory_space<vmem>>) attributes {dimension_semantics = [#tpu.dimension_semantics<arbitrary>], iteration_bounds = array<i64: 2>, scalar_prefetch = 0 : i64, scratch_operands = 0 : i64, tpu.core_type = #tpu.core_type<tc>, window_params = [{transform_indices = @transform_0, window_bounds = array<i64: 8, 1024, 128>}, {transform_indices = @transform_1, window_bounds = array<i64: 1, 128, 1024>}, {pipeline_mode = #tpu.pipeline_mode<synchronous>, transform_indices = @transform_2, window_bounds = array<i64: 128, 128>}, {pipeline_mode = #tpu.pipeline_mode<synchronous>, transform_indices = @transform_3, window_bounds = array<i64: 1, 128>}, {pipeline_mode = #tpu.pipeline_mode<synchronous>, transform_indices = @transform_4, window_bounds = array<i64: 128, 128>}, {pipeline_mode = #tpu.pipeline_mode<synchronous>, transform_indices = @transform_5, window_bounds = array<i64: 1, 128>}, {pipeline_mode = #tpu.pipeline_mode<synchronous>, transform_indices = @transform_6, window_bounds = array<i64: 128, 128>}, {pipeline_mode = #tpu.pipeline_mode<synchronous>, transform_indices = @transform_7, window_bounds = array<i64: 1, 128>}, {pipeline_mode = #tpu.pipeline_mode<synchronous>, transform_indices = @transform_8, window_bounds = array<i64: 128, 128>}, {pipeline_mode = #tpu.pipeline_mode<synchronous>, transform_indices = @transform_9, window_bounds = array<i64: 128, 1>}, {transform_indices = @transform_10, window_bounds = array<i64: 128, 1024>}]} {
    %get3A = arith.constant 0 : index
    %get3A_0 = arith.constant 0 : index
    %get3A_1 = arith.constant 0 : index
    %get3A_2 = vector.load %arg1[%get3A, %get3A_0, %get3A_1] : memref<8x1024x128xf32, #tpu.memory_space<vmem>>, vector<8x1024x128xf32>
    %get3A_3 = arith.constant 0 : index
    %get3A_4 = arith.constant 0 : index
    %get3A_5 = arith.constant 0 : index
    %get3A_6 = vector.load %arg2[%get3A_3, %get3A_4, %get3A_5] : memref<1x128x1024xf32, #tpu.memory_space<vmem>>, vector<1x128x1024xf32>
    %get3A_7 = vector.shape_cast %get3A_6 : vector<1x128x1024xf32> to vector<128x1024xf32>
    %get3A_8 = arith.constant 0 : index
    %get3A_9 = arith.constant 0 : index
    %get3A_10 = vector.load %arg3[%get3A_8, %get3A_9] : memref<128x128xf32, #tpu.memory_space<vmem>>, vector<128x128xf32>
    %dot_general3A = arith.constant dense<0.000000e+00> : vector<1024x128xf32>
    %dot_general3A_11 = tpu.matmul %get3A_7, %get3A_10, %dot_general3A {dimension_numbers = #tpu.dot_dimension_numbers<[0], [0], [1], [1], [0, 1, 1, 1], [], []>, transpose_lhs_hint = false} : vector<128x1024xf32>, vector<128x128xf32>, vector<1024x128xf32> -> vector<1024x128xf32>
    %get3A_12 = arith.constant 0 : index
    %get3A_13 = arith.constant 0 : index
    %get3A_14 = vector.load %arg4[%get3A_12, %get3A_13] : memref<1x128xf32, #tpu.memory_space<vmem>>, vector<1x128xf32>
    %add3A = vector.broadcast %get3A_14 : vector<1x128xf32> to vector<1024x128xf32>
    %add3A_15 = arith.addf %dot_general3A_11, %add3A : vector<1024x128xf32>
    %broadcast_in_dim3A = vector.shape_cast %add3A_15 : vector<1024x128xf32> to vector<1x1024x128xf32>
    %add3A_16 = vector.broadcast %broadcast_in_dim3A : vector<1x1024x128xf32> to vector<8x1024x128xf32>
    %add3A_17 = arith.addf %get3A_2, %add3A_16 : vector<8x1024x128xf32>
    %max3A = arith.constant 0.000000e+00 : f32
    %max3A_18 = vector.broadcast %max3A : f32 to vector<8x1024x128xf32>
    %max3A_19 = arith.maximumf %add3A_17, %max3A_18 : vector<8x1024x128xf32>
    %reshape3A = vector.shape_cast %max3A_19 : vector<8x1024x128xf32> to vector<8192x128xf32>
    %get3A_20 = arith.constant 0 : index
    %get3A_21 = arith.constant 0 : index
    %get3A_22 = vector.load %arg5[%get3A_20, %get3A_21] : memref<128x128xf32, #tpu.memory_space<vmem>>, vector<128x128xf32>
    %dot_general3A_23 = arith.constant dense<0.000000e+00> : vector<8192x128xf32>
    %dot_general3A_24 = tpu.matmul %reshape3A, %get3A_22, %dot_general3A_23 {dimension_numbers = #tpu.dot_dimension_numbers<[1], [0], [0], [1], [0, 0, 1, 1], [], []>, transpose_lhs_hint = false} : vector<8192x128xf32>, vector<128x128xf32>, vector<8192x128xf32> -> vector<8192x128xf32>
    %get3A_25 = arith.constant 0 : index
    %get3A_26 = arith.constant 0 : index
    %get3A_27 = vector.load %arg6[%get3A_25, %get3A_26] : memref<1x128xf32, #tpu.memory_space<vmem>>, vector<1x128xf32>
    %add3A_28 = vector.broadcast %get3A_27 : vector<1x128xf32> to vector<8192x128xf32>
    %add3A_29 = arith.addf %dot_general3A_24, %add3A_28 : vector<8192x128xf32>
    %max3A_30 = arith.constant 0.000000e+00 : f32
    %max3A_31 = vector.broadcast %max3A_30 : f32 to vector<8192x128xf32>
    %max3A_32 = arith.maximumf %add3A_29, %max3A_31 : vector<8192x128xf32>
    %get3A_33 = arith.constant 0 : index
    %get3A_34 = arith.constant 0 : index
    %get3A_35 = vector.load %arg7[%get3A_33, %get3A_34] : memref<128x128xf32, #tpu.memory_space<vmem>>, vector<128x128xf32>
    %dot_general3A_36 = arith.constant dense<0.000000e+00> : vector<8192x128xf32>
    %dot_general3A_37 = tpu.matmul %max3A_32, %get3A_35, %dot_general3A_36 {dimension_numbers = #tpu.dot_dimension_numbers<[1], [0], [0], [1], [0, 0, 1, 1], [], []>, transpose_lhs_hint = false} : vector<8192x128xf32>, vector<128x128xf32>, vector<8192x128xf32> -> vector<8192x128xf32>
    %get3A_38 = arith.constant 0 : index
    %get3A_39 = arith.constant 0 : index
    %get3A_40 = vector.load %arg8[%get3A_38, %get3A_39] : memref<1x128xf32, #tpu.memory_space<vmem>>, vector<1x128xf32>
    %add3A_41 = vector.broadcast %get3A_40 : vector<1x128xf32> to vector<8192x128xf32>
    %add3A_42 = arith.addf %dot_general3A_37, %add3A_41 : vector<8192x128xf32>
    %max3A_43 = arith.constant 0.000000e+00 : f32
    %max3A_44 = vector.broadcast %max3A_43 : f32 to vector<8192x128xf32>
    %max3A_45 = arith.maximumf %add3A_42, %max3A_44 : vector<8192x128xf32>
    %reshape3A_46 = vector.shape_cast %max3A_45 : vector<8192x128xf32> to vector<8x1024x128xf32>
    %slice3A = vector.extract_strided_slice %reshape3A_46 {offsets = [0, 0, 0], sizes = [1, 1024, 128], strides = [1, 1, 1]} : vector<8x1024x128xf32> to vector<1x1024x128xf32>
    %squeeze3A = vector.shape_cast %slice3A : vector<1x1024x128xf32> to vector<1024x128xf32>
    %slice3A_47 = vector.extract_strided_slice %reshape3A_46 {offsets = [1, 0, 0], sizes = [1, 1024, 128], strides = [1, 1, 1]} : vector<8x1024x128xf32> to vector<1x1024x128xf32>
    %squeeze3A_48 = vector.shape_cast %slice3A_47 : vector<1x1024x128xf32> to vector<1024x128xf32>
    %max3A_49 = arith.maximumf %squeeze3A, %squeeze3A_48 : vector<1024x128xf32>
    %slice3A_50 = vector.extract_strided_slice %reshape3A_46 {offsets = [2, 0, 0], sizes = [1, 1024, 128], strides = [1, 1, 1]} : vector<8x1024x128xf32> to vector<1x1024x128xf32>
    %squeeze3A_51 = vector.shape_cast %slice3A_50 : vector<1x1024x128xf32> to vector<1024x128xf32>
    %max3A_52 = arith.maximumf %max3A_49, %squeeze3A_51 : vector<1024x128xf32>
    %slice3A_53 = vector.extract_strided_slice %reshape3A_46 {offsets = [3, 0, 0], sizes = [1, 1024, 128], strides = [1, 1, 1]} : vector<8x1024x128xf32> to vector<1x1024x128xf32>
    %squeeze3A_54 = vector.shape_cast %slice3A_53 : vector<1x1024x128xf32> to vector<1024x128xf32>
    %max3A_55 = arith.maximumf %max3A_52, %squeeze3A_54 : vector<1024x128xf32>
    %slice3A_56 = vector.extract_strided_slice %reshape3A_46 {offsets = [4, 0, 0], sizes = [1, 1024, 128], strides = [1, 1, 1]} : vector<8x1024x128xf32> to vector<1x1024x128xf32>
    %squeeze3A_57 = vector.shape_cast %slice3A_56 : vector<1x1024x128xf32> to vector<1024x128xf32>
    %max3A_58 = arith.maximumf %max3A_55, %squeeze3A_57 : vector<1024x128xf32>
    %slice3A_59 = vector.extract_strided_slice %reshape3A_46 {offsets = [5, 0, 0], sizes = [1, 1024, 128], strides = [1, 1, 1]} : vector<8x1024x128xf32> to vector<1x1024x128xf32>
    %squeeze3A_60 = vector.shape_cast %slice3A_59 : vector<1x1024x128xf32> to vector<1024x128xf32>
    %max3A_61 = arith.maximumf %max3A_58, %squeeze3A_60 : vector<1024x128xf32>
    %slice3A_62 = vector.extract_strided_slice %reshape3A_46 {offsets = [6, 0, 0], sizes = [1, 1024, 128], strides = [1, 1, 1]} : vector<8x1024x128xf32> to vector<1x1024x128xf32>
    %squeeze3A_63 = vector.shape_cast %slice3A_62 : vector<1x1024x128xf32> to vector<1024x128xf32>
    %max3A_64 = arith.maximumf %max3A_61, %squeeze3A_63 : vector<1024x128xf32>
    %slice3A_65 = vector.extract_strided_slice %reshape3A_46 {offsets = [7, 0, 0], sizes = [1, 1024, 128], strides = [1, 1, 1]} : vector<8x1024x128xf32> to vector<1x1024x128xf32>
    %squeeze3A_66 = vector.shape_cast %slice3A_65 : vector<1x1024x128xf32> to vector<1024x128xf32>
    %max3A_67 = arith.maximumf %max3A_64, %squeeze3A_66 : vector<1024x128xf32>
    %get3A_68 = arith.constant 0 : index
    %get3A_69 = arith.constant 0 : index
    %get3A_70 = arith.constant 0 : index
    %get3A_71 = vector.load %arg2[%get3A_68, %get3A_69, %get3A_70] : memref<1x128x1024xf32, #tpu.memory_space<vmem>>, vector<1x128x1024xf32>
    %get3A_72 = vector.shape_cast %get3A_71 : vector<1x128x1024xf32> to vector<128x1024xf32>
    %transpose3A = tpu.transpose %max3A_67, [1, 0] : vector<1024x128xf32> -> vector<128x1024xf32>
    %add3A_73 = arith.addf %get3A_72, %transpose3A : vector<128x1024xf32>
    %get3A_74 = arith.constant 0 : index
    %get3A_75 = arith.constant 0 : index
    %get3A_76 = vector.load %arg9[%get3A_74, %get3A_75] : memref<128x128xf32, #tpu.memory_space<vmem>>, vector<128x128xf32>
    %dot_general3A_77 = arith.constant dense<0.000000e+00> : vector<128x1024xf32>
    %dot_general3A_78 = tpu.matmul %get3A_76, %add3A_73, %dot_general3A_77 {dimension_numbers = #tpu.dot_dimension_numbers<[1], [0], [0], [1], [0, 0, 1, 1], [], []>, transpose_lhs_hint = false} : vector<128x128xf32>, vector<128x1024xf32>, vector<128x1024xf32> -> vector<128x1024xf32>
    %get3A_79 = arith.constant 0 : index
    %get3A_80 = arith.constant 0 : index
    %get3A_81 = vector.load %arg10[%get3A_79, %get3A_80] : memref<128x1xf32, #tpu.memory_space<vmem>>, vector<128x1xf32>
    %add3A_82 = vector.broadcast %get3A_81 : vector<128x1xf32> to vector<128x1024xf32>
    %add3A_83 = arith.addf %dot_general3A_78, %add3A_82 : vector<128x1024xf32>
    %max3A_84 = arith.constant 0.000000e+00 : f32
    %max3A_85 = vector.broadcast %max3A_84 : f32 to vector<128x1024xf32>
    %max3A_86 = arith.maximumf %add3A_83, %max3A_85 : vector<128x1024xf32>
    %swap3A = arith.constant 0 : index
    %swap3A_87 = arith.constant 0 : index
    %swap3A_88 = vector.load %arg11[%swap3A, %swap3A_87] : memref<128x1024xf32, #tpu.memory_space<vmem>>, vector<128x1024xf32>
    tpu.vector_store %arg11[%swap3A, %swap3A_87], %max3A_86 {strides = array<i32>} : memref<128x1024xf32, #tpu.memory_space<vmem>>, vector<128x1024xf32>,
    return
  }
  func.func @transform_0(%arg0: i32) -> (i32, i32, i32) {
    %c0_i32 = arith.constant 0 : i32
    %c0_i32_0 = arith.constant 0 : i32
    %c0_i32_1 = arith.constant 0 : i32
    return %c0_i32, %arg0, %c0_i32_0 : i32, i32, i32
  }
  func.func @transform_1(%arg0: i32) -> (i32, i32, i32) {
    %c0_i32 = arith.constant 0 : i32
    %c0_i32_0 = arith.constant 0 : i32
    %c0_i32_1 = arith.constant 0 : i32
    return %c0_i32, %c0_i32_0, %arg0 : i32, i32, i32
  }
  func.func @transform_2(%arg0: i32) -> (i32, i32) {
    %c0_i32 = arith.constant 0 : i32
    %c0_i32_0 = arith.constant 0 : i32
    %c0_i32_1 = arith.constant 0 : i32
    return %c0_i32, %c0_i32_0 : i32, i32
  }
  func.func @transform_3(%arg0: i32) -> (i32, i32) {
    %c0_i32 = arith.constant 0 : i32
    %c0_i32_0 = arith.constant 0 : i32
    %c0_i32_1 = arith.constant 0 : i32
    return %c0_i32, %c0_i32_0 : i32, i32
  }
  func.func @transform_4(%arg0: i32) -> (i32, i32) {
    %c0_i32 = arith.constant 0 : i32
    %c0_i32_0 = arith.constant 0 : i32
    %c0_i32_1 = arith.constant 0 : i32
    return %c0_i32, %c0_i32_0 : i32, i32
  }
  func.func @transform_5(%arg0: i32) -> (i32, i32) {
    %c0_i32 = arith.constant 0 : i32
    %c0_i32_0 = arith.constant 0 : i32
    %c0_i32_1 = arith.constant 0 : i32
    return %c0_i32, %c0_i32_0 : i32, i32
  }
  func.func @transform_6(%arg0: i32) -> (i32, i32) {
    %c0_i32 = arith.constant 0 : i32
    %c0_i32_0 = arith.constant 0 : i32
    %c0_i32_1 = arith.constant 0 : i32
    return %c0_i32, %c0_i32_0 : i32, i32
  }
  func.func @transform_7(%arg0: i32) -> (i32, i32) {
    %c0_i32 = arith.constant 0 : i32
    %c0_i32_0 = arith.constant 0 : i32
    %c0_i32_1 = arith.constant 0 : i32
    return %c0_i32, %c0_i32_0 : i32, i32
  }
  func.func @transform_8(%arg0: i32) -> (i32, i32) {
    %c0_i32 = arith.constant 0 : i32
    %c0_i32_0 = arith.constant 0 : i32
    %c0_i32_1 = arith.constant 0 : i32
    return %c0_i32, %c0_i32_0 : i32, i32
  }
  func.func @transform_9(%arg0: i32) -> (i32, i32) {
    %c0_i32 = arith.constant 0 : i32
    %c0_i32_0 = arith.constant 0 : i32
    %c0_i32_1 = arith.constant 0 : i32
    return %c0_i32, %c0_i32_0 : i32, i32
  }
  func.func @transform_10(%arg0: i32) -> (i32, i32) {
    %c0_i32 = arith.constant 0 : i32
    %c0_i32_0 = arith.constant 0 : i32
    return %c0_i32, %arg0 : i32, i32
  }
}

module attributes {stable_mosaic.version = 14 : i64} {
  func.func @_mlp_body(%arg0: i32, %arg1: memref<8x1024x128xf32, #tpu.memory_space<vmem>>, %arg2: memref<1x128x1024xf32, #tpu.memory_space<vmem>>, %arg3: memref<128x128xf32, #tpu.memory_space<vmem>>, %arg4: memref<1x128xf32, #tpu.memory_space<vmem>>, %arg5: memref<128x128xf32, #tpu.memory_space<vmem>>, %arg6: memref<1x128xf32, #tpu.memory_space<vmem>>, %arg7: memref<128x128xf32, #tpu.memory_space<vmem>>, %arg8: memref<1x128xf32, #tpu.memory_space<vmem>>, %arg9: memref<128x128xf32, #tpu.memory_space<vmem>>, %arg10: memref<128x1xf32, #tpu.memory_space<vmem>>, %arg11: memref<128x1024xf32, #tpu.memory_space<vmem>>) attributes {dimension_semantics = [#tpu.dimension_semantics<arbitrary>], iteration_bounds = array<i64: 2>, scalar_prefetch = 0 : i64, scratch_operands = 0 : i64, tpu.core_type = #tpu.core_type<tc>, window_params = [{transform_indices = @transform_0, window_bounds = array<i64: 8, 1024, 128>}, {transform_indices = @transform_1, window_bounds = array<i64: 1, 128, 1024>}, {pipeline_mode = #tpu.pipeline_mode<synchronous>, transform_indices = @transform_2, window_bounds = array<i64: 128, 128>}, {pipeline_mode = #tpu.pipeline_mode<synchronous>, transform_indices = @transform_3, window_bounds = array<i64: 1, 128>}, {pipeline_mode = #tpu.pipeline_mode<synchronous>, transform_indices = @transform_4, window_bounds = array<i64: 128, 128>}, {pipeline_mode = #tpu.pipeline_mode<synchronous>, transform_indices = @transform_5, window_bounds = array<i64: 1, 128>}, {pipeline_mode = #tpu.pipeline_mode<synchronous>, transform_indices = @transform_6, window_bounds = array<i64: 128, 128>}, {pipeline_mode = #tpu.pipeline_mode<synchronous>, transform_indices = @transform_7, window_bounds = array<i64: 1, 128>}, {pipeline_mode = #tpu.pipeline_mode<synchronous>, transform_indices = @transform_8, window_bounds = array<i64: 128, 128>}, {pipeline_mode = #tpu.pipeline_mode<synchronous>, transform_indices = @transform_9, window_bounds = array<i64: 128, 1>}, {transform_indices = @transform_10, window_bounds = array<i64: 128, 1024>}]} {
    %get3A = arith.constant 0 : index
    %get3A_0 = arith.constant 0 : index
    %get3A_1 = arith.constant 0 : index
    %get3A_2 = vector.load %arg1[%get3A, %get3A_0, %get3A_1] : memref<8x1024x128xf32, #tpu.memory_space<vmem>>, vector<8x1024x128xf32>
    %get3A_3 = arith.constant 0 : index
    %get3A_4 = arith.constant 0 : index
    %get3A_5 = arith.constant 0 : index
    %get3A_6 = vector.load %arg2[%get3A_3, %get3A_4, %get3A_5] : memref<1x128x1024xf32, #tpu.memory_space<vmem>>, vector<1x128x1024xf32>
    %get3A_7 = vector.shape_cast %get3A_6 : vector<1x128x1024xf32> to vector<128x1024xf32>
    %get3A_8 = arith.constant 0 : index
    %get3A_9 = arith.constant 0 : index
    %get3A_10 = vector.load %arg3[%get3A_8, %get3A_9] : memref<128x128xf32, #tpu.memory_space<vmem>>, vector<128x128xf32>
    %dot_general3A = arith.constant dense<0.000000e+00> : vector<1024x128xf32>
    %dot_general3A_11 = tpu.matmul %get3A_7, %get3A_10, %dot_general3A {dimension_numbers = #tpu.dot_dimension_numbers<[0], [0], [1], [1], [0, 1, 1, 1], [], []>, transpose_lhs_hint = false} : vector<128x1024xf32>, vector<128x128xf32>, vector<1024x128xf32> -> vector<1024x128xf32>
    %get3A_12 = arith.constant 0 : index
    %get3A_13 = arith.constant 0 : index
    %get3A_14 = vector.load %arg4[%get3A_12, %get3A_13] : memref<1x128xf32, #tpu.memory_space<vmem>>, vector<1x128xf32>
    %add3A = vector.broadcast %get3A_14 : vector<1x128xf32> to vector<1024x128xf32>
    %add3A_15 = arith.addf %dot_general3A_11, %add3A : vector<1024x128xf32>
    %broadcast_in_dim3A = vector.shape_cast %add3A_15 : vector<1024x128xf32> to vector<1x1024x128xf32>
    %add3A_16 = vector.broadcast %broadcast_in_dim3A : vector<1x1024x128xf32> to vector<8x1024x128xf32>
    %add3A_17 = arith.addf %get3A_2, %add3A_16 : vector<8x1024x128xf32>
    %max3A = arith.constant 0.000000e+00 : f32
    %max3A_18 = vector.broadcast %max3A : f32 to vector<8x1024x128xf32>
    %max3A_19 = arith.maximumf %add3A_17, %max3A_18 : vector<8x1024x128xf32>
    %reshape3A = vector.shape_cast %max3A_19 : vector<8x1024x128xf32> to vector<8192x128xf32>
    %get3A_20 = arith.constant 0 : index
    %get3A_21 = arith.constant 0 : index
    %get3A_22 = vector.load %arg5[%get3A_20, %get3A_21] : memref<128x128xf32, #tpu.memory_space<vmem>>, vector<128x128xf32>
    %dot_general3A_23 = arith.constant dense<0.000000e+00> : vector<8192x128xf32>
    %dot_general3A_24 = tpu.matmul %reshape3A, %get3A_22, %dot_general3A_23 {dimension_numbers = #tpu.dot_dimension_numbers<[1], [0], [0], [1], [0, 0, 1, 1], [], []>, transpose_lhs_hint = false} : vector<8192x128xf32>, vector<128x128xf32>, vector<8192x128xf32> -> vector<8192x128xf32>
    %get3A_25 = arith.constant 0 : index
    %get3A_26 = arith.constant 0 : index
    %get3A_27 = vector.load %arg6[%get3A_25, %get3A_26] : memref<1x128xf32, #tpu.memory_space<vmem>>, vector<1x128xf32>
    %add3A_28 = vector.broadcast %get3A_27 : vector<1x128xf32> to vector<8192x128xf32>
    %add3A_29 = arith.addf %dot_general3A_24, %add3A_28 : vector<8192x128xf32>
    %max3A_30 = arith.constant 0.000000e+00 : f32
    %max3A_31 = vector.broadcast %max3A_30 : f32 to vector<8192x128xf32>
    %max3A_32 = arith.maximumf %add3A_29, %max3A_31 : vector<8192x128xf32>
    %get3A_33 = arith.constant 0 : index
    %get3A_34 = arith.constant 0 : index
    %get3A_35 = vector.load %arg7[%get3A_33, %get3A_34] : memref<128x128xf32, #tpu.memory_space<vmem>>, vector<128x128xf32>
    %dot_general3A_36 = arith.constant dense<0.000000e+00> : vector<8192x128xf32>
    %dot_general3A_37 = tpu.matmul %max3A_32, %get3A_35, %dot_general3A_36 {dimension_numbers = #tpu.dot_dimension_numbers<[1], [0], [0], [1], [0, 0, 1, 1], [], []>, transpose_lhs_hint = false} : vector<8192x128xf32>, vector<128x128xf32>, vector<8192x128xf32> -> vector<8192x128xf32>
    %get3A_38 = arith.constant 0 : index
    %get3A_39 = arith.constant 0 : index
    %get3A_40 = vector.load %arg8[%get3A_38, %get3A_39] : memref<1x128xf32, #tpu.memory_space<vmem>>, vector<1x128xf32>
    %add3A_41 = vector.broadcast %get3A_40 : vector<1x128xf32> to vector<8192x128xf32>
    %add3A_42 = arith.addf %dot_general3A_37, %add3A_41 : vector<8192x128xf32>
    %max3A_43 = arith.constant 0.000000e+00 : f32
    %max3A_44 = vector.broadcast %max3A_43 : f32 to vector<8192x128xf32>
    %max3A_45 = arith.maximumf %add3A_42, %max3A_44 : vector<8192x128xf32>
    %reshape3A_46 = vector.shape_cast %max3A_45 : vector<8192x128xf32> to vector<8x1024x128xf32>
    %slice3A = vector.extract_strided_slice %reshape3A_46 {offsets = [0, 0, 0], sizes = [1, 1024, 128], strides = [1, 1, 1]} : vector<8x1024x128xf32> to vector<1x1024x128xf32>
    %squeeze3A = vector.shape_cast %slice3A : vector<1x1024x128xf32> to vector<1024x128xf32>
    %slice3A_47 = vector.extract_strided_slice %reshape3A_46 {offsets = [1, 0, 0], sizes = [1, 1024, 128], strides = [1, 1, 1]} : vector<8x1024x128xf32> to vector<1x1024x128xf32>
    %squeeze3A_48 = vector.shape_cast %slice3A_47 : vector<1x1024x128xf32> to vector<1024x128xf32>
    %max3A_49 = arith.maximumf %squeeze3A, %squeeze3A_48 : vector<1024x128xf32>
    %slice3A_50 = vector.extract_strided_slice %reshape3A_46 {offsets = [2, 0, 0], sizes = [1, 1024, 128], strides = [1, 1, 1]} : vector<8x1024x128xf32> to vector<1x1024x128xf32>
    %squeeze3A_51 = vector.shape_cast %slice3A_50 : vector<1x1024x128xf32> to vector<1024x128xf32>
    %max3A_52 = arith.maximumf %max3A_49, %squeeze3A_51 : vector<1024x128xf32>
    %slice3A_53 = vector.extract_strided_slice %reshape3A_46 {offsets = [3, 0, 0], sizes = [1, 1024, 128], strides = [1, 1, 1]} : vector<8x1024x128xf32> to vector<1x1024x128xf32>
    %squeeze3A_54 = vector.shape_cast %slice3A_53 : vector<1x1024x128xf32> to vector<1024x128xf32>
    %max3A_55 = arith.maximumf %max3A_52, %squeeze3A_54 : vector<1024x128xf32>
    %slice3A_56 = vector.extract_strided_slice %reshape3A_46 {offsets = [4, 0, 0], sizes = [1, 1024, 128], strides = [1, 1, 1]} : vector<8x1024x128xf32> to vector<1x1024x128xf32>
    %squeeze3A_57 = vector.shape_cast %slice3A_56 : vector<1x1024x128xf32> to vector<1024x128xf32>
    %max3A_58 = arith.maximumf %max3A_55, %squeeze3A_57 : vector<1024x128xf32>
    %slice3A_59 = vector.extract_strided_slice %reshape3A_46 {offsets = [5, 0, 0], sizes = [1, 1024, 128], strides = [1, 1, 1]} : vector<8x1024x128xf32> to vector<1x1024x128xf32>
    %squeeze3A_60 = vector.shape_cast %slice3A_59 : vector<1x1024x128xf32> to vector<1024x128xf32>
    %max3A_61 = arith.maximumf %max3A_58, %squeeze3A_60 : vector<1024x128xf32>
    %slice3A_62 = vector.extract_strided_slice %reshape3A_46 {offsets = [6, 0, 0], sizes = [1, 1024, 128], strides = [1, 1, 1]} : vector<8x1024x128xf32> to vector<1x1024x128xf32>
    %squeeze3A_63 = vector.shape_cast %slice3A_62 : vector<1x1024x128xf32> to vector<1024x128xf32>
    %max3A_64 = arith.maximumf %max3A_61, %squeeze3A_63 : vector<1024x128xf32>
    %slice3A_65 = vector.extract_strided_slice %reshape3A_46 {offsets = [7, 0, 0], sizes = [1, 1024, 128], strides = [1, 1, 1]} : vector<8x1024x128xf32> to vector<1x1024x128xf32>
    %squeeze3A_66 = vector.shape_cast %slice3A_65 : vector<1x1024x128xf32> to vector<1024x128xf32>
    %max3A_67 = arith.maximumf %max3A_64, %squeeze3A_66 : vector<1024x128xf32>
    %get3A_68 = arith.constant 0 : index
    %get3A_69 = arith.constant 0 : index
    %get3A_70 = arith.constant 0 : index
    %get3A_71 = vector.load %arg2[%get3A_68, %get3A_69, %get3A_70] : memref<1x128x1024xf32, #tpu.memory_space<vmem>>, vector<1x128x1024xf32>
    %get3A_72 = vector.shape_cast %get3A_71 : vector<1x128x1024xf32> to vector<128x1024xf32>
    %transpose3A = tpu.transpose %max3A_67, [1, 0] : vector<1024x128xf32> -> vector<128x1024xf32>
    %add3A_73 = arith.addf %get3A_72, %transpose3A : vector<128x1024xf32>
    %get3A_74 = arith.constant 0 : index
    %get3A_75 = arith.constant 0 : index
    %get3A_76 = vector.load %arg9[%get3A_74, %get3A_75] : memref<128x128xf32, #tpu.memory_space<vmem>>, vector<128x128xf32>
    %dot_general3A_77 = arith.constant dense<0.000000e+00> : vector<128x1024xf32>
    %dot_general3A_78 = tpu.matmul %get3A_76, %add3A_73, %dot_general3A_77 {dimension_numbers = #tpu.dot_dimension_numbers<[1], [0], [0], [1], [0, 0, 1, 1], [], []>, transpose_lhs_hint = false} : vector<128x128xf32>, vector<128x1024xf32>, vector<128x1024xf32> -> vector<128x1024xf32>
    %get3A_79 = arith.constant 0 : index
    %get3A_80 = arith.constant 0 : index
    %get3A_81 = vector.load %arg10[%get3A_79, %get3A_80] : memref<128x1xf32, #tpu.memory_space<vmem>>, vector<128x1xf32>
    %add3A_82 = vector.broadcast %get3A_81 : vector<128x1xf32> to vector<128x1024xf32>
    %add3A_83 = arith.addf %dot_general3A_78, %add3A_82 : vector<128x1024xf32>
    %max3A_84 = arith.constant 0.000000e+00 : f32
    %max3A_85 = vector.broadcast %max3A_84 : f32 to vector<128x1024xf32>
    %max3A_86 = arith.maximumf %add3A_83, %max3A_85 : vector<128x1024xf32>
    %swap3A = arith.constant 0 : index
    %swap3A_87 = arith.constant 0 : index
    %swap3A_88 = vector.load %arg11[%swap3A, %swap3A_87] : memref<128x1024xf32, #tpu.memory_space<vmem>>, vector<128x1024xf32>
    tpu.vector_store %arg11[%swap3A, %swap3A_87], %max3A_86 {strides = array<i32>} : memref<128x1024xf32, #tpu.memory_space<vmem>>, vector<128x1024xf32>,
    return
  }
  func.func @transform_0(%arg0: i32) -> (i32, i32, i32) {
    %c0_i32 = arith.constant 0 : i32
    %c0_i32_0 = arith.constant 0 : i32
    %c0_i32_1 = arith.constant 0 : i32
    return %c0_i32, %arg0, %c0_i32_0 : i32, i32, i32
  }
  func.func @transform_1(%arg0: i32) -> (i32, i32, i32) {
    %c1_i32 = arith.constant 1 : i32
    %c0_i32 = arith.constant 0 : i32
    %c0_i32_0 = arith.constant 0 : i32
    return %c1_i32, %c0_i32, %arg0 : i32, i32, i32
  }
  func.func @transform_2(%arg0: i32) -> (i32, i32) {
    %c0_i32 = arith.constant 0 : i32
    %c0_i32_0 = arith.constant 0 : i32
    %c0_i32_1 = arith.constant 0 : i32
    return %c0_i32, %c0_i32_0 : i32, i32
  }
  func.func @transform_3(%arg0: i32) -> (i32, i32) {
    %c0_i32 = arith.constant 0 : i32
    %c0_i32_0 = arith.constant 0 : i32
    %c0_i32_1 = arith.constant 0 : i32
    return %c0_i32, %c0_i32_0 : i32, i32
  }
  func.func @transform_4(%arg0: i32) -> (i32, i32) {
    %c0_i32 = arith.constant 0 : i32
    %c0_i32_0 = arith.constant 0 : i32
    %c0_i32_1 = arith.constant 0 : i32
    return %c0_i32, %c0_i32_0 : i32, i32
  }
  func.func @transform_5(%arg0: i32) -> (i32, i32) {
    %c0_i32 = arith.constant 0 : i32
    %c0_i32_0 = arith.constant 0 : i32
    %c0_i32_1 = arith.constant 0 : i32
    return %c0_i32, %c0_i32_0 : i32, i32
  }
  func.func @transform_6(%arg0: i32) -> (i32, i32) {
    %c0_i32 = arith.constant 0 : i32
    %c0_i32_0 = arith.constant 0 : i32
    %c0_i32_1 = arith.constant 0 : i32
    return %c0_i32, %c0_i32_0 : i32, i32
  }
  func.func @transform_7(%arg0: i32) -> (i32, i32) {
    %c0_i32 = arith.constant 0 : i32
    %c0_i32_0 = arith.constant 0 : i32
    %c0_i32_1 = arith.constant 0 : i32
    return %c0_i32, %c0_i32_0 : i32, i32
  }
  func.func @transform_8(%arg0: i32) -> (i32, i32) {
    %c0_i32 = arith.constant 0 : i32
    %c0_i32_0 = arith.constant 0 : i32
    %c0_i32_1 = arith.constant 0 : i32
    return %c0_i32, %c0_i32_0 : i32, i32
  }
  func.func @transform_9(%arg0: i32) -> (i32, i32) {
    %c0_i32 = arith.constant 0 : i32
    %c0_i32_0 = arith.constant 0 : i32
    %c0_i32_1 = arith.constant 0 : i32
    return %c0_i32, %c0_i32_0 : i32, i32
  }
  func.func @transform_10(%arg0: i32) -> (i32, i32) {
    %c0_i32 = arith.constant 0 : i32
    %c0_i32_0 = arith.constant 0 : i32
    return %c0_i32, %arg0 : i32, i32
  }
}

module attributes {stable_mosaic.version = 14 : i64} {
  func.func @_mlp_body(%arg0: i32, %arg1: memref<8x1024x128xf32, #tpu.memory_space<vmem>>, %arg2: memref<1x128x1024xf32, #tpu.memory_space<vmem>>, %arg3: memref<128x128xf32, #tpu.memory_space<vmem>>, %arg4: memref<1x128xf32, #tpu.memory_space<vmem>>, %arg5: memref<128x128xf32, #tpu.memory_space<vmem>>, %arg6: memref<1x128xf32, #tpu.memory_space<vmem>>, %arg7: memref<128x128xf32, #tpu.memory_space<vmem>>, %arg8: memref<1x128xf32, #tpu.memory_space<vmem>>, %arg9: memref<128x128xf32, #tpu.memory_space<vmem>>, %arg10: memref<128x1xf32, #tpu.memory_space<vmem>>, %arg11: memref<128x1024xf32, #tpu.memory_space<vmem>>) attributes {dimension_semantics = [#tpu.dimension_semantics<arbitrary>], iteration_bounds = array<i64: 2>, scalar_prefetch = 0 : i64, scratch_operands = 0 : i64, tpu.core_type = #tpu.core_type<tc>, window_params = [{transform_indices = @transform_0, window_bounds = array<i64: 8, 1024, 128>}, {transform_indices = @transform_1, window_bounds = array<i64: 1, 128, 1024>}, {pipeline_mode = #tpu.pipeline_mode<synchronous>, transform_indices = @transform_2, window_bounds = array<i64: 128, 128>}, {pipeline_mode = #tpu.pipeline_mode<synchronous>, transform_indices = @transform_3, window_bounds = array<i64: 1, 128>}, {pipeline_mode = #tpu.pipeline_mode<synchronous>, transform_indices = @transform_4, window_bounds = array<i64: 128, 128>}, {pipeline_mode = #tpu.pipeline_mode<synchronous>, transform_indices = @transform_5, window_bounds = array<i64: 1, 128>}, {pipeline_mode = #tpu.pipeline_mode<synchronous>, transform_indices = @transform_6, window_bounds = array<i64: 128, 128>}, {pipeline_mode = #tpu.pipeline_mode<synchronous>, transform_indices = @transform_7, window_bounds = array<i64: 1, 128>}, {pipeline_mode = #tpu.pipeline_mode<synchronous>, transform_indices = @transform_8, window_bounds = array<i64: 128, 128>}, {pipeline_mode = #tpu.pipeline_mode<synchronous>, transform_indices = @transform_9, window_bounds = array<i64: 128, 1>}, {transform_indices = @transform_10, window_bounds = array<i64: 128, 1024>}]} {
    %get3A = arith.constant 0 : index
    %get3A_0 = arith.constant 0 : index
    %get3A_1 = arith.constant 0 : index
    %get3A_2 = vector.load %arg1[%get3A, %get3A_0, %get3A_1] : memref<8x1024x128xf32, #tpu.memory_space<vmem>>, vector<8x1024x128xf32>
    %get3A_3 = arith.constant 0 : index
    %get3A_4 = arith.constant 0 : index
    %get3A_5 = arith.constant 0 : index
    %get3A_6 = vector.load %arg2[%get3A_3, %get3A_4, %get3A_5] : memref<1x128x1024xf32, #tpu.memory_space<vmem>>, vector<1x128x1024xf32>
    %get3A_7 = vector.shape_cast %get3A_6 : vector<1x128x1024xf32> to vector<128x1024xf32>
    %get3A_8 = arith.constant 0 : index
    %get3A_9 = arith.constant 0 : index
    %get3A_10 = vector.load %arg3[%get3A_8, %get3A_9] : memref<128x128xf32, #tpu.memory_space<vmem>>, vector<128x128xf32>
    %dot_general3A = arith.constant dense<0.000000e+00> : vector<1024x128xf32>
    %dot_general3A_11 = tpu.matmul %get3A_7, %get3A_10, %dot_general3A {dimension_numbers = #tpu.dot_dimension_numbers<[0], [0], [1], [1], [0, 1, 1, 1], [], []>, transpose_lhs_hint = false} : vector<128x1024xf32>, vector<128x128xf32>, vector<1024x128xf32> -> vector<1024x128xf32>
    %get3A_12 = arith.constant 0 : index
    %get3A_13 = arith.constant 0 : index
    %get3A_14 = vector.load %arg4[%get3A_12, %get3A_13] : memref<1x128xf32, #tpu.memory_space<vmem>>, vector<1x128xf32>
    %add3A = vector.broadcast %get3A_14 : vector<1x128xf32> to vector<1024x128xf32>
    %add3A_15 = arith.addf %dot_general3A_11, %add3A : vector<1024x128xf32>
    %broadcast_in_dim3A = vector.shape_cast %add3A_15 : vector<1024x128xf32> to vector<1x1024x128xf32>
    %add3A_16 = vector.broadcast %broadcast_in_dim3A : vector<1x1024x128xf32> to vector<8x1024x128xf32>
    %add3A_17 = arith.addf %get3A_2, %add3A_16 : vector<8x1024x128xf32>
    %max3A = arith.constant 0.000000e+00 : f32
    %max3A_18 = vector.broadcast %max3A : f32 to vector<8x1024x128xf32>
    %max3A_19 = arith.maximumf %add3A_17, %max3A_18 : vector<8x1024x128xf32>
    %reshape3A = vector.shape_cast %max3A_19 : vector<8x1024x128xf32> to vector<8192x128xf32>
    %get3A_20 = arith.constant 0 : index
    %get3A_21 = arith.constant 0 : index
    %get3A_22 = vector.load %arg5[%get3A_20, %get3A_21] : memref<128x128xf32, #tpu.memory_space<vmem>>, vector<128x128xf32>
    %dot_general3A_23 = arith.constant dense<0.000000e+00> : vector<8192x128xf32>
    %dot_general3A_24 = tpu.matmul %reshape3A, %get3A_22, %dot_general3A_23 {dimension_numbers = #tpu.dot_dimension_numbers<[1], [0], [0], [1], [0, 0, 1, 1], [], []>, transpose_lhs_hint = false} : vector<8192x128xf32>, vector<128x128xf32>, vector<8192x128xf32> -> vector<8192x128xf32>
    %get3A_25 = arith.constant 0 : index
    %get3A_26 = arith.constant 0 : index
    %get3A_27 = vector.load %arg6[%get3A_25, %get3A_26] : memref<1x128xf32, #tpu.memory_space<vmem>>, vector<1x128xf32>
    %add3A_28 = vector.broadcast %get3A_27 : vector<1x128xf32> to vector<8192x128xf32>
    %add3A_29 = arith.addf %dot_general3A_24, %add3A_28 : vector<8192x128xf32>
    %max3A_30 = arith.constant 0.000000e+00 : f32
    %max3A_31 = vector.broadcast %max3A_30 : f32 to vector<8192x128xf32>
    %max3A_32 = arith.maximumf %add3A_29, %max3A_31 : vector<8192x128xf32>
    %get3A_33 = arith.constant 0 : index
    %get3A_34 = arith.constant 0 : index
    %get3A_35 = vector.load %arg7[%get3A_33, %get3A_34] : memref<128x128xf32, #tpu.memory_space<vmem>>, vector<128x128xf32>
    %dot_general3A_36 = arith.constant dense<0.000000e+00> : vector<8192x128xf32>
    %dot_general3A_37 = tpu.matmul %max3A_32, %get3A_35, %dot_general3A_36 {dimension_numbers = #tpu.dot_dimension_numbers<[1], [0], [0], [1], [0, 0, 1, 1], [], []>, transpose_lhs_hint = false} : vector<8192x128xf32>, vector<128x128xf32>, vector<8192x128xf32> -> vector<8192x128xf32>
    %get3A_38 = arith.constant 0 : index
    %get3A_39 = arith.constant 0 : index
    %get3A_40 = vector.load %arg8[%get3A_38, %get3A_39] : memref<1x128xf32, #tpu.memory_space<vmem>>, vector<1x128xf32>
    %add3A_41 = vector.broadcast %get3A_40 : vector<1x128xf32> to vector<8192x128xf32>
    %add3A_42 = arith.addf %dot_general3A_37, %add3A_41 : vector<8192x128xf32>
    %max3A_43 = arith.constant 0.000000e+00 : f32
    %max3A_44 = vector.broadcast %max3A_43 : f32 to vector<8192x128xf32>
    %max3A_45 = arith.maximumf %add3A_42, %max3A_44 : vector<8192x128xf32>
    %reshape3A_46 = vector.shape_cast %max3A_45 : vector<8192x128xf32> to vector<8x1024x128xf32>
    %slice3A = vector.extract_strided_slice %reshape3A_46 {offsets = [0, 0, 0], sizes = [1, 1024, 128], strides = [1, 1, 1]} : vector<8x1024x128xf32> to vector<1x1024x128xf32>
    %squeeze3A = vector.shape_cast %slice3A : vector<1x1024x128xf32> to vector<1024x128xf32>
    %slice3A_47 = vector.extract_strided_slice %reshape3A_46 {offsets = [1, 0, 0], sizes = [1, 1024, 128], strides = [1, 1, 1]} : vector<8x1024x128xf32> to vector<1x1024x128xf32>
    %squeeze3A_48 = vector.shape_cast %slice3A_47 : vector<1x1024x128xf32> to vector<1024x128xf32>
    %max3A_49 = arith.maximumf %squeeze3A, %squeeze3A_48 : vector<1024x128xf32>
    %slice3A_50 = vector.extract_strided_slice %reshape3A_46 {offsets = [2, 0, 0], sizes = [1, 1024, 128], strides = [1, 1, 1]} : vector<8x1024x128xf32> to vector<1x1024x128xf32>
    %squeeze3A_51 = vector.shape_cast %slice3A_50 : vector<1x1024x128xf32> to vector<1024x128xf32>
    %max3A_52 = arith.maximumf %max3A_49, %squeeze3A_51 : vector<1024x128xf32>
    %slice3A_53 = vector.extract_strided_slice %reshape3A_46 {offsets = [3, 0, 0], sizes = [1, 1024, 128], strides = [1, 1, 1]} : vector<8x1024x128xf32> to vector<1x1024x128xf32>
    %squeeze3A_54 = vector.shape_cast %slice3A_53 : vector<1x1024x128xf32> to vector<1024x128xf32>
    %max3A_55 = arith.maximumf %max3A_52, %squeeze3A_54 : vector<1024x128xf32>
    %slice3A_56 = vector.extract_strided_slice %reshape3A_46 {offsets = [4, 0, 0], sizes = [1, 1024, 128], strides = [1, 1, 1]} : vector<8x1024x128xf32> to vector<1x1024x128xf32>
    %squeeze3A_57 = vector.shape_cast %slice3A_56 : vector<1x1024x128xf32> to vector<1024x128xf32>
    %max3A_58 = arith.maximumf %max3A_55, %squeeze3A_57 : vector<1024x128xf32>
    %slice3A_59 = vector.extract_strided_slice %reshape3A_46 {offsets = [5, 0, 0], sizes = [1, 1024, 128], strides = [1, 1, 1]} : vector<8x1024x128xf32> to vector<1x1024x128xf32>
    %squeeze3A_60 = vector.shape_cast %slice3A_59 : vector<1x1024x128xf32> to vector<1024x128xf32>
    %max3A_61 = arith.maximumf %max3A_58, %squeeze3A_60 : vector<1024x128xf32>
    %slice3A_62 = vector.extract_strided_slice %reshape3A_46 {offsets = [6, 0, 0], sizes = [1, 1024, 128], strides = [1, 1, 1]} : vector<8x1024x128xf32> to vector<1x1024x128xf32>
    %squeeze3A_63 = vector.shape_cast %slice3A_62 : vector<1x1024x128xf32> to vector<1024x128xf32>
    %max3A_64 = arith.maximumf %max3A_61, %squeeze3A_63 : vector<1024x128xf32>
    %slice3A_65 = vector.extract_strided_slice %reshape3A_46 {offsets = [7, 0, 0], sizes = [1, 1024, 128], strides = [1, 1, 1]} : vector<8x1024x128xf32> to vector<1x1024x128xf32>
    %squeeze3A_66 = vector.shape_cast %slice3A_65 : vector<1x1024x128xf32> to vector<1024x128xf32>
    %max3A_67 = arith.maximumf %max3A_64, %squeeze3A_66 : vector<1024x128xf32>
    %get3A_68 = arith.constant 0 : index
    %get3A_69 = arith.constant 0 : index
    %get3A_70 = arith.constant 0 : index
    %get3A_71 = vector.load %arg2[%get3A_68, %get3A_69, %get3A_70] : memref<1x128x1024xf32, #tpu.memory_space<vmem>>, vector<1x128x1024xf32>
    %get3A_72 = vector.shape_cast %get3A_71 : vector<1x128x1024xf32> to vector<128x1024xf32>
    %transpose3A = tpu.transpose %max3A_67, [1, 0] : vector<1024x128xf32> -> vector<128x1024xf32>
    %add3A_73 = arith.addf %get3A_72, %transpose3A : vector<128x1024xf32>
    %get3A_74 = arith.constant 0 : index
    %get3A_75 = arith.constant 0 : index
    %get3A_76 = vector.load %arg9[%get3A_74, %get3A_75] : memref<128x128xf32, #tpu.memory_space<vmem>>, vector<128x128xf32>
    %dot_general3A_77 = arith.constant dense<0.000000e+00> : vector<128x1024xf32>
    %dot_general3A_78 = tpu.matmul %get3A_76, %add3A_73, %dot_general3A_77 {dimension_numbers = #tpu.dot_dimension_numbers<[1], [0], [0], [1], [0, 0, 1, 1], [], []>, transpose_lhs_hint = false} : vector<128x128xf32>, vector<128x1024xf32>, vector<128x1024xf32> -> vector<128x1024xf32>
    %get3A_79 = arith.constant 0 : index
    %get3A_80 = arith.constant 0 : index
    %get3A_81 = vector.load %arg10[%get3A_79, %get3A_80] : memref<128x1xf32, #tpu.memory_space<vmem>>, vector<128x1xf32>
    %add3A_82 = vector.broadcast %get3A_81 : vector<128x1xf32> to vector<128x1024xf32>
    %add3A_83 = arith.addf %dot_general3A_78, %add3A_82 : vector<128x1024xf32>
    %max3A_84 = arith.constant 0.000000e+00 : f32
    %max3A_85 = vector.broadcast %max3A_84 : f32 to vector<128x1024xf32>
    %max3A_86 = arith.maximumf %add3A_83, %max3A_85 : vector<128x1024xf32>
    %swap3A = arith.constant 0 : index
    %swap3A_87 = arith.constant 0 : index
    %swap3A_88 = vector.load %arg11[%swap3A, %swap3A_87] : memref<128x1024xf32, #tpu.memory_space<vmem>>, vector<128x1024xf32>
    tpu.vector_store %arg11[%swap3A, %swap3A_87], %max3A_86 {strides = array<i32>} : memref<128x1024xf32, #tpu.memory_space<vmem>>, vector<128x1024xf32>,
    return
  }
  func.func @transform_0(%arg0: i32) -> (i32, i32, i32) {
    %c0_i32 = arith.constant 0 : i32
    %c0_i32_0 = arith.constant 0 : i32
    %c0_i32_1 = arith.constant 0 : i32
    return %c0_i32, %arg0, %c0_i32_0 : i32, i32, i32
  }
  func.func @transform_1(%arg0: i32) -> (i32, i32, i32) {
    %c2_i32 = arith.constant 2 : i32
    %c0_i32 = arith.constant 0 : i32
    %c0_i32_0 = arith.constant 0 : i32
    return %c2_i32, %c0_i32, %arg0 : i32, i32, i32
  }
  func.func @transform_2(%arg0: i32) -> (i32, i32) {
    %c0_i32 = arith.constant 0 : i32
    %c0_i32_0 = arith.constant 0 : i32
    %c0_i32_1 = arith.constant 0 : i32
    return %c0_i32, %c0_i32_0 : i32, i32
  }
  func.func @transform_3(%arg0: i32) -> (i32, i32) {
    %c0_i32 = arith.constant 0 : i32
    %c0_i32_0 = arith.constant 0 : i32
    %c0_i32_1 = arith.constant 0 : i32
    return %c0_i32, %c0_i32_0 : i32, i32
  }
  func.func @transform_4(%arg0: i32) -> (i32, i32) {
    %c0_i32 = arith.constant 0 : i32
    %c0_i32_0 = arith.constant 0 : i32
    %c0_i32_1 = arith.constant 0 : i32
    return %c0_i32, %c0_i32_0 : i32, i32
  }
  func.func @transform_5(%arg0: i32) -> (i32, i32) {
    %c0_i32 = arith.constant 0 : i32
    %c0_i32_0 = arith.constant 0 : i32
    %c0_i32_1 = arith.constant 0 : i32
    return %c0_i32, %c0_i32_0 : i32, i32
  }
  func.func @transform_6(%arg0: i32) -> (i32, i32) {
    %c0_i32 = arith.constant 0 : i32
    %c0_i32_0 = arith.constant 0 : i32
    %c0_i32_1 = arith.constant 0 : i32
    return %c0_i32, %c0_i32_0 : i32, i32
  }
  func.func @transform_7(%arg0: i32) -> (i32, i32) {
    %c0_i32 = arith.constant 0 : i32
    %c0_i32_0 = arith.constant 0 : i32
    %c0_i32_1 = arith.constant 0 : i32
    return %c0_i32, %c0_i32_0 : i32, i32
  }
  func.func @transform_8(%arg0: i32) -> (i32, i32) {
    %c0_i32 = arith.constant 0 : i32
    %c0_i32_0 = arith.constant 0 : i32
    %c0_i32_1 = arith.constant 0 : i32
    return %c0_i32, %c0_i32_0 : i32, i32
  }
  func.func @transform_9(%arg0: i32) -> (i32, i32) {
    %c0_i32 = arith.constant 0 : i32
    %c0_i32_0 = arith.constant 0 : i32
    %c0_i32_1 = arith.constant 0 : i32
    return %c0_i32, %c0_i32_0 : i32, i32
  }
  func.func @transform_10(%arg0: i32) -> (i32, i32) {
    %c0_i32 = arith.constant 0 : i32
    %c0_i32_0 = arith.constant 0 : i32
    return %c0_i32, %arg0 : i32, i32
  }
}

module attributes {stable_mosaic.version = 14 : i64} {
  func.func @_mlp_body(%arg0: i32, %arg1: memref<8x1024x128xf32, #tpu.memory_space<vmem>>, %arg2: memref<1x128x1024xf32, #tpu.memory_space<vmem>>, %arg3: memref<128x128xf32, #tpu.memory_space<vmem>>, %arg4: memref<1x128xf32, #tpu.memory_space<vmem>>, %arg5: memref<128x128xf32, #tpu.memory_space<vmem>>, %arg6: memref<1x128xf32, #tpu.memory_space<vmem>>, %arg7: memref<128x128xf32, #tpu.memory_space<vmem>>, %arg8: memref<1x128xf32, #tpu.memory_space<vmem>>, %arg9: memref<128x128xf32, #tpu.memory_space<vmem>>, %arg10: memref<128x1xf32, #tpu.memory_space<vmem>>, %arg11: memref<128x1024xf32, #tpu.memory_space<vmem>>) attributes {dimension_semantics = [#tpu.dimension_semantics<arbitrary>], iteration_bounds = array<i64: 2>, scalar_prefetch = 0 : i64, scratch_operands = 0 : i64, tpu.core_type = #tpu.core_type<tc>, window_params = [{transform_indices = @transform_0, window_bounds = array<i64: 8, 1024, 128>}, {transform_indices = @transform_1, window_bounds = array<i64: 1, 128, 1024>}, {pipeline_mode = #tpu.pipeline_mode<synchronous>, transform_indices = @transform_2, window_bounds = array<i64: 128, 128>}, {pipeline_mode = #tpu.pipeline_mode<synchronous>, transform_indices = @transform_3, window_bounds = array<i64: 1, 128>}, {pipeline_mode = #tpu.pipeline_mode<synchronous>, transform_indices = @transform_4, window_bounds = array<i64: 128, 128>}, {pipeline_mode = #tpu.pipeline_mode<synchronous>, transform_indices = @transform_5, window_bounds = array<i64: 1, 128>}, {pipeline_mode = #tpu.pipeline_mode<synchronous>, transform_indices = @transform_6, window_bounds = array<i64: 128, 128>}, {pipeline_mode = #tpu.pipeline_mode<synchronous>, transform_indices = @transform_7, window_bounds = array<i64: 1, 128>}, {pipeline_mode = #tpu.pipeline_mode<synchronous>, transform_indices = @transform_8, window_bounds = array<i64: 128, 128>}, {pipeline_mode = #tpu.pipeline_mode<synchronous>, transform_indices = @transform_9, window_bounds = array<i64: 128, 1>}, {transform_indices = @transform_10, window_bounds = array<i64: 128, 1024>}]} {
    %get3A = arith.constant 0 : index
    %get3A_0 = arith.constant 0 : index
    %get3A_1 = arith.constant 0 : index
    %get3A_2 = vector.load %arg1[%get3A, %get3A_0, %get3A_1] : memref<8x1024x128xf32, #tpu.memory_space<vmem>>, vector<8x1024x128xf32>
    %get3A_3 = arith.constant 0 : index
    %get3A_4 = arith.constant 0 : index
    %get3A_5 = arith.constant 0 : index
    %get3A_6 = vector.load %arg2[%get3A_3, %get3A_4, %get3A_5] : memref<1x128x1024xf32, #tpu.memory_space<vmem>>, vector<1x128x1024xf32>
    %get3A_7 = vector.shape_cast %get3A_6 : vector<1x128x1024xf32> to vector<128x1024xf32>
    %get3A_8 = arith.constant 0 : index
    %get3A_9 = arith.constant 0 : index
    %get3A_10 = vector.load %arg3[%get3A_8, %get3A_9] : memref<128x128xf32, #tpu.memory_space<vmem>>, vector<128x128xf32>
    %dot_general3A = arith.constant dense<0.000000e+00> : vector<1024x128xf32>
    %dot_general3A_11 = tpu.matmul %get3A_7, %get3A_10, %dot_general3A {dimension_numbers = #tpu.dot_dimension_numbers<[0], [0], [1], [1], [0, 1, 1, 1], [], []>, transpose_lhs_hint = false} : vector<128x1024xf32>, vector<128x128xf32>, vector<1024x128xf32> -> vector<1024x128xf32>
    %get3A_12 = arith.constant 0 : index
    %get3A_13 = arith.constant 0 : index
    %get3A_14 = vector.load %arg4[%get3A_12, %get3A_13] : memref<1x128xf32, #tpu.memory_space<vmem>>, vector<1x128xf32>
    %add3A = vector.broadcast %get3A_14 : vector<1x128xf32> to vector<1024x128xf32>
    %add3A_15 = arith.addf %dot_general3A_11, %add3A : vector<1024x128xf32>
    %broadcast_in_dim3A = vector.shape_cast %add3A_15 : vector<1024x128xf32> to vector<1x1024x128xf32>
    %add3A_16 = vector.broadcast %broadcast_in_dim3A : vector<1x1024x128xf32> to vector<8x1024x128xf32>
    %add3A_17 = arith.addf %get3A_2, %add3A_16 : vector<8x1024x128xf32>
    %max3A = arith.constant 0.000000e+00 : f32
    %max3A_18 = vector.broadcast %max3A : f32 to vector<8x1024x128xf32>
    %max3A_19 = arith.maximumf %add3A_17, %max3A_18 : vector<8x1024x128xf32>
    %reshape3A = vector.shape_cast %max3A_19 : vector<8x1024x128xf32> to vector<8192x128xf32>
    %get3A_20 = arith.constant 0 : index
    %get3A_21 = arith.constant 0 : index
    %get3A_22 = vector.load %arg5[%get3A_20, %get3A_21] : memref<128x128xf32, #tpu.memory_space<vmem>>, vector<128x128xf32>
    %dot_general3A_23 = arith.constant dense<0.000000e+00> : vector<8192x128xf32>
    %dot_general3A_24 = tpu.matmul %reshape3A, %get3A_22, %dot_general3A_23 {dimension_numbers = #tpu.dot_dimension_numbers<[1], [0], [0], [1], [0, 0, 1, 1], [], []>, transpose_lhs_hint = false} : vector<8192x128xf32>, vector<128x128xf32>, vector<8192x128xf32> -> vector<8192x128xf32>
    %get3A_25 = arith.constant 0 : index
    %get3A_26 = arith.constant 0 : index
    %get3A_27 = vector.load %arg6[%get3A_25, %get3A_26] : memref<1x128xf32, #tpu.memory_space<vmem>>, vector<1x128xf32>
    %add3A_28 = vector.broadcast %get3A_27 : vector<1x128xf32> to vector<8192x128xf32>
    %add3A_29 = arith.addf %dot_general3A_24, %add3A_28 : vector<8192x128xf32>
    %max3A_30 = arith.constant 0.000000e+00 : f32
    %max3A_31 = vector.broadcast %max3A_30 : f32 to vector<8192x128xf32>
    %max3A_32 = arith.maximumf %add3A_29, %max3A_31 : vector<8192x128xf32>
    %get3A_33 = arith.constant 0 : index
    %get3A_34 = arith.constant 0 : index
    %get3A_35 = vector.load %arg7[%get3A_33, %get3A_34] : memref<128x128xf32, #tpu.memory_space<vmem>>, vector<128x128xf32>
    %dot_general3A_36 = arith.constant dense<0.000000e+00> : vector<8192x128xf32>
    %dot_general3A_37 = tpu.matmul %max3A_32, %get3A_35, %dot_general3A_36 {dimension_numbers = #tpu.dot_dimension_numbers<[1], [0], [0], [1], [0, 0, 1, 1], [], []>, transpose_lhs_hint = false} : vector<8192x128xf32>, vector<128x128xf32>, vector<8192x128xf32> -> vector<8192x128xf32>
    %get3A_38 = arith.constant 0 : index
    %get3A_39 = arith.constant 0 : index
    %get3A_40 = vector.load %arg8[%get3A_38, %get3A_39] : memref<1x128xf32, #tpu.memory_space<vmem>>, vector<1x128xf32>
    %add3A_41 = vector.broadcast %get3A_40 : vector<1x128xf32> to vector<8192x128xf32>
    %add3A_42 = arith.addf %dot_general3A_37, %add3A_41 : vector<8192x128xf32>
    %max3A_43 = arith.constant 0.000000e+00 : f32
    %max3A_44 = vector.broadcast %max3A_43 : f32 to vector<8192x128xf32>
    %max3A_45 = arith.maximumf %add3A_42, %max3A_44 : vector<8192x128xf32>
    %reshape3A_46 = vector.shape_cast %max3A_45 : vector<8192x128xf32> to vector<8x1024x128xf32>
    %slice3A = vector.extract_strided_slice %reshape3A_46 {offsets = [0, 0, 0], sizes = [1, 1024, 128], strides = [1, 1, 1]} : vector<8x1024x128xf32> to vector<1x1024x128xf32>
    %squeeze3A = vector.shape_cast %slice3A : vector<1x1024x128xf32> to vector<1024x128xf32>
    %slice3A_47 = vector.extract_strided_slice %reshape3A_46 {offsets = [1, 0, 0], sizes = [1, 1024, 128], strides = [1, 1, 1]} : vector<8x1024x128xf32> to vector<1x1024x128xf32>
    %squeeze3A_48 = vector.shape_cast %slice3A_47 : vector<1x1024x128xf32> to vector<1024x128xf32>
    %max3A_49 = arith.maximumf %squeeze3A, %squeeze3A_48 : vector<1024x128xf32>
    %slice3A_50 = vector.extract_strided_slice %reshape3A_46 {offsets = [2, 0, 0], sizes = [1, 1024, 128], strides = [1, 1, 1]} : vector<8x1024x128xf32> to vector<1x1024x128xf32>
    %squeeze3A_51 = vector.shape_cast %slice3A_50 : vector<1x1024x128xf32> to vector<1024x128xf32>
    %max3A_52 = arith.maximumf %max3A_49, %squeeze3A_51 : vector<1024x128xf32>
    %slice3A_53 = vector.extract_strided_slice %reshape3A_46 {offsets = [3, 0, 0], sizes = [1, 1024, 128], strides = [1, 1, 1]} : vector<8x1024x128xf32> to vector<1x1024x128xf32>
    %squeeze3A_54 = vector.shape_cast %slice3A_53 : vector<1x1024x128xf32> to vector<1024x128xf32>
    %max3A_55 = arith.maximumf %max3A_52, %squeeze3A_54 : vector<1024x128xf32>
    %slice3A_56 = vector.extract_strided_slice %reshape3A_46 {offsets = [4, 0, 0], sizes = [1, 1024, 128], strides = [1, 1, 1]} : vector<8x1024x128xf32> to vector<1x1024x128xf32>
    %squeeze3A_57 = vector.shape_cast %slice3A_56 : vector<1x1024x128xf32> to vector<1024x128xf32>
    %max3A_58 = arith.maximumf %max3A_55, %squeeze3A_57 : vector<1024x128xf32>
    %slice3A_59 = vector.extract_strided_slice %reshape3A_46 {offsets = [5, 0, 0], sizes = [1, 1024, 128], strides = [1, 1, 1]} : vector<8x1024x128xf32> to vector<1x1024x128xf32>
    %squeeze3A_60 = vector.shape_cast %slice3A_59 : vector<1x1024x128xf32> to vector<1024x128xf32>
    %max3A_61 = arith.maximumf %max3A_58, %squeeze3A_60 : vector<1024x128xf32>
    %slice3A_62 = vector.extract_strided_slice %reshape3A_46 {offsets = [6, 0, 0], sizes = [1, 1024, 128], strides = [1, 1, 1]} : vector<8x1024x128xf32> to vector<1x1024x128xf32>
    %squeeze3A_63 = vector.shape_cast %slice3A_62 : vector<1x1024x128xf32> to vector<1024x128xf32>
    %max3A_64 = arith.maximumf %max3A_61, %squeeze3A_63 : vector<1024x128xf32>
    %slice3A_65 = vector.extract_strided_slice %reshape3A_46 {offsets = [7, 0, 0], sizes = [1, 1024, 128], strides = [1, 1, 1]} : vector<8x1024x128xf32> to vector<1x1024x128xf32>
    %squeeze3A_66 = vector.shape_cast %slice3A_65 : vector<1x1024x128xf32> to vector<1024x128xf32>
    %max3A_67 = arith.maximumf %max3A_64, %squeeze3A_66 : vector<1024x128xf32>
    %get3A_68 = arith.constant 0 : index
    %get3A_69 = arith.constant 0 : index
    %get3A_70 = arith.constant 0 : index
    %get3A_71 = vector.load %arg2[%get3A_68, %get3A_69, %get3A_70] : memref<1x128x1024xf32, #tpu.memory_space<vmem>>, vector<1x128x1024xf32>
    %get3A_72 = vector.shape_cast %get3A_71 : vector<1x128x1024xf32> to vector<128x1024xf32>
    %transpose3A = tpu.transpose %max3A_67, [1, 0] : vector<1024x128xf32> -> vector<128x1024xf32>
    %add3A_73 = arith.addf %get3A_72, %transpose3A : vector<128x1024xf32>
    %get3A_74 = arith.constant 0 : index
    %get3A_75 = arith.constant 0 : index
    %get3A_76 = vector.load %arg9[%get3A_74, %get3A_75] : memref<128x128xf32, #tpu.memory_space<vmem>>, vector<128x128xf32>
    %dot_general3A_77 = arith.constant dense<0.000000e+00> : vector<128x1024xf32>
    %dot_general3A_78 = tpu.matmul %get3A_76, %add3A_73, %dot_general3A_77 {dimension_numbers = #tpu.dot_dimension_numbers<[1], [0], [0], [1], [0, 0, 1, 1], [], []>, transpose_lhs_hint = false} : vector<128x128xf32>, vector<128x1024xf32>, vector<128x1024xf32> -> vector<128x1024xf32>
    %get3A_79 = arith.constant 0 : index
    %get3A_80 = arith.constant 0 : index
    %get3A_81 = vector.load %arg10[%get3A_79, %get3A_80] : memref<128x1xf32, #tpu.memory_space<vmem>>, vector<128x1xf32>
    %add3A_82 = vector.broadcast %get3A_81 : vector<128x1xf32> to vector<128x1024xf32>
    %add3A_83 = arith.addf %dot_general3A_78, %add3A_82 : vector<128x1024xf32>
    %max3A_84 = arith.constant 0.000000e+00 : f32
    %max3A_85 = vector.broadcast %max3A_84 : f32 to vector<128x1024xf32>
    %max3A_86 = arith.maximumf %add3A_83, %max3A_85 : vector<128x1024xf32>
    %swap3A = arith.constant 0 : index
    %swap3A_87 = arith.constant 0 : index
    %swap3A_88 = vector.load %arg11[%swap3A, %swap3A_87] : memref<128x1024xf32, #tpu.memory_space<vmem>>, vector<128x1024xf32>
    tpu.vector_store %arg11[%swap3A, %swap3A_87], %max3A_86 {strides = array<i32>} : memref<128x1024xf32, #tpu.memory_space<vmem>>, vector<128x1024xf32>,
    return
  }
  func.func @transform_0(%arg0: i32) -> (i32, i32, i32) {
    %c0_i32 = arith.constant 0 : i32
    %c0_i32_0 = arith.constant 0 : i32
    %c0_i32_1 = arith.constant 0 : i32
    return %c0_i32, %arg0, %c0_i32_0 : i32, i32, i32
  }
  func.func @transform_1(%arg0: i32) -> (i32, i32, i32) {
    %c3_i32 = arith.constant 3 : i32
    %c0_i32 = arith.constant 0 : i32
    %c0_i32_0 = arith.constant 0 : i32
    return %c3_i32, %c0_i32, %arg0 : i32, i32, i32
  }
  func.func @transform_2(%arg0: i32) -> (i32, i32) {
    %c0_i32 = arith.constant 0 : i32
    %c0_i32_0 = arith.constant 0 : i32
    %c0_i32_1 = arith.constant 0 : i32
    return %c0_i32, %c0_i32_0 : i32, i32
  }
  func.func @transform_3(%arg0: i32) -> (i32, i32) {
    %c0_i32 = arith.constant 0 : i32
    %c0_i32_0 = arith.constant 0 : i32
    %c0_i32_1 = arith.constant 0 : i32
    return %c0_i32, %c0_i32_0 : i32, i32
  }
  func.func @transform_4(%arg0: i32) -> (i32, i32) {
    %c0_i32 = arith.constant 0 : i32
    %c0_i32_0 = arith.constant 0 : i32
    %c0_i32_1 = arith.constant 0 : i32
    return %c0_i32, %c0_i32_0 : i32, i32
  }
  func.func @transform_5(%arg0: i32) -> (i32, i32) {
    %c0_i32 = arith.constant 0 : i32
    %c0_i32_0 = arith.constant 0 : i32
    %c0_i32_1 = arith.constant 0 : i32
    return %c0_i32, %c0_i32_0 : i32, i32
  }
  func.func @transform_6(%arg0: i32) -> (i32, i32) {
    %c0_i32 = arith.constant 0 : i32
    %c0_i32_0 = arith.constant 0 : i32
    %c0_i32_1 = arith.constant 0 : i32
    return %c0_i32, %c0_i32_0 : i32, i32
  }
  func.func @transform_7(%arg0: i32) -> (i32, i32) {
    %c0_i32 = arith.constant 0 : i32
    %c0_i32_0 = arith.constant 0 : i32
    %c0_i32_1 = arith.constant 0 : i32
    return %c0_i32, %c0_i32_0 : i32, i32
  }
  func.func @transform_8(%arg0: i32) -> (i32, i32) {
    %c0_i32 = arith.constant 0 : i32
    %c0_i32_0 = arith.constant 0 : i32
    %c0_i32_1 = arith.constant 0 : i32
    return %c0_i32, %c0_i32_0 : i32, i32
  }
  func.func @transform_9(%arg0: i32) -> (i32, i32) {
    %c0_i32 = arith.constant 0 : i32
    %c0_i32_0 = arith.constant 0 : i32
    %c0_i32_1 = arith.constant 0 : i32
    return %c0_i32, %c0_i32_0 : i32, i32
  }
  func.func @transform_10(%arg0: i32) -> (i32, i32) {
    %c0_i32 = arith.constant 0 : i32
    %c0_i32_0 = arith.constant 0 : i32
    return %c0_i32, %arg0 : i32, i32
  }
}

</mosaic_0001>

<sc_bundles>
// kernel: kernel.14.cloned.1.call-start
scs
__scs_entry_jumppad:
0x0: {  	(pc) =	sbr.rel $0x88, $3  }
0x1: {  	(tag) =	ssettag $0x0;
	lr =	simm.s32 $0x1  }
0x2: {  	[smem:$0x3F98] =	sst lr;
	_ =	strace $0xD0000000  }
0x3: {  	_ = 	snop  }
0x4: {  	_ = 	snop  }
0x5: {  	_ = 	snop  }
0x6: {  	_ = 	snop  }
0x7: {  	_ = 	snop  }
__scs_overlays_trampoline_lowered:
0x8: {  	[smem:$0x3FA7] =	sst s0  }
0x9: {  	[smem:$0x3FA8] =	sst s1  }
0xa: {  	[smem:$0x3FA9] =	sst s2  }
0xb: {  	[smem:$0x3FAA] =	sst s3  }
0xc: {  	[smem:$0x3FAB] =	sst s4  }
0xd: {  	[smem:$0x3FAC] =	sst s5  }
0xe: {  	[smem:$0x3FAD] =	sst s6  }
0xf: {  	[smem:$0x3FAE] =	sst s7  }
0x10: {  	[smem:$0x3FAF] =	sst s8  }
0x11: {  	[smem:$0x3FB0] =	sst s9;
	s0 =	simm.s32 @!p0 $0x0  }
0x12: {  	s1 =	sld [smem:$0x3F96];
	s0 =	simm.s32 @p0 $0x1  }
0x13: {  	[smem:$0x3FB1] =	sst s0;
	s0 =	simm.s32 @!p1 $0x0  }
0x14: {  	s2 =	sld [smem:$0x3F95];
	s0 =	simm.s32 @p1 $0x1  }
0x15: {  	[smem:$0x3FB2] =	sst s0;
	s0 =	simm.s32 @!p2 $0x0  }
0x16: {  	s3 =	sld [smem:$0x3FDB];
	s0 =	simm.s32 @p2 $0x1  }
0x17: {  	s4 =	simm.s32 $0x1BF5;
	[smem:$0x3FB4] =	sst s0  }
0x18: {  	s0 =	sld [smem:$0x3F97];
	_ =	swait.ge [sflag:s4], $0x0  }
0x19: {  	s7 =	sld [smem:$0x3F98]  }
0x1a: {  	s8 =	sadd.s32 $0xFFFFE003, lr  }
0x1b: {  	s9 =	sadd.s32 $0xFFFFFEF7, lr;
	s5 =	simm.s32 $0xFFFFFFFF;
	p2 =	slt.u32 s8, $0xFFFFF086  }
0x1c: {  	p1 =	slt.u32 s9, $0xF7A;
	s5 =	simm.s32 @!p2 $0x0  }
0x1d: {  	s5 =	simm.s32 @p1 $0x1;
	p0 =	seq.s32 s7, s2  }
0x1e: {  	s7 =	smul.u32 @!p0 $0xF7A, s2;
	p2 =	seq.s32 @!p0 s5, $0x0  }
0x1f: {  	s9 =	smul.u32 $0xF7A, s1;
	s8 =	simm.s32 @!p0 $0x1BF5;
	p2 =	por !p2, p0  }
0x20: {  	[sflag:s8] =	ssyncset.s32 @!p0 $0xFFFFF086;
	s6 =	sadd.s32 @!p0 s3, s7;
	s7 =	simm.s32 @!p0 $0x108  }
0x21: {  	s3 =	sadd.s32 s3, s9;
	s6 =	sadd.s32 @!p0 $0x88, s6;
	s7 =	simm.s32 @p2 $0x1082  }
0x22: {  	[simem:s7], [sflag:s8] =	dma.local @!p0 [hbm:s6], $0xF7A  }
0x23: {  	s9 =	sor.u32 $0xD0000000, s2;
	s6 =	simm.s32 $0x108;
	_ =	swait.ge @!p0 [sflag:s8], $0x0  }
0x24: {  	s3 =	sadd.s32 $0x88, s3;
	s6 =	simm.s32 @!p1 $0x1082;
	[sflag:s4] =	ssyncset.s32 $0xFFFFF086  }
0x25: {  	[simem:s6], [sflag:s4] =	dma.local [hbm:s3], $0xF7A  }
0x26: {  	[smem:$0x3F98] =	sst s1;
	(tag) =	ssettag s2;
	_ =	strace s9  }
0x27: {  	s1 =	sld [smem:$0x3FA8]  }
0x28: {  	s2 =	sld [smem:$0x3FA9]  }
0x29: {  	s4 =	sld [smem:$0x3FAB]  }
0x2a: {  	p0 =	seq.s32 s5, $0x0;
	s5 =	sld [smem:$0x3FAC]  }
0x2b: {  	s6 =	sld [smem:$0x3FAD]  }
0x2c: {  	s7 =	sld [smem:$0x3FAE]  }
0x2d: {  	s3 =	simm.s32 $0x108;
	s8 =	sld [smem:$0x3FAF]  }
0x2e: {  	s3 =	simm.s32 @!p0 $0x1082;
	s9 =	sld [smem:$0x3FB0]  }
0x2f: {  	lr =	sadd.s32 s0, s3;
	s0 =	sld [smem:$0x3FA7]  }
0x30: {  	s3 =	sld [smem:$0x3FAA]  }
0x31: {  	[smem:$0x3FB3] =	sst s10  }
0x32: {  	s10 =	sld [smem:$0x3FB1];
	_ =	sdelay $0x3  }
0x33: {  	p0 =	seq.s32 s10, $0x1;
	s10 =	sld [smem:$0x3FB3];
	_ =	sdelay $0x3  }
0x34: {  	[smem:$0x3FB3] =	sst s10  }
0x35: {  	s10 =	sld [smem:$0x3FB2];
	_ =	sdelay $0x3  }
0x36: {  	p1 =	seq.s32 s10, $0x1;
	s10 =	sld [smem:$0x3FB3];
	_ =	sdelay $0x3  }
0x37: {  	[smem:$0x3FB3] =	sst s10  }
0x38: {  	s10 =	sld [smem:$0x3FB4]  }
0x39: {  	_ = 	snop;
	(pc) =	sbr.ind lr, $3  }
0x3a: {  	_ = 	snop  }
0x3b: {  	_ = 	snop  }
0x3c: {  	p2 =	seq.s32 s10, $0x1;
	s10 =	sld [smem:$0x3FB3]  }
0x3d: {  	_ =	shalt  }
0x3e: {  	_ =	shalt  }
0x3f: {  	_ =	shalt  }
0x40: {  	_ =	shalt  }
0x41: {  	_ =	shalt  }
0x42: {  	_ =	shalt  }
0x43: {  	_ =	shalt  }
0x44: {  	_ =	shalt  }
0x45: {  	_ =	shalt  }
0x46: {  	_ =	shalt  }
0x47: {  	_ =	shalt  }
0x48: {  	_ =	shalt  }
0x49: {  	_ =	shalt  }
0x4a: {  	_ =	shalt  }
0x4b: {  	_ =	shalt  }
0x4c: {  	_ =	shalt  }
0x4d: {  	_ =	shalt  }
0x4e: {  	_ =	shalt  }
0x4f: {  	_ =	shalt  }
0x50: {  	_ =	shalt  }
0x51: {  	_ =	shalt  }
0x52: {  	_ =	shalt  }
0x53: {  	_ =	shalt  }
0x54: {  	_ =	shalt  }
0x55: {  	_ =	shalt  }
0x56: {  	_ =	shalt  }
0x57: {  	_ =	shalt  }
0x58: {  	_ =	shalt  }
0x59: {  	_ =	shalt  }
0x5a: {  	_ =	shalt  }
0x5b: {  	_ =	shalt  }
0x5c: {  	_ =	shalt  }
0x5d: {  	_ =	shalt  }
0x5e: {  	_ =	shalt  }
0x5f: {  	_ =	shalt  }
0x60: {  	_ =	shalt  }
0x61: {  	_ =	shalt  }
0x62: {  	_ =	shalt  }
0x63: {  	_ =	shalt  }
0x64: {  	_ =	shalt  }
0x65: {  	_ =	shalt  }
0x66: {  	_ =	shalt  }
0x67: {  	_ =	shalt  }
0x68: {  	_ =	shalt  }
0x69: {  	_ =	shalt  }
0x6a: {  	_ =	shalt  }
0x6b: {  	_ =	shalt  }
0x6c: {  	_ =	shalt  }
0x6d: {  	_ =	shalt  }
0x6e: {  	_ =	shalt  }
0x6f: {  	_ =	shalt  }
0x70: {  	_ =	shalt  }
0x71: {  	_ =	shalt  }
0x72: {  	_ =	shalt  }
0x73: {  	_ =	shalt  }
0x74: {  	_ =	shalt  }
0x75: {  	_ =	shalt  }
0x76: {  	_ =	shalt  }
0x77: {  	_ =	shalt  }
0x78: {  	_ =	shalt  }
0x79: {  	_ =	shalt  }
0x7a: {  	_ =	shalt  }
0x7b: {  	_ =	shalt  }
0x7c: {  	_ =	shalt  }
0x7d: {  	_ =	shalt  }
0x7e: {  	_ =	shalt  }
0x7f: {  	_ =	shalt  }
0x80: {  	_ =	shalt  }
0x81: {  	_ =	shalt  }
0x82: {  	_ =	shalt  }
0x83: {  	_ =	shalt  }
0x84: {  	_ =	shalt  }
0x85: {  	_ =	shalt  }
0x86: {  	_ =	shalt  }
0x87: {  	_ =	shalt  }
.Lfunc_end0:
.L_simem_size_0:
called_computation_lowered:
.L_overlay_start_0:
0x88: {  	s2 =	sld [smem:$0x3FD9]  }
0x89: {  	s3 =	sld [smem:$0x3FFE];
	_ =	sdelay $0x1  }
0x8a: {  	s1 =	srdreg.scid  }
0x8b: {  	s0 =	sand.u32 $0x1, s1  }
0x8c: {  	s16 =	sshll.u32 s0, $0xA;
	s2 =	sadd.s32 s3, s2  }
0x8d: {  	s2 =	sadd.s32 s2, s16  }
0x8e: {  	[smem:$0x3FBF] =	sst s2  }
0x8f: {  	_ = 	snop  }
0x90: {  	(tm) =	ssettm $0x1  }
0x91: {  	s17 =	sld [smem:$0x3FFB];
	_ =	sdelay $0x3  }
0x92: {  	_ =	strace s17  }
0x93: {  	s2 =	sld [smem:$0x3FFC];
	_ =	sdelay $0x3  }
0x94: {  	_ =	strace s2  }
0x95: {  	s2 =	sld [smem:$0x3FFD];
	_ =	sdelay $0x3  }
0x96: {  	_ =	strace s2  }
0x97: {  	_ =	strace $0x8FFFFFFF  }
0x98: {  	s18 =	sld [smem:$0x3FDB];
	_ =	sdelay $0x1  }
0x99: {  	s19 =	simm.s32 $_scs_section_size  }
0x9a: {  	s4 =	simm.s32 $_size__tile_overlayer_lowered;
	s5 =	simm.s32 $_tile_overlayer_lowered  }
0x9b: {  	s22 =	simm.s32 $0x1BFF;
	s21 =	sshll.u32 s5, $0x1;
	s2 =	sadd.s32 s19, s18  }
0x9c: {  	s6 =	simm.s32 $0x0;
	s20 =	sshll.u32 s4, $0x1;
	s4 =	sadd.s32 s21, s2  }
0x9d: {  	[timem:s6], [sflag:s22] =	dma.local [hbm:s4], s20  }
0x9e: {  	_ =	swait.ge [sflag:s22], s20  }
0x9f: {  	s3 =	ssub.s32 $0x0, s20;
	[sflag:s22] =	ssyncset.done $0x0  }
0xa0: {  	[sflag:s22] =	ssyncadd.s32 s3;
	_ =	sdelay $0x1  }
0xa1: {  	s23 =	simm.s32 $0x1B8B  }
0xa2: {  	_ =	swait.ge [sflag:s23], $0x1  }
0xa3: {  	[sflag:s23] =	ssyncset.done $0x0  }
0xa4: {  	s25 =	simm.s32 $0x1B8E;
	s24 =	sld [smem:$0x3FFE];
	[sflag:s23] =	ssyncadd.s32 $0xFFFFFFFF  }
0xa5: {  	s26 =	simm.s32 $execute0_lowered;
	[smem:$0x3FD2] =	sst s25  }
0xa6: {  	s4 =	sshll.u32 s26, $0x1;
	_ =	strace $0x80000046;
	[dreg:$0x1] =	wrdreg $0xFFFFFFFF  }
0xa7: {  	s28 =	simm.s32 $_size_execute0_lowered;
	s2 =	sadd.s32 s2, s4;
	[dreg:$0x0] =	wrdreg $0x0  }
0xa8: {  	s4 =	sshll.u32 s28, $0x1;
	[dreg:$0x2] =	wrdreg s2  }
0xa9: {  	[dreg:$0x3] =	wrdreg s4  }
0xaa: {  	[dreg:$0x4] =	wrdreg $0xC0  }
0xab: {  	_ =	task [dreg:s6], $0x5FFFF  }
0xac: {  	[dreg:$0x1] =	wrdreg $0xFFFFFFFF  }
0xad: {  	[dreg:$0x0] =	wrdreg $0x60  }
0xae: {  	[dreg:$0x2] =	wrdreg s24  }
0xaf: {  	[dreg:$0x3] =	wrdreg $0x9  }
0xb0: {  	_ =	task.clear_ibuf [dreg:s6], $0x4FFFF;
	_ =	strace $0x90000046  }
0xb1: {  	s29 =	simm.s32 $0x9;
	_ =	strace $0x80000048  }
0xb2: {  	_ =	swait.ge [sflag:s29], $0x1  }
0xb3: {  	[sflag:s29] =	ssyncadd.s32 $0xFFFFFFFF  }
0xb4: {  	_ =	strace $0x90000048  }
0xb5: {  	_ =	sfence  }
0xb6: {  	s30 =	sld [smem:$0x0];
	_ =	sdelay $0x2  }
0xb7: {  	s31 =	sshll.u32 s1, $0xD;
	s1 =	sshrl.u32 s1, $0x2  }
0xb8: {  	s3 =	sand.u32 $0x4000, s31;
	s1 =	sadd.s32 s1, s30  }
0xb9: {  	s0 =	sor.u32 s3, s0;
	s1 =	sshll.u32 s1, $0x11  }
0xba: {  	s0 =	sor.u32 s1, s0  }
0xbb: {  	s0 =	sadd.s32 $0x8F2B, s0  }
0xbc: {  	[sflag:s0] =	ssyncadd.remote.s32 $0x1  }
0xbd: {  	_ =	sfence.sel $0xFFFF  }
0xbe: {  	[dreg:$0x0] =	wrdreg $0xFFFFFFFF;
	(pc) =	sbr.abs _section_cstart, $3  }
0xbf: {  	[dreg:$0x1] =	wrdreg $0xFFFFFFFF  }
0xc0: {  	_ =	task.clear_ibuf [dreg:s6], $0x2FFFF;
	_ =	strace $0x9FFFFFFF  }
0xc1: {  	(tm) =	ssettm $0x7FFFFFFF  }
tec
execute0_lowered:
.L_overlay_start_1:
0x0: {  	(tag) =	ssettag $0x1  }
0x1: {  	s1 =	srdreg.scid  }
0x2: {  	s0 =	stileid.u32;
	s11 =	sand.u32 $0x1, s1  }
0x3: {  	s31 =	sshll.u32 s0, $0xA;
	s2 =	sshll.u32 s11, $0x9  }
0x4: {  	s10 =	rddreg [dreg:$0x0];
	s12 =	sor.u32 s2, s31  }
0x5: {  	s1 =	rddreg [dreg:$0x1];
	s2 =	simm.s32 $0x0;
	s3 =	sshrl.u32 s12, $0x3  }
0x6: {  	[smem:$0x7FF] =	sst s2;
	s3 =	sadd.s32 s3, s10  }
0x7: {  	_ =	strace $0x80000047;
	s4 =	sadd.s32 $0xBC00, s3;
	s3 =	simm.s32 $0x3  }
0x8: {  	[tilespmem:s2], [sflag:$0x3] =	stream.linear.gather [hbm4b:s4+s2], $0x200, $0x38;
	[tilespmem:$0x10200] =	vst v63  }
0x9: {  	_ =	swait.ge [sflag:s3], $0x200  }
0xa: {  	s6 =	simm.s32 $0x100;
	[sflag:s3] =	ssyncset.done $0x0  }
0xb: {  	s7 =	simm.s32 $0x200;
	s5 =	sadd.s32 $0x3C00, s10;
	[sflag:s3] =	ssyncadd.s32 $0xFFFFFE00  }
0xc: {  	[tilespmem:s7], [sflag:$0x1] =	stream.indirect.gather [hbm4b:s5+s6], $0x80, s2, s6, $0xb8;
	[tilespmem:$0x10200] =	vst v63  }
0xd: {  	s8 =	simm.s32 $0x8200;
	s9 =	simm.s32 $0x1  }
0xe: {  	[tilespmem:s8], [sflag:$0x2] =	stream.indirect.gather [hbm4b:s5+s6], $0x80, s6, s6, $0xb8;
	[tilespmem:$0x10200] =	vst v63  }
0xf: {  	s12 =	sshll.u32 s12, $0x4;
	_ =	swait.ge [sflag:s9], $0x8000  }
0x10: {  	s12 =	sadd.s32 s12, s10;
	[sflag:s9] =	ssyncset.done $0x0  }
0x11: {  	s13 =	ssub.s32 $0x2, s11;
	s10 =	sadd.s32 $0xC400, s12;
	[sflag:s9] =	ssyncadd.s32 $0xFFFF8000  }
0x12: {  	[hbm4b:s10+s2] =	stream.linear.scatter [tilespmem:s7], [sflag:$0x3], $0x8000, $0x38;
	[tilespmem:$0x10200] =	vst v63  }
0x13: {  	s14 =	sshrl.u32 s13, $0x1;
	_ =	swait.ge [sflag:s3], $0x8000  }
0x14: {  	s13 =	ssub.s32 s13, s14;
	[sflag:s3] =	ssyncset.done $0x0  }
0x15: {  	s11 =	simm.s32 $0x2;
	s13 =	smax.u32 s13, $0x1;
	[sflag:s3] =	ssyncadd.s32 $0xFFFF8000  }
0x16: {  	p0 =	sne.s32 s13, $0x1;
	_ =	swait.ge [sflag:s11], $0x8000  }
.Ltmp0:
0x17: {  	[sflag:s11] =	ssyncset.done $0x0;
	(pc) =	sbr.rel @!p0 .LBB2_2-.Ltmp0, $4  }
0x18: {  	s12 =	sadd.s32 $0xD400, s12;
	[sflag:s11] =	ssyncadd.s32 $0xFFFF8000  }
0x19: {  	[hbm4b:s12+s2] =	stream.linear.scatter [tilespmem:s8], [sflag:$0x3], $0x8000, $0x38;
	[tilespmem:$0x10200] =	vst v63  }
0x1a: {  	_ =	swait.ge [sflag:s3], $0x8000  }
0x1b: {  	s13 =	sadd.s32 $0xFFFFFFFF, s13;
	[sflag:s3] =	ssyncset.done $0x0  }
.LBB2_1:
0x1c: {  	p0 =	sne.s32 s13, $0x1;
	s13 =	sadd.s32 $0xFFFFFFFF, s13;
	[sflag:s3] =	ssyncadd.s32 $0xFFFF8000  }
0x1d: {  	[tilespmem:s2], [sflag:$0x3] =	stream.linear.gather [hbm4b:s4+s2], $0x200, $0x38;
	[tilespmem:$0x10200] =	vst v63  }
0x1e: {  	_ =	swait.ge [sflag:s3], $0x200  }
0x1f: {  	[sflag:s3] =	ssyncset.done $0x0  }
0x20: {  	[sflag:s3] =	ssyncadd.s32 $0xFFFFFE00  }
0x21: {  	[tilespmem:s7], [sflag:$0x1] =	stream.indirect.gather [hbm4b:s5+s6], $0x80, s2, s6, $0xb8;
	[tilespmem:$0x10200] =	vst v63  }
0x22: {  	_ = 	snop  }
0x23: {  	[tilespmem:s8], [sflag:$0x2] =	stream.indirect.gather [hbm4b:s5+s6], $0x80, s6, s6, $0xb8;
	[tilespmem:$0x10200] =	vst v63  }
0x24: {  	_ =	swait.ge [sflag:s9], $0x8000  }
0x25: {  	[sflag:s9] =	ssyncset.done $0x0  }
0x26: {  	[sflag:s9] =	ssyncadd.s32 $0xFFFF8000  }
0x27: {  	[hbm4b:s10+s2] =	stream.linear.scatter [tilespmem:s7], [sflag:$0x3], $0x8000, $0x38;
	[tilespmem:$0x10200] =	vst v63  }
0x28: {  	_ =	swait.ge [sflag:s3], $0x8000  }
0x29: {  	[sflag:s3] =	ssyncset.done $0x0  }
0x2a: {  	[sflag:s3] =	ssyncadd.s32 $0xFFFF8000  }
0x2b: {  	_ =	swait.ge [sflag:s11], $0x8000  }
.Ltmp1:
0x2c: {  	[sflag:s11] =	ssyncset.done $0x0;
	(pc) =	sbr.rel @p0 .LBB2_1-.Ltmp1, $4  }
0x2d: {  	[sflag:s11] =	ssyncadd.s32 $0xFFFF8000  }
0x2e: {  	[hbm4b:s12+s2] =	stream.linear.scatter [tilespmem:s8], [sflag:$0x3], $0x8000, $0x38;
	[tilespmem:$0x10200] =	vst v63  }
0x2f: {  	_ =	swait.ge [sflag:s3], $0x8000  }
0x30: {  	[sflag:s3] =	ssyncset.done $0x0  }
.LBB2_2:
0x31: {  	[sflag:s3] =	ssyncadd.s32 $0xFFFF8000  }
0x32: {  	_ =	sfence.sel $0x180000  }
0x33: {  	[bflag:$0x0] =	sbarrier.arrive $0xFFFF  }
0x34: {  	p0 =	sne.s32 s0, $0x0;
	_ =	strace $0x90000047  }
0x35: {  	s0 =	sadd.s32 @!p0 $0x100000, s1;
	[bflag:$0x2] =	sbarrier.arrive $0xFFFF  }
0x36: {  	[sflag:s0] =	ssyncadd.tile.s32 @!p0 $0x1;
	_ =	shalt  }
.Lfunc_end2:
_tile_overlayer_lowered:
.L_overlay_start_2:
0x37: {  	(tag) =	ssettag $0x2  }
0x38: {  	s0 =	rddreg [dreg:$0x0];
	s2 =	stileid.u32  }
0x39: {  	s1 =	rddreg [dreg:$0x1];
	p0 =	sne.s32 s2, $0x0  }
0x3a: {  	s3 =	rddreg [dreg:$0x2];
	[bflag:$0x3] =	sbarrier.arrive $0xFFFF;
	s2 =	simm.s32 @!p0 $0x1C03  }
0x3b: {  	[timem:s3], [sflag:s2] =	dma.local @!p0 [hbm:s0], s1  }
0x3c: {  	s0 =	simm.s32 @!p0 $0x3  }
0x3d: {  	_ =	swait.ge @!p0 [sflag:s0], s1  }
0x3e: {  	s1 =	ssub.s32 @!p0 $0x0, s1;
	[sflag:s0] =	ssyncset.done @!p0 $0x0  }
0x3f: {  	[sflag:s0] =	ssyncadd.s32 @!p0 s1  }
0x40: {  	[bflag:$0x3] =	sbarrier.arrive $0xFFFF  }
0x41: {  	_ =	shalt  }

// kernel: kernel.17.cloned.1.call-start
scs
__scs_entry_jumppad:
0x0: {  	(pc) =	sbr.rel $0x88, $3  }
0x1: {  	(tag) =	ssettag $0x0;
	lr =	simm.s32 $0x1  }
0x2: {  	[smem:$0x3F98] =	sst lr;
	_ =	strace $0xD0000000  }
0x3: {  	_ = 	snop  }
0x4: {  	_ = 	snop  }
0x5: {  	_ = 	snop  }
0x6: {  	_ = 	snop  }
0x7: {  	_ = 	snop  }
__scs_overlays_trampoline_lowered:
0x8: {  	[smem:$0x3FA7] =	sst s0  }
0x9: {  	[smem:$0x3FA8] =	sst s1  }
0xa: {  	[smem:$0x3FA9] =	sst s2  }
0xb: {  	[smem:$0x3FAA] =	sst s3  }
0xc: {  	[smem:$0x3FAB] =	sst s4  }
0xd: {  	[smem:$0x3FAC] =	sst s5  }
0xe: {  	[smem:$0x3FAD] =	sst s6  }
0xf: {  	[smem:$0x3FAE] =	sst s7  }
0x10: {  	[smem:$0x3FAF] =	sst s8  }
0x11: {  	[smem:$0x3FB0] =	sst s9;
	s0 =	simm.s32 @!p0 $0x0  }
0x12: {  	s1 =	sld [smem:$0x3F96];
	s0 =	simm.s32 @p0 $0x1  }
0x13: {  	[smem:$0x3FB1] =	sst s0;
	s0 =	simm.s32 @!p1 $0x0  }
0x14: {  	s2 =	sld [smem:$0x3F95];
	s0 =	simm.s32 @p1 $0x1  }
0x15: {  	[smem:$0x3FB2] =	sst s0;
	s0 =	simm.s32 @!p2 $0x0  }
0x16: {  	s3 =	sld [smem:$0x3FDB];
	s0 =	simm.s32 @p2 $0x1  }
0x17: {  	s4 =	simm.s32 $0x1BF5;
	[smem:$0x3FB4] =	sst s0  }
0x18: {  	s0 =	sld [smem:$0x3F97];
	_ =	swait.ge [sflag:s4], $0x0  }
0x19: {  	s7 =	sld [smem:$0x3F98]  }
0x1a: {  	s8 =	sadd.s32 $0xFFFFE003, lr  }
0x1b: {  	s9 =	sadd.s32 $0xFFFFFEF7, lr;
	s5 =	simm.s32 $0xFFFFFFFF;
	p2 =	slt.u32 s8, $0xFFFFF086  }
0x1c: {  	p1 =	slt.u32 s9, $0xF7A;
	s5 =	simm.s32 @!p2 $0x0  }
0x1d: {  	s5 =	simm.s32 @p1 $0x1;
	p0 =	seq.s32 s7, s2  }
0x1e: {  	s7 =	smul.u32 @!p0 $0xF7A, s2;
	p2 =	seq.s32 @!p0 s5, $0x0  }
0x1f: {  	s9 =	smul.u32 $0xF7A, s1;
	s8 =	simm.s32 @!p0 $0x1BF5;
	p2 =	por !p2, p0  }
0x20: {  	[sflag:s8] =	ssyncset.s32 @!p0 $0xFFFFF086;
	s6 =	sadd.s32 @!p0 s3, s7;
	s7 =	simm.s32 @!p0 $0x108  }
0x21: {  	s3 =	sadd.s32 s3, s9;
	s6 =	sadd.s32 @!p0 $0x88, s6;
	s7 =	simm.s32 @p2 $0x1082  }
0x22: {  	[simem:s7], [sflag:s8] =	dma.local @!p0 [hbm:s6], $0xF7A  }
0x23: {  	s9 =	sor.u32 $0xD0000000, s2;
	s6 =	simm.s32 $0x108;
	_ =	swait.ge @!p0 [sflag:s8], $0x0  }
0x24: {  	s3 =	sadd.s32 $0x88, s3;
	s6 =	simm.s32 @!p1 $0x1082;
	[sflag:s4] =	ssyncset.s32 $0xFFFFF086  }
0x25: {  	[simem:s6], [sflag:s4] =	dma.local [hbm:s3], $0xF7A  }
0x26: {  	[smem:$0x3F98] =	sst s1;
	(tag) =	ssettag s2;
	_ =	strace s9  }
0x27: {  	s1 =	sld [smem:$0x3FA8]  }
0x28: {  	s2 =	sld [smem:$0x3FA9]  }
0x29: {  	s4 =	sld [smem:$0x3FAB]  }
0x2a: {  	p0 =	seq.s32 s5, $0x0;
	s5 =	sld [smem:$0x3FAC]  }
0x2b: {  	s6 =	sld [smem:$0x3FAD]  }
0x2c: {  	s7 =	sld [smem:$0x3FAE]  }
0x2d: {  	s3 =	simm.s32 $0x108;
	s8 =	sld [smem:$0x3FAF]  }
0x2e: {  	s3 =	simm.s32 @!p0 $0x1082;
	s9 =	sld [smem:$0x3FB0]  }
0x2f: {  	lr =	sadd.s32 s0, s3;
	s0 =	sld [smem:$0x3FA7]  }
0x30: {  	s3 =	sld [smem:$0x3FAA]  }
0x31: {  	[smem:$0x3FB3] =	sst s10  }
0x32: {  	s10 =	sld [smem:$0x3FB1];
	_ =	sdelay $0x3  }
0x33: {  	p0 =	seq.s32 s10, $0x1;
	s10 =	sld [smem:$0x3FB3];
	_ =	sdelay $0x3  }
0x34: {  	[smem:$0x3FB3] =	sst s10  }
0x35: {  	s10 =	sld [smem:$0x3FB2];
	_ =	sdelay $0x3  }
0x36: {  	p1 =	seq.s32 s10, $0x1;
	s10 =	sld [smem:$0x3FB3];
	_ =	sdelay $0x3  }
0x37: {  	[smem:$0x3FB3] =	sst s10  }
0x38: {  	s10 =	sld [smem:$0x3FB4]  }
0x39: {  	_ = 	snop;
	(pc) =	sbr.ind lr, $3  }
0x3a: {  	_ = 	snop  }
0x3b: {  	_ = 	snop  }
0x3c: {  	p2 =	seq.s32 s10, $0x1;
	s10 =	sld [smem:$0x3FB3]  }
0x3d: {  	_ =	shalt  }
0x3e: {  	_ =	shalt  }
0x3f: {  	_ =	shalt  }
0x40: {  	_ =	shalt  }
0x41: {  	_ =	shalt  }
0x42: {  	_ =	shalt  }
0x43: {  	_ =	shalt  }
0x44: {  	_ =	shalt  }
0x45: {  	_ =	shalt  }
0x46: {  	_ =	shalt  }
0x47: {  	_ =	shalt  }
0x48: {  	_ =	shalt  }
0x49: {  	_ =	shalt  }
0x4a: {  	_ =	shalt  }
0x4b: {  	_ =	shalt  }
0x4c: {  	_ =	shalt  }
0x4d: {  	_ =	shalt  }
0x4e: {  	_ =	shalt  }
0x4f: {  	_ =	shalt  }
0x50: {  	_ =	shalt  }
0x51: {  	_ =	shalt  }
0x52: {  	_ =	shalt  }
0x53: {  	_ =	shalt  }
0x54: {  	_ =	shalt  }
0x55: {  	_ =	shalt  }
0x56: {  	_ =	shalt  }
0x57: {  	_ =	shalt  }
0x58: {  	_ =	shalt  }
0x59: {  	_ =	shalt  }
0x5a: {  	_ =	shalt  }
0x5b: {  	_ =	shalt  }
0x5c: {  	_ =	shalt  }
0x5d: {  	_ =	shalt  }
0x5e: {  	_ =	shalt  }
0x5f: {  	_ =	shalt  }
0x60: {  	_ =	shalt  }
0x61: {  	_ =	shalt  }
0x62: {  	_ =	shalt  }
0x63: {  	_ =	shalt  }
0x64: {  	_ =	shalt  }
0x65: {  	_ =	shalt  }
0x66: {  	_ =	shalt  }
0x67: {  	_ =	shalt  }
0x68: {  	_ =	shalt  }
0x69: {  	_ =	shalt  }
0x6a: {  	_ =	shalt  }
0x6b: {  	_ =	shalt  }
0x6c: {  	_ =	shalt  }
0x6d: {  	_ =	shalt  }
0x6e: {  	_ =	shalt  }
0x6f: {  	_ =	shalt  }
0x70: {  	_ =	shalt  }
0x71: {  	_ =	shalt  }
0x72: {  	_ =	shalt  }
0x73: {  	_ =	shalt  }
0x74: {  	_ =	shalt  }
0x75: {  	_ =	shalt  }
0x76: {  	_ =	shalt  }
0x77: {  	_ =	shalt  }
0x78: {  	_ =	shalt  }
0x79: {  	_ =	shalt  }
0x7a: {  	_ =	shalt  }
0x7b: {  	_ =	shalt  }
0x7c: {  	_ =	shalt  }
0x7d: {  	_ =	shalt  }
0x7e: {  	_ =	shalt  }
0x7f: {  	_ =	shalt  }
0x80: {  	_ =	shalt  }
0x81: {  	_ =	shalt  }
0x82: {  	_ =	shalt  }
0x83: {  	_ =	shalt  }
0x84: {  	_ =	shalt  }
0x85: {  	_ =	shalt  }
0x86: {  	_ =	shalt  }
0x87: {  	_ =	shalt  }
.Lfunc_end0:
.L_simem_size_0:
called_computation.1_lowered:
.L_overlay_start_0:
0x88: {  	s2 =	sld [smem:$0x3FD9]  }
0x89: {  	s3 =	sld [smem:$0x3FFE];
	_ =	sdelay $0x1  }
0x8a: {  	s1 =	srdreg.scid  }
0x8b: {  	s0 =	sand.u32 $0x1, s1  }
0x8c: {  	s17 =	sshll.u32 s0, $0xA;
	s2 =	sadd.s32 s3, s2  }
0x8d: {  	s2 =	sadd.s32 s2, s17  }
0x8e: {  	[smem:$0x3FBF] =	sst s2  }
0x8f: {  	_ = 	snop  }
0x90: {  	(tm) =	ssettm $0x1  }
0x91: {  	s18 =	sld [smem:$0x3FFB];
	_ =	sdelay $0x3  }
0x92: {  	_ =	strace s18  }
0x93: {  	s2 =	sld [smem:$0x3FFC];
	_ =	sdelay $0x3  }
0x94: {  	_ =	strace s2  }
0x95: {  	s2 =	sld [smem:$0x3FFD];
	_ =	sdelay $0x3  }
0x96: {  	_ =	strace s2  }
0x97: {  	_ =	strace $0x8FFFFFFF  }
0x98: {  	s19 =	sld [smem:$0x3FDB];
	_ =	sdelay $0x1  }
0x99: {  	s20 =	simm.s32 $_scs_section_size  }
0x9a: {  	s4 =	simm.s32 $_size__tile_overlayer_lowered;
	s5 =	simm.s32 $_tile_overlayer_lowered  }
0x9b: {  	s6 =	simm.s32 $0x1BFF;
	s21 =	sshll.u32 s5, $0x1;
	s3 =	sadd.s32 s20, s19  }
0x9c: {  	s22 =	simm.s32 $0x0;
	s4 =	sshll.u32 s4, $0x1;
	s5 =	sadd.s32 s21, s3  }
0x9d: {  	[timem:s22], [sflag:s6] =	dma.local [hbm:s5], s4  }
0x9e: {  	_ =	swait.ge [sflag:s6], s4  }
0x9f: {  	s4 =	ssub.s32 $0x0, s4;
	[sflag:s6] =	ssyncset.done $0x0  }
0xa0: {  	[sflag:s6] =	ssyncadd.s32 s4;
	_ =	sdelay $0x1  }
0xa1: {  	s23 =	simm.s32 $0x1B8B  }
0xa2: {  	_ =	swait.ge [sflag:s23], $0x1  }
0xa3: {  	[sflag:s23] =	ssyncset.done $0x0  }
0xa4: {  	[sflag:s23] =	ssyncadd.s32 $0xFFFFFFFF  }
0xa5: {  	s4 =	sld [smem:$0x0]  }
0xa6: {  	s5 =	sand.u32 $0xFFFFFFFE, s1  }
0xa7: {  	p0 =	sne.s32 s1, s5  }
0xa8: {  	s5 =	sshll.u32 @p0 s5, $0xE  }
0xa9: {  	s5 =	sadd.s32 @p0 $0x11B8D, s5;
	s6 =	sshll.u32 @p0 s4, $0x11  }
0xaa: {  	s5 =	sor.u32 @p0 s6, s5  }
0xab: {  	[sflag:s5] =	ssyncadd.remote.s32 @p0 $0x1;
	_ =	sdelay $0x1  }
0xac: {  	s5 =	simm.s32 @p0 $0x1B8D  }
0xad: {  	_ =	swait.eq @p0 [sflag:s5], $0x1  }
0xae: {  	[sflag:s5] =	ssyncadd.s32 @p0 $0xFFFFFFFF  }
0xaf: {  	s6 =	sshll.u32 @!p0 s1, $0xE  }
0xb0: {  	s6 =	sor.u32 @!p0 $0x4000, s6;
	s5 =	simm.s32 @!p0 $0x1B8D  }
0xb1: {  	s4 =	sshll.u32 @!p0 s4, $0x11;
	s6 =	sadd.s32 @!p0 $0x11B8D, s6;
	_ =	swait.eq @!p0 [sflag:s5], $0x1  }
0xb2: {  	s4 =	sor.u32 @!p0 s4, s6;
	[sflag:s5] =	ssyncadd.s32 @!p0 $0xFFFFFFFF  }
0xb3: {  	s25 =	simm.s32 $0x1B8E;
	s24 =	sld [smem:$0x3FFE];
	[sflag:s4] =	ssyncadd.remote.s32 @!p0 $0x1  }
0xb4: {  	s26 =	simm.s32 $execute0_lowered;
	[smem:$0x3FD2] =	sst s25  }
0xb5: {  	s5 =	sshll.u32 s26, $0x1;
	_ =	strace $0x80000049;
	[dreg:$0x1] =	wrdreg $0xFFFFFFFF  }
0xb6: {  	s28 =	simm.s32 $_size_execute0_lowered;
	s3 =	sadd.s32 s3, s5;
	[dreg:$0x0] =	wrdreg $0x0  }
0xb7: {  	s5 =	sshll.u32 s28, $0x1;
	[dreg:$0x2] =	wrdreg s3  }
0xb8: {  	[dreg:$0x3] =	wrdreg s5  }
0xb9: {  	[dreg:$0x4] =	wrdreg $0xC0  }
0xba: {  	_ =	task [dreg:s22], $0x5FFFF  }
0xbb: {  	[dreg:$0x1] =	wrdreg $0xFFFFFFFF  }
0xbc: {  	[dreg:$0x0] =	wrdreg $0x60  }
0xbd: {  	[dreg:$0x2] =	wrdreg s24  }
0xbe: {  	[dreg:$0x3] =	wrdreg $0xA  }
0xbf: {  	_ =	task.clear_ibuf [dreg:s22], $0x4FFFF;
	_ =	strace $0x90000049  }
0xc0: {  	s29 =	simm.s32 $0xA;
	_ =	strace $0x8000004B  }
0xc1: {  	_ =	swait.ge [sflag:s29], $0x1  }
0xc2: {  	[sflag:s29] =	ssyncadd.s32 $0xFFFFFFFF  }
0xc3: {  	_ =	strace $0x9000004B  }
0xc4: {  	_ =	sfence  }
0xc5: {  	s30 =	sld [smem:$0x0];
	_ =	sdelay $0x2  }
0xc6: {  	s31 =	sshll.u32 s1, $0xD;
	s1 =	sshrl.u32 s1, $0x2  }
0xc7: {  	s4 =	sand.u32 $0x4000, s31;
	s1 =	sadd.s32 s1, s30  }
0xc8: {  	s0 =	sor.u32 s4, s0;
	s1 =	sshll.u32 s1, $0x11  }
0xc9: {  	s0 =	sor.u32 s1, s0  }
0xca: {  	s0 =	sadd.s32 $0x8F2B, s0  }
0xcb: {  	[sflag:s0] =	ssyncadd.remote.s32 $0x1  }
0xcc: {  	_ =	sfence.sel $0xFFFF  }
0xcd: {  	[dreg:$0x0] =	wrdreg $0xFFFFFFFF;
	(pc) =	sbr.abs _section_cstart, $3  }
0xce: {  	[dreg:$0x1] =	wrdreg $0xFFFFFFFF  }
0xcf: {  	_ =	task.clear_ibuf [dreg:s22], $0x2FFFF;
	_ =	strace $0x9FFFFFFF  }
0xd0: {  	(tm) =	ssettm $0x7FFFFFFF  }
0xd1: {  	_ =	shalt  }
tec
execute0_lowered:
.L_overlay_start_1:
0x0: {  	(tag) =	ssettag $0x1  }
0x1: {  	s1 =	srdreg.scid  }
0x2: {  	s0 =	stileid.u32;
	s11 =	sand.u32 $0x1, s1  }
0x3: {  	s31 =	sshll.u32 s0, $0xA;
	s2 =	sshll.u32 s11, $0x9  }
0x4: {  	s10 =	rddreg [dreg:$0x0];
	s12 =	sor.u32 s2, s31  }
0x5: {  	s1 =	rddreg [dreg:$0x1];
	s2 =	simm.s32 $0x0;
	s3 =	sshrl.u32 s12, $0x3  }
0x6: {  	[smem:$0x7FF] =	sst s2;
	s3 =	sadd.s32 s3, s10  }
0x7: {  	_ =	strace $0x8000004A;
	s4 =	sadd.s32 $0x54400, s3;
	s3 =	simm.s32 $0x3  }
0x8: {  	[tilespmem:s2], [sflag:$0x3] =	stream.linear.gather [hbm4b:s4+s2], $0x200, $0x38;
	[tilespmem:$0x10200] =	vst v63  }
0x9: {  	_ =	swait.ge [sflag:s3], $0x200  }
0xa: {  	s6 =	simm.s32 $0x100;
	[sflag:s3] =	ssyncset.done $0x0  }
0xb: {  	s7 =	simm.s32 $0x200;
	s5 =	sadd.s32 $0x4C400, s10;
	[sflag:s3] =	ssyncadd.s32 $0xFFFFFE00  }
0xc: {  	[tilespmem:s7], [sflag:$0x1] =	stream.indirect.gather [hbm4b:s5+s6], $0x80, s2, s6, $0xb8;
	[tilespmem:$0x10200] =	vst v63  }
0xd: {  	s8 =	simm.s32 $0x8200;
	s9 =	simm.s32 $0x1  }
0xe: {  	[tilespmem:s8], [sflag:$0x2] =	stream.indirect.gather [hbm4b:s5+s6], $0x80, s6, s6, $0xb8;
	[tilespmem:$0x10200] =	vst v63  }
0xf: {  	s12 =	sshll.u32 s12, $0x4;
	_ =	swait.ge [sflag:s9], $0x8000  }
0x10: {  	s12 =	sadd.s32 s12, s10;
	[sflag:s9] =	ssyncset.done $0x0  }
0x11: {  	s13 =	ssub.s32 $0x2, s11;
	s10 =	sadd.s32 $0x54C00, s12;
	[sflag:s9] =	ssyncadd.s32 $0xFFFF8000  }
0x12: {  	[hbm4b:s10+s2] =	stream.linear.scatter [tilespmem:s7], [sflag:$0x3], $0x8000, $0x38;
	[tilespmem:$0x10200] =	vst v63  }
0x13: {  	s14 =	sshrl.u32 s13, $0x1;
	_ =	swait.ge [sflag:s3], $0x8000  }
0x14: {  	s13 =	ssub.s32 s13, s14;
	[sflag:s3] =	ssyncset.done $0x0  }
0x15: {  	s11 =	simm.s32 $0x2;
	s13 =	smax.u32 s13, $0x1;
	[sflag:s3] =	ssyncadd.s32 $0xFFFF8000  }
0x16: {  	p0 =	sne.s32 s13, $0x1;
	_ =	swait.ge [sflag:s11], $0x8000  }
.Ltmp0:
0x17: {  	[sflag:s11] =	ssyncset.done $0x0;
	(pc) =	sbr.rel @!p0 .LBB2_2-.Ltmp0, $4  }
0x18: {  	s12 =	sadd.s32 $0x55C00, s12;
	[sflag:s11] =	ssyncadd.s32 $0xFFFF8000  }
0x19: {  	[hbm4b:s12+s2] =	stream.linear.scatter [tilespmem:s8], [sflag:$0x3], $0x8000, $0x38;
	[tilespmem:$0x10200] =	vst v63  }
0x1a: {  	_ =	swait.ge [sflag:s3], $0x8000  }
0x1b: {  	s13 =	sadd.s32 $0xFFFFFFFF, s13;
	[sflag:s3] =	ssyncset.done $0x0  }
.LBB2_1:
0x1c: {  	p0 =	sne.s32 s13, $0x1;
	s13 =	sadd.s32 $0xFFFFFFFF, s13;
	[sflag:s3] =	ssyncadd.s32 $0xFFFF8000  }
0x1d: {  	[tilespmem:s2], [sflag:$0x3] =	stream.linear.gather [hbm4b:s4+s2], $0x200, $0x38;
	[tilespmem:$0x10200] =	vst v63  }
0x1e: {  	_ =	swait.ge [sflag:s3], $0x200  }
0x1f: {  	[sflag:s3] =	ssyncset.done $0x0  }
0x20: {  	[sflag:s3] =	ssyncadd.s32 $0xFFFFFE00  }
0x21: {  	[tilespmem:s7], [sflag:$0x1] =	stream.indirect.gather [hbm4b:s5+s6], $0x80, s2, s6, $0xb8;
	[tilespmem:$0x10200] =	vst v63  }
0x22: {  	_ = 	snop  }
0x23: {  	[tilespmem:s8], [sflag:$0x2] =	stream.indirect.gather [hbm4b:s5+s6], $0x80, s6, s6, $0xb8;
	[tilespmem:$0x10200] =	vst v63  }
0x24: {  	_ =	swait.ge [sflag:s9], $0x8000  }
0x25: {  	[sflag:s9] =	ssyncset.done $0x0  }
0x26: {  	[sflag:s9] =	ssyncadd.s32 $0xFFFF8000  }
0x27: {  	[hbm4b:s10+s2] =	stream.linear.scatter [tilespmem:s7], [sflag:$0x3], $0x8000, $0x38;
	[tilespmem:$0x10200] =	vst v63  }
0x28: {  	_ =	swait.ge [sflag:s3], $0x8000  }
0x29: {  	[sflag:s3] =	ssyncset.done $0x0  }
0x2a: {  	[sflag:s3] =	ssyncadd.s32 $0xFFFF8000  }
0x2b: {  	_ =	swait.ge [sflag:s11], $0x8000  }
.Ltmp1:
0x2c: {  	[sflag:s11] =	ssyncset.done $0x0;
	(pc) =	sbr.rel @p0 .LBB2_1-.Ltmp1, $4  }
0x2d: {  	[sflag:s11] =	ssyncadd.s32 $0xFFFF8000  }
0x2e: {  	[hbm4b:s12+s2] =	stream.linear.scatter [tilespmem:s8], [sflag:$0x3], $0x8000, $0x38;
	[tilespmem:$0x10200] =	vst v63  }
0x2f: {  	_ =	swait.ge [sflag:s3], $0x8000  }
0x30: {  	[sflag:s3] =	ssyncset.done $0x0  }
.LBB2_2:
0x31: {  	[sflag:s3] =	ssyncadd.s32 $0xFFFF8000  }
0x32: {  	_ =	sfence.sel $0x180000  }
0x33: {  	[bflag:$0x0] =	sbarrier.arrive $0xFFFF  }
0x34: {  	p0 =	sne.s32 s0, $0x0;
	_ =	strace $0x9000004A  }
0x35: {  	s0 =	sadd.s32 @!p0 $0x100000, s1;
	[bflag:$0x2] =	sbarrier.arrive $0xFFFF  }
0x36: {  	[sflag:s0] =	ssyncadd.tile.s32 @!p0 $0x1;
	_ =	shalt  }
.Lfunc_end2:
_tile_overlayer_lowered:
.L_overlay_start_2:
0x37: {  	(tag) =	ssettag $0x2  }
0x38: {  	s0 =	rddreg [dreg:$0x0];
	s2 =	stileid.u32  }
0x39: {  	s1 =	rddreg [dreg:$0x1];
	p0 =	sne.s32 s2, $0x0  }
0x3a: {  	s3 =	rddreg [dreg:$0x2];
	[bflag:$0x3] =	sbarrier.arrive $0xFFFF;
	s2 =	simm.s32 @!p0 $0x1C03  }
0x3b: {  	[timem:s3], [sflag:s2] =	dma.local @!p0 [hbm:s0], s1  }
0x3c: {  	s0 =	simm.s32 @!p0 $0x3  }
0x3d: {  	_ =	swait.ge @!p0 [sflag:s0], s1  }
0x3e: {  	s1 =	ssub.s32 @!p0 $0x0, s1;
	[sflag:s0] =	ssyncset.done @!p0 $0x0  }
0x3f: {  	[sflag:s0] =	ssyncadd.s32 @!p0 s1  }
0x40: {  	[bflag:$0x3] =	sbarrier.arrive $0xFFFF  }
0x41: {  	_ =	shalt  }

// kernel: kernel.20.cloned.1.call-start
scs
__scs_entry_jumppad:
0x0: {  	(pc) =	sbr.rel $0x88, $3  }
0x1: {  	(tag) =	ssettag $0x0;
	lr =	simm.s32 $0x1  }
0x2: {  	[smem:$0x3F98] =	sst lr;
	_ =	strace $0xD0000000  }
0x3: {  	_ = 	snop  }
0x4: {  	_ = 	snop  }
0x5: {  	_ = 	snop  }
0x6: {  	_ = 	snop  }
0x7: {  	_ = 	snop  }
__scs_overlays_trampoline_lowered:
0x8: {  	[smem:$0x3FA7] =	sst s0  }
0x9: {  	[smem:$0x3FA8] =	sst s1  }
0xa: {  	[smem:$0x3FA9] =	sst s2  }
0xb: {  	[smem:$0x3FAA] =	sst s3  }
0xc: {  	[smem:$0x3FAB] =	sst s4  }
0xd: {  	[smem:$0x3FAC] =	sst s5  }
0xe: {  	[smem:$0x3FAD] =	sst s6  }
0xf: {  	[smem:$0x3FAE] =	sst s7  }
0x10: {  	[smem:$0x3FAF] =	sst s8  }
0x11: {  	[smem:$0x3FB0] =	sst s9;
	s0 =	simm.s32 @!p0 $0x0  }
0x12: {  	s1 =	sld [smem:$0x3F96];
	s0 =	simm.s32 @p0 $0x1  }
0x13: {  	[smem:$0x3FB1] =	sst s0;
	s0 =	simm.s32 @!p1 $0x0  }
0x14: {  	s2 =	sld [smem:$0x3F95];
	s0 =	simm.s32 @p1 $0x1  }
0x15: {  	[smem:$0x3FB2] =	sst s0;
	s0 =	simm.s32 @!p2 $0x0  }
0x16: {  	s3 =	sld [smem:$0x3FDB];
	s0 =	simm.s32 @p2 $0x1  }
0x17: {  	s4 =	simm.s32 $0x1BF5;
	[smem:$0x3FB4] =	sst s0  }
0x18: {  	s0 =	sld [smem:$0x3F97];
	_ =	swait.ge [sflag:s4], $0x0  }
0x19: {  	s7 =	sld [smem:$0x3F98]  }
0x1a: {  	s8 =	sadd.s32 $0xFFFFE003, lr  }
0x1b: {  	s9 =	sadd.s32 $0xFFFFFEF7, lr;
	s5 =	simm.s32 $0xFFFFFFFF;
	p2 =	slt.u32 s8, $0xFFFFF086  }
0x1c: {  	p1 =	slt.u32 s9, $0xF7A;
	s5 =	simm.s32 @!p2 $0x0  }
0x1d: {  	s5 =	simm.s32 @p1 $0x1;
	p0 =	seq.s32 s7, s2  }
0x1e: {  	s7 =	smul.u32 @!p0 $0xF7A, s2;
	p2 =	seq.s32 @!p0 s5, $0x0  }
0x1f: {  	s9 =	smul.u32 $0xF7A, s1;
	s8 =	simm.s32 @!p0 $0x1BF5;
	p2 =	por !p2, p0  }
0x20: {  	[sflag:s8] =	ssyncset.s32 @!p0 $0xFFFFF086;
	s6 =	sadd.s32 @!p0 s3, s7;
	s7 =	simm.s32 @!p0 $0x108  }
0x21: {  	s3 =	sadd.s32 s3, s9;
	s6 =	sadd.s32 @!p0 $0x88, s6;
	s7 =	simm.s32 @p2 $0x1082  }
0x22: {  	[simem:s7], [sflag:s8] =	dma.local @!p0 [hbm:s6], $0xF7A  }
0x23: {  	s9 =	sor.u32 $0xD0000000, s2;
	s6 =	simm.s32 $0x108;
	_ =	swait.ge @!p0 [sflag:s8], $0x0  }
0x24: {  	s3 =	sadd.s32 $0x88, s3;
	s6 =	simm.s32 @!p1 $0x1082;
	[sflag:s4] =	ssyncset.s32 $0xFFFFF086  }
0x25: {  	[simem:s6], [sflag:s4] =	dma.local [hbm:s3], $0xF7A  }
0x26: {  	[smem:$0x3F98] =	sst s1;
	(tag) =	ssettag s2;
	_ =	strace s9  }
0x27: {  	s1 =	sld [smem:$0x3FA8]  }
0x28: {  	s2 =	sld [smem:$0x3FA9]  }
0x29: {  	s4 =	sld [smem:$0x3FAB]  }
0x2a: {  	p0 =	seq.s32 s5, $0x0;
	s5 =	sld [smem:$0x3FAC]  }
0x2b: {  	s6 =	sld [smem:$0x3FAD]  }
0x2c: {  	s7 =	sld [smem:$0x3FAE]  }
0x2d: {  	s3 =	simm.s32 $0x108;
	s8 =	sld [smem:$0x3FAF]  }
0x2e: {  	s3 =	simm.s32 @!p0 $0x1082;
	s9 =	sld [smem:$0x3FB0]  }
0x2f: {  	lr =	sadd.s32 s0, s3;
	s0 =	sld [smem:$0x3FA7]  }
0x30: {  	s3 =	sld [smem:$0x3FAA]  }
0x31: {  	[smem:$0x3FB3] =	sst s10  }
0x32: {  	s10 =	sld [smem:$0x3FB1];
	_ =	sdelay $0x3  }
0x33: {  	p0 =	seq.s32 s10, $0x1;
	s10 =	sld [smem:$0x3FB3];
	_ =	sdelay $0x3  }
0x34: {  	[smem:$0x3FB3] =	sst s10  }
0x35: {  	s10 =	sld [smem:$0x3FB2];
	_ =	sdelay $0x3  }
0x36: {  	p1 =	seq.s32 s10, $0x1;
	s10 =	sld [smem:$0x3FB3];
	_ =	sdelay $0x3  }
0x37: {  	[smem:$0x3FB3] =	sst s10  }
0x38: {  	s10 =	sld [smem:$0x3FB4]  }
0x39: {  	_ = 	snop;
	(pc) =	sbr.ind lr, $3  }
0x3a: {  	_ = 	snop  }
0x3b: {  	_ = 	snop  }
0x3c: {  	p2 =	seq.s32 s10, $0x1;
	s10 =	sld [smem:$0x3FB3]  }
0x3d: {  	_ =	shalt  }
0x3e: {  	_ =	shalt  }
0x3f: {  	_ =	shalt  }
0x40: {  	_ =	shalt  }
0x41: {  	_ =	shalt  }
0x42: {  	_ =	shalt  }
0x43: {  	_ =	shalt  }
0x44: {  	_ =	shalt  }
0x45: {  	_ =	shalt  }
0x46: {  	_ =	shalt  }
0x47: {  	_ =	shalt  }
0x48: {  	_ =	shalt  }
0x49: {  	_ =	shalt  }
0x4a: {  	_ =	shalt  }
0x4b: {  	_ =	shalt  }
0x4c: {  	_ =	shalt  }
0x4d: {  	_ =	shalt  }
0x4e: {  	_ =	shalt  }
0x4f: {  	_ =	shalt  }
0x50: {  	_ =	shalt  }
0x51: {  	_ =	shalt  }
0x52: {  	_ =	shalt  }
0x53: {  	_ =	shalt  }
0x54: {  	_ =	shalt  }
0x55: {  	_ =	shalt  }
0x56: {  	_ =	shalt  }
0x57: {  	_ =	shalt  }
0x58: {  	_ =	shalt  }
0x59: {  	_ =	shalt  }
0x5a: {  	_ =	shalt  }
0x5b: {  	_ =	shalt  }
0x5c: {  	_ =	shalt  }
0x5d: {  	_ =	shalt  }
0x5e: {  	_ =	shalt  }
0x5f: {  	_ =	shalt  }
0x60: {  	_ =	shalt  }
0x61: {  	_ =	shalt  }
0x62: {  	_ =	shalt  }
0x63: {  	_ =	shalt  }
0x64: {  	_ =	shalt  }
0x65: {  	_ =	shalt  }
0x66: {  	_ =	shalt  }
0x67: {  	_ =	shalt  }
0x68: {  	_ =	shalt  }
0x69: {  	_ =	shalt  }
0x6a: {  	_ =	shalt  }
0x6b: {  	_ =	shalt  }
0x6c: {  	_ =	shalt  }
0x6d: {  	_ =	shalt  }
0x6e: {  	_ =	shalt  }
0x6f: {  	_ =	shalt  }
0x70: {  	_ =	shalt  }
0x71: {  	_ =	shalt  }
0x72: {  	_ =	shalt  }
0x73: {  	_ =	shalt  }
0x74: {  	_ =	shalt  }
0x75: {  	_ =	shalt  }
0x76: {  	_ =	shalt  }
0x77: {  	_ =	shalt  }
0x78: {  	_ =	shalt  }
0x79: {  	_ =	shalt  }
0x7a: {  	_ =	shalt  }
0x7b: {  	_ =	shalt  }
0x7c: {  	_ =	shalt  }
0x7d: {  	_ =	shalt  }
0x7e: {  	_ =	shalt  }
0x7f: {  	_ =	shalt  }
0x80: {  	_ =	shalt  }
0x81: {  	_ =	shalt  }
0x82: {  	_ =	shalt  }
0x83: {  	_ =	shalt  }
0x84: {  	_ =	shalt  }
0x85: {  	_ =	shalt  }
0x86: {  	_ =	shalt  }
0x87: {  	_ =	shalt  }
.Lfunc_end0:
.L_simem_size_0:
called_computation.2_lowered:
.L_overlay_start_0:
0x88: {  	s2 =	sld [smem:$0x3FD9]  }
0x89: {  	s3 =	sld [smem:$0x3FFE];
	_ =	sdelay $0x1  }
0x8a: {  	s1 =	srdreg.scid  }
0x8b: {  	s0 =	sand.u32 $0x1, s1  }
0x8c: {  	s17 =	sshll.u32 s0, $0xA;
	s2 =	sadd.s32 s3, s2  }
0x8d: {  	s2 =	sadd.s32 s2, s17  }
0x8e: {  	[smem:$0x3FBF] =	sst s2  }
0x8f: {  	_ = 	snop  }
0x90: {  	(tm) =	ssettm $0x1  }
0x91: {  	s18 =	sld [smem:$0x3FFB];
	_ =	sdelay $0x3  }
0x92: {  	_ =	strace s18  }
0x93: {  	s2 =	sld [smem:$0x3FFC];
	_ =	sdelay $0x3  }
0x94: {  	_ =	strace s2  }
0x95: {  	s2 =	sld [smem:$0x3FFD];
	_ =	sdelay $0x3  }
0x96: {  	_ =	strace s2  }
0x97: {  	_ =	strace $0x8FFFFFFF  }
0x98: {  	s19 =	sld [smem:$0x3FDB];
	_ =	sdelay $0x1  }
0x99: {  	s20 =	simm.s32 $_scs_section_size  }
0x9a: {  	s4 =	simm.s32 $_size__tile_overlayer_lowered;
	s5 =	simm.s32 $_tile_overlayer_lowered  }
0x9b: {  	s6 =	simm.s32 $0x1BFF;
	s21 =	sshll.u32 s5, $0x1;
	s3 =	sadd.s32 s20, s19  }
0x9c: {  	s22 =	simm.s32 $0x0;
	s4 =	sshll.u32 s4, $0x1;
	s5 =	sadd.s32 s21, s3  }
0x9d: {  	[timem:s22], [sflag:s6] =	dma.local [hbm:s5], s4  }
0x9e: {  	_ =	swait.ge [sflag:s6], s4  }
0x9f: {  	s4 =	ssub.s32 $0x0, s4;
	[sflag:s6] =	ssyncset.done $0x0  }
0xa0: {  	[sflag:s6] =	ssyncadd.s32 s4;
	_ =	sdelay $0x1  }
0xa1: {  	s23 =	simm.s32 $0x1B8B  }
0xa2: {  	_ =	swait.ge [sflag:s23], $0x1  }
0xa3: {  	[sflag:s23] =	ssyncset.done $0x0  }
0xa4: {  	[sflag:s23] =	ssyncadd.s32 $0xFFFFFFFF  }
0xa5: {  	s4 =	sld [smem:$0x0]  }
0xa6: {  	s5 =	sand.u32 $0xFFFFFFFE, s1  }
0xa7: {  	p0 =	sne.s32 s1, s5  }
0xa8: {  	s5 =	sshll.u32 @p0 s5, $0xE  }
0xa9: {  	s5 =	sadd.s32 @p0 $0x11B8D, s5;
	s6 =	sshll.u32 @p0 s4, $0x11  }
0xaa: {  	s5 =	sor.u32 @p0 s6, s5  }
0xab: {  	[sflag:s5] =	ssyncadd.remote.s32 @p0 $0x1;
	_ =	sdelay $0x1  }
0xac: {  	s5 =	simm.s32 @p0 $0x1B8D  }
0xad: {  	_ =	swait.eq @p0 [sflag:s5], $0x1  }
0xae: {  	[sflag:s5] =	ssyncadd.s32 @p0 $0xFFFFFFFF  }
0xaf: {  	s6 =	sshll.u32 @!p0 s1, $0xE  }
0xb0: {  	s6 =	sor.u32 @!p0 $0x4000, s6;
	s5 =	simm.s32 @!p0 $0x1B8D  }
0xb1: {  	s4 =	sshll.u32 @!p0 s4, $0x11;
	s6 =	sadd.s32 @!p0 $0x11B8D, s6;
	_ =	swait.eq @!p0 [sflag:s5], $0x1  }
0xb2: {  	s4 =	sor.u32 @!p0 s4, s6;
	[sflag:s5] =	ssyncadd.s32 @!p0 $0xFFFFFFFF  }
0xb3: {  	s25 =	simm.s32 $0x1B8E;
	s24 =	sld [smem:$0x3FFE];
	[sflag:s4] =	ssyncadd.remote.s32 @!p0 $0x1  }
0xb4: {  	s26 =	simm.s32 $execute0_lowered;
	[smem:$0x3FD2] =	sst s25  }
0xb5: {  	s5 =	sshll.u32 s26, $0x1;
	_ =	strace $0x8000004C;
	[dreg:$0x1] =	wrdreg $0xFFFFFFFF  }
0xb6: {  	s28 =	simm.s32 $_size_execute0_lowered;
	s3 =	sadd.s32 s3, s5;
	[dreg:$0x0] =	wrdreg $0x0  }
0xb7: {  	s5 =	sshll.u32 s28, $0x1;
	[dreg:$0x2] =	wrdreg s3  }
0xb8: {  	[dreg:$0x3] =	wrdreg s5  }
0xb9: {  	[dreg:$0x4] =	wrdreg $0xC0  }
0xba: {  	_ =	task [dreg:s22], $0x5FFFF  }
0xbb: {  	[dreg:$0x1] =	wrdreg $0xFFFFFFFF  }
0xbc: {  	[dreg:$0x0] =	wrdreg $0x60  }
0xbd: {  	[dreg:$0x2] =	wrdreg s24  }
0xbe: {  	[dreg:$0x3] =	wrdreg $0xB  }
0xbf: {  	_ =	task.clear_ibuf [dreg:s22], $0x4FFFF;
	_ =	strace $0x9000004C  }
0xc0: {  	s29 =	simm.s32 $0xB;
	_ =	strace $0x8000004E  }
0xc1: {  	_ =	swait.ge [sflag:s29], $0x1  }
0xc2: {  	[sflag:s29] =	ssyncadd.s32 $0xFFFFFFFF  }
0xc3: {  	_ =	strace $0x9000004E  }
0xc4: {  	_ =	sfence  }
0xc5: {  	s30 =	sld [smem:$0x0];
	_ =	sdelay $0x2  }
0xc6: {  	s31 =	sshll.u32 s1, $0xD;
	s1 =	sshrl.u32 s1, $0x2  }
0xc7: {  	s4 =	sand.u32 $0x4000, s31;
	s1 =	sadd.s32 s1, s30  }
0xc8: {  	s0 =	sor.u32 s4, s0;
	s1 =	sshll.u32 s1, $0x11  }
0xc9: {  	s0 =	sor.u32 s1, s0  }
0xca: {  	s0 =	sadd.s32 $0x8F2B, s0  }
0xcb: {  	[sflag:s0] =	ssyncadd.remote.s32 $0x1  }
0xcc: {  	_ =	sfence.sel $0xFFFF  }
0xcd: {  	[dreg:$0x0] =	wrdreg $0xFFFFFFFF;
	(pc) =	sbr.abs _section_cstart, $3  }
0xce: {  	[dreg:$0x1] =	wrdreg $0xFFFFFFFF  }
0xcf: {  	_ =	task.clear_ibuf [dreg:s22], $0x2FFFF;
	_ =	strace $0x9FFFFFFF  }
0xd0: {  	(tm) =	ssettm $0x7FFFFFFF  }
0xd1: {  	_ =	shalt  }
tec
execute0_lowered:
.L_overlay_start_1:
0x0: {  	(tag) =	ssettag $0x1  }
0x1: {  	s1 =	srdreg.scid  }
0x2: {  	s0 =	stileid.u32;
	s11 =	sand.u32 $0x1, s1  }
0x3: {  	s31 =	sshll.u32 s0, $0xA;
	s2 =	sshll.u32 s11, $0x9  }
0x4: {  	s10 =	rddreg [dreg:$0x0];
	s12 =	sor.u32 s2, s31  }
0x5: {  	s1 =	rddreg [dreg:$0x1];
	s2 =	simm.s32 $0x0;
	s3 =	sshrl.u32 s12, $0x3  }
0x6: {  	[smem:$0x7FF] =	sst s2;
	s3 =	sadd.s32 s3, s10  }
0x7: {  	_ =	strace $0x8000004D;
	s4 =	sadd.s32 $0x9CC00, s3;
	s3 =	simm.s32 $0x3  }
0x8: {  	[tilespmem:s2], [sflag:$0x3] =	stream.linear.gather [hbm4b:s4+s2], $0x200, $0x38;
	[tilespmem:$0x10200] =	vst v63  }
0x9: {  	_ =	swait.ge [sflag:s3], $0x200  }
0xa: {  	s6 =	simm.s32 $0x100;
	[sflag:s3] =	ssyncset.done $0x0  }
0xb: {  	s7 =	simm.s32 $0x200;
	s5 =	sadd.s32 $0x94C00, s10;
	[sflag:s3] =	ssyncadd.s32 $0xFFFFFE00  }
0xc: {  	[tilespmem:s7], [sflag:$0x1] =	stream.indirect.gather [hbm4b:s5+s6], $0x80, s2, s6, $0xb8;
	[tilespmem:$0x10200] =	vst v63  }
0xd: {  	s8 =	simm.s32 $0x8200;
	s9 =	simm.s32 $0x1  }
0xe: {  	[tilespmem:s8], [sflag:$0x2] =	stream.indirect.gather [hbm4b:s5+s6], $0x80, s6, s6, $0xb8;
	[tilespmem:$0x10200] =	vst v63  }
0xf: {  	s12 =	sshll.u32 s12, $0x4;
	_ =	swait.ge [sflag:s9], $0x8000  }
0x10: {  	s12 =	sadd.s32 s12, s10;
	[sflag:s9] =	ssyncset.done $0x0  }
0x11: {  	s13 =	ssub.s32 $0x2, s11;
	s10 =	sadd.s32 $0x9D400, s12;
	[sflag:s9] =	ssyncadd.s32 $0xFFFF8000  }
0x12: {  	[hbm4b:s10+s2] =	stream.linear.scatter [tilespmem:s7], [sflag:$0x3], $0x8000, $0x38;
	[tilespmem:$0x10200] =	vst v63  }
0x13: {  	s14 =	sshrl.u32 s13, $0x1;
	_ =	swait.ge [sflag:s3], $0x8000  }
0x14: {  	s13 =	ssub.s32 s13, s14;
	[sflag:s3] =	ssyncset.done $0x0  }
0x15: {  	s11 =	simm.s32 $0x2;
	s13 =	smax.u32 s13, $0x1;
	[sflag:s3] =	ssyncadd.s32 $0xFFFF8000  }
0x16: {  	p0 =	sne.s32 s13, $0x1;
	_ =	swait.ge [sflag:s11], $0x8000  }
.Ltmp0:
0x17: {  	[sflag:s11] =	ssyncset.done $0x0;
	(pc) =	sbr.rel @!p0 .LBB2_2-.Ltmp0, $4  }
0x18: {  	s12 =	sadd.s32 $0x9E400, s12;
	[sflag:s11] =	ssyncadd.s32 $0xFFFF8000  }
0x19: {  	[hbm4b:s12+s2] =	stream.linear.scatter [tilespmem:s8], [sflag:$0x3], $0x8000, $0x38;
	[tilespmem:$0x10200] =	vst v63  }
0x1a: {  	_ =	swait.ge [sflag:s3], $0x8000  }
0x1b: {  	s13 =	sadd.s32 $0xFFFFFFFF, s13;
	[sflag:s3] =	ssyncset.done $0x0  }
.LBB2_1:
0x1c: {  	p0 =	sne.s32 s13, $0x1;
	s13 =	sadd.s32 $0xFFFFFFFF, s13;
	[sflag:s3] =	ssyncadd.s32 $0xFFFF8000  }
0x1d: {  	[tilespmem:s2], [sflag:$0x3] =	stream.linear.gather [hbm4b:s4+s2], $0x200, $0x38;
	[tilespmem:$0x10200] =	vst v63  }
0x1e: {  	_ =	swait.ge [sflag:s3], $0x200  }
0x1f: {  	[sflag:s3] =	ssyncset.done $0x0  }
0x20: {  	[sflag:s3] =	ssyncadd.s32 $0xFFFFFE00  }
0x21: {  	[tilespmem:s7], [sflag:$0x1] =	stream.indirect.gather [hbm4b:s5+s6], $0x80, s2, s6, $0xb8;
	[tilespmem:$0x10200] =	vst v63  }
0x22: {  	_ = 	snop  }
0x23: {  	[tilespmem:s8], [sflag:$0x2] =	stream.indirect.gather [hbm4b:s5+s6], $0x80, s6, s6, $0xb8;
	[tilespmem:$0x10200] =	vst v63  }
0x24: {  	_ =	swait.ge [sflag:s9], $0x8000  }
0x25: {  	[sflag:s9] =	ssyncset.done $0x0  }
0x26: {  	[sflag:s9] =	ssyncadd.s32 $0xFFFF8000  }
0x27: {  	[hbm4b:s10+s2] =	stream.linear.scatter [tilespmem:s7], [sflag:$0x3], $0x8000, $0x38;
	[tilespmem:$0x10200] =	vst v63  }
0x28: {  	_ =	swait.ge [sflag:s3], $0x8000  }
0x29: {  	[sflag:s3] =	ssyncset.done $0x0  }
0x2a: {  	[sflag:s3] =	ssyncadd.s32 $0xFFFF8000  }
0x2b: {  	_ =	swait.ge [sflag:s11], $0x8000  }
.Ltmp1:
0x2c: {  	[sflag:s11] =	ssyncset.done $0x0;
	(pc) =	sbr.rel @p0 .LBB2_1-.Ltmp1, $4  }
0x2d: {  	[sflag:s11] =	ssyncadd.s32 $0xFFFF8000  }
0x2e: {  	[hbm4b:s12+s2] =	stream.linear.scatter [tilespmem:s8], [sflag:$0x3], $0x8000, $0x38;
	[tilespmem:$0x10200] =	vst v63  }
0x2f: {  	_ =	swait.ge [sflag:s3], $0x8000  }
0x30: {  	[sflag:s3] =	ssyncset.done $0x0  }
.LBB2_2:
0x31: {  	[sflag:s3] =	ssyncadd.s32 $0xFFFF8000  }
0x32: {  	_ =	sfence.sel $0x180000  }
0x33: {  	[bflag:$0x0] =	sbarrier.arrive $0xFFFF  }
0x34: {  	p0 =	sne.s32 s0, $0x0;
	_ =	strace $0x9000004D  }
0x35: {  	s0 =	sadd.s32 @!p0 $0x100000, s1;
	[bflag:$0x2] =	sbarrier.arrive $0xFFFF  }
0x36: {  	[sflag:s0] =	ssyncadd.tile.s32 @!p0 $0x1;
	_ =	shalt  }
.Lfunc_end2:
_tile_overlayer_lowered:
.L_overlay_start_2:
0x37: {  	(tag) =	ssettag $0x2  }
0x38: {  	s0 =	rddreg [dreg:$0x0];
	s2 =	stileid.u32  }
0x39: {  	s1 =	rddreg [dreg:$0x1];
	p0 =	sne.s32 s2, $0x0  }
0x3a: {  	s3 =	rddreg [dreg:$0x2];
	[bflag:$0x3] =	sbarrier.arrive $0xFFFF;
	s2 =	simm.s32 @!p0 $0x1C03  }
0x3b: {  	[timem:s3], [sflag:s2] =	dma.local @!p0 [hbm:s0], s1  }
0x3c: {  	s0 =	simm.s32 @!p0 $0x3  }
0x3d: {  	_ =	swait.ge @!p0 [sflag:s0], s1  }
0x3e: {  	s1 =	ssub.s32 @!p0 $0x0, s1;
	[sflag:s0] =	ssyncset.done @!p0 $0x0  }
0x3f: {  	[sflag:s0] =	ssyncadd.s32 @!p0 s1  }
0x40: {  	[bflag:$0x3] =	sbarrier.arrive $0xFFFF  }
0x41: {  	_ =	shalt  }

// kernel: kernel.23.cloned.1.call-start
scs
__scs_entry_jumppad:
0x0: {  	(pc) =	sbr.rel $0x88, $3  }
0x1: {  	(tag) =	ssettag $0x0;
	lr =	simm.s32 $0x1  }
0x2: {  	[smem:$0x3F98] =	sst lr;
	_ =	strace $0xD0000000  }
0x3: {  	_ = 	snop  }
0x4: {  	_ = 	snop  }
0x5: {  	_ = 	snop  }
0x6: {  	_ = 	snop  }
0x7: {  	_ = 	snop  }
__scs_overlays_trampoline_lowered:
0x8: {  	[smem:$0x3FA7] =	sst s0  }
0x9: {  	[smem:$0x3FA8] =	sst s1  }
0xa: {  	[smem:$0x3FA9] =	sst s2  }
0xb: {  	[smem:$0x3FAA] =	sst s3  }
0xc: {  	[smem:$0x3FAB] =	sst s4  }
0xd: {  	[smem:$0x3FAC] =	sst s5  }
0xe: {  	[smem:$0x3FAD] =	sst s6  }
0xf: {  	[smem:$0x3FAE] =	sst s7  }
0x10: {  	[smem:$0x3FAF] =	sst s8  }
0x11: {  	[smem:$0x3FB0] =	sst s9;
	s0 =	simm.s32 @!p0 $0x0  }
0x12: {  	s1 =	sld [smem:$0x3F96];
	s0 =	simm.s32 @p0 $0x1  }
0x13: {  	[smem:$0x3FB1] =	sst s0;
	s0 =	simm.s32 @!p1 $0x0  }
0x14: {  	s2 =	sld [smem:$0x3F95];
	s0 =	simm.s32 @p1 $0x1  }
0x15: {  	[smem:$0x3FB2] =	sst s0;
	s0 =	simm.s32 @!p2 $0x0  }
0x16: {  	s3 =	sld [smem:$0x3FDB];
	s0 =	simm.s32 @p2 $0x1  }
0x17: {  	s4 =	simm.s32 $0x1BF5;
	[smem:$0x3FB4] =	sst s0  }
0x18: {  	s0 =	sld [smem:$0x3F97];
	_ =	swait.ge [sflag:s4], $0x0  }
0x19: {  	s7 =	sld [smem:$0x3F98]  }
0x1a: {  	s8 =	sadd.s32 $0xFFFFE003, lr  }
0x1b: {  	s9 =	sadd.s32 $0xFFFFFEF7, lr;
	s5 =	simm.s32 $0xFFFFFFFF;
	p2 =	slt.u32 s8, $0xFFFFF086  }
0x1c: {  	p1 =	slt.u32 s9, $0xF7A;
	s5 =	simm.s32 @!p2 $0x0  }
0x1d: {  	s5 =	simm.s32 @p1 $0x1;
	p0 =	seq.s32 s7, s2  }
0x1e: {  	s7 =	smul.u32 @!p0 $0xF7A, s2;
	p2 =	seq.s32 @!p0 s5, $0x0  }
0x1f: {  	s9 =	smul.u32 $0xF7A, s1;
	s8 =	simm.s32 @!p0 $0x1BF5;
	p2 =	por !p2, p0  }
0x20: {  	[sflag:s8] =	ssyncset.s32 @!p0 $0xFFFFF086;
	s6 =	sadd.s32 @!p0 s3, s7;
	s7 =	simm.s32 @!p0 $0x108  }
0x21: {  	s3 =	sadd.s32 s3, s9;
	s6 =	sadd.s32 @!p0 $0x88, s6;
	s7 =	simm.s32 @p2 $0x1082  }
0x22: {  	[simem:s7], [sflag:s8] =	dma.local @!p0 [hbm:s6], $0xF7A  }
0x23: {  	s9 =	sor.u32 $0xD0000000, s2;
	s6 =	simm.s32 $0x108;
	_ =	swait.ge @!p0 [sflag:s8], $0x0  }
0x24: {  	s3 =	sadd.s32 $0x88, s3;
	s6 =	simm.s32 @!p1 $0x1082;
	[sflag:s4] =	ssyncset.s32 $0xFFFFF086  }
0x25: {  	[simem:s6], [sflag:s4] =	dma.local [hbm:s3], $0xF7A  }
0x26: {  	[smem:$0x3F98] =	sst s1;
	(tag) =	ssettag s2;
	_ =	strace s9  }
0x27: {  	s1 =	sld [smem:$0x3FA8]  }
0x28: {  	s2 =	sld [smem:$0x3FA9]  }
0x29: {  	s4 =	sld [smem:$0x3FAB]  }
0x2a: {  	p0 =	seq.s32 s5, $0x0;
	s5 =	sld [smem:$0x3FAC]  }
0x2b: {  	s6 =	sld [smem:$0x3FAD]  }
0x2c: {  	s7 =	sld [smem:$0x3FAE]  }
0x2d: {  	s3 =	simm.s32 $0x108;
	s8 =	sld [smem:$0x3FAF]  }
0x2e: {  	s3 =	simm.s32 @!p0 $0x1082;
	s9 =	sld [smem:$0x3FB0]  }
0x2f: {  	lr =	sadd.s32 s0, s3;
	s0 =	sld [smem:$0x3FA7]  }
0x30: {  	s3 =	sld [smem:$0x3FAA]  }
0x31: {  	[smem:$0x3FB3] =	sst s10  }
0x32: {  	s10 =	sld [smem:$0x3FB1];
	_ =	sdelay $0x3  }
0x33: {  	p0 =	seq.s32 s10, $0x1;
	s10 =	sld [smem:$0x3FB3];
	_ =	sdelay $0x3  }
0x34: {  	[smem:$0x3FB3] =	sst s10  }
0x35: {  	s10 =	sld [smem:$0x3FB2];
	_ =	sdelay $0x3  }
0x36: {  	p1 =	seq.s32 s10, $0x1;
	s10 =	sld [smem:$0x3FB3];
	_ =	sdelay $0x3  }
0x37: {  	[smem:$0x3FB3] =	sst s10  }
0x38: {  	s10 =	sld [smem:$0x3FB4]  }
0x39: {  	_ = 	snop;
	(pc) =	sbr.ind lr, $3  }
0x3a: {  	_ = 	snop  }
0x3b: {  	_ = 	snop  }
0x3c: {  	p2 =	seq.s32 s10, $0x1;
	s10 =	sld [smem:$0x3FB3]  }
0x3d: {  	_ =	shalt  }
0x3e: {  	_ =	shalt  }
0x3f: {  	_ =	shalt  }
0x40: {  	_ =	shalt  }
0x41: {  	_ =	shalt  }
0x42: {  	_ =	shalt  }
0x43: {  	_ =	shalt  }
0x44: {  	_ =	shalt  }
0x45: {  	_ =	shalt  }
0x46: {  	_ =	shalt  }
0x47: {  	_ =	shalt  }
0x48: {  	_ =	shalt  }
0x49: {  	_ =	shalt  }
0x4a: {  	_ =	shalt  }
0x4b: {  	_ =	shalt  }
0x4c: {  	_ =	shalt  }
0x4d: {  	_ =	shalt  }
0x4e: {  	_ =	shalt  }
0x4f: {  	_ =	shalt  }
0x50: {  	_ =	shalt  }
0x51: {  	_ =	shalt  }
0x52: {  	_ =	shalt  }
0x53: {  	_ =	shalt  }
0x54: {  	_ =	shalt  }
0x55: {  	_ =	shalt  }
0x56: {  	_ =	shalt  }
0x57: {  	_ =	shalt  }
0x58: {  	_ =	shalt  }
0x59: {  	_ =	shalt  }
0x5a: {  	_ =	shalt  }
0x5b: {  	_ =	shalt  }
0x5c: {  	_ =	shalt  }
0x5d: {  	_ =	shalt  }
0x5e: {  	_ =	shalt  }
0x5f: {  	_ =	shalt  }
0x60: {  	_ =	shalt  }
0x61: {  	_ =	shalt  }
0x62: {  	_ =	shalt  }
0x63: {  	_ =	shalt  }
0x64: {  	_ =	shalt  }
0x65: {  	_ =	shalt  }
0x66: {  	_ =	shalt  }
0x67: {  	_ =	shalt  }
0x68: {  	_ =	shalt  }
0x69: {  	_ =	shalt  }
0x6a: {  	_ =	shalt  }
0x6b: {  	_ =	shalt  }
0x6c: {  	_ =	shalt  }
0x6d: {  	_ =	shalt  }
0x6e: {  	_ =	shalt  }
0x6f: {  	_ =	shalt  }
0x70: {  	_ =	shalt  }
0x71: {  	_ =	shalt  }
0x72: {  	_ =	shalt  }
0x73: {  	_ =	shalt  }
0x74: {  	_ =	shalt  }
0x75: {  	_ =	shalt  }
0x76: {  	_ =	shalt  }
0x77: {  	_ =	shalt  }
0x78: {  	_ =	shalt  }
0x79: {  	_ =	shalt  }
0x7a: {  	_ =	shalt  }
0x7b: {  	_ =	shalt  }
0x7c: {  	_ =	shalt  }
0x7d: {  	_ =	shalt  }
0x7e: {  	_ =	shalt  }
0x7f: {  	_ =	shalt  }
0x80: {  	_ =	shalt  }
0x81: {  	_ =	shalt  }
0x82: {  	_ =	shalt  }
0x83: {  	_ =	shalt  }
0x84: {  	_ =	shalt  }
0x85: {  	_ =	shalt  }
0x86: {  	_ =	shalt  }
0x87: {  	_ =	shalt  }
.Lfunc_end0:
.L_simem_size_0:
called_computation.3_lowered:
.L_overlay_start_0:
0x88: {  	s2 =	sld [smem:$0x3FD9]  }
0x89: {  	s3 =	sld [smem:$0x3FFE];
	_ =	sdelay $0x1  }
0x8a: {  	s1 =	srdreg.scid  }
0x8b: {  	s0 =	sand.u32 $0x1, s1  }
0x8c: {  	s17 =	sshll.u32 s0, $0xA;
	s2 =	sadd.s32 s3, s2  }
0x8d: {  	s2 =	sadd.s32 s2, s17  }
0x8e: {  	[smem:$0x3FBF] =	sst s2  }
0x8f: {  	_ = 	snop  }
0x90: {  	s18 =	sld [smem:$0x3FD0];
	(tm) =	ssettm $0x1  }
0x91: {  	s19 =	sld [smem:$0x3FFB];
	_ =	sdelay $0x3  }
0x92: {  	_ =	strace s19  }
0x93: {  	s2 =	sld [smem:$0x3FFC];
	_ =	sdelay $0x3  }
0x94: {  	_ =	strace s2  }
0x95: {  	s2 =	sld [smem:$0x3FFD];
	_ =	sdelay $0x3  }
0x96: {  	_ =	strace s2  }
0x97: {  	_ =	strace $0x8FFFFFFF  }
0x98: {  	s20 =	sld [smem:$0x3FDB];
	_ =	sdelay $0x1  }
0x99: {  	s4 =	simm.s32 $_scs_section_size  }
0x9a: {  	s5 =	simm.s32 $_size__tile_overlayer_lowered;
	s6 =	simm.s32 $_tile_overlayer_lowered  }
0x9b: {  	s7 =	simm.s32 $0x1BFF;
	s21 =	sshll.u32 s6, $0x1;
	s4 =	sadd.s32 s4, s20  }
0x9c: {  	s22 =	simm.s32 $0x0;
	s5 =	sshll.u32 s5, $0x1;
	s6 =	sadd.s32 s21, s4  }
0x9d: {  	[timem:s22], [sflag:s7] =	dma.local [hbm:s6], s5  }
0x9e: {  	_ =	swait.ge [sflag:s7], s5  }
0x9f: {  	s5 =	ssub.s32 $0x0, s5;
	[sflag:s7] =	ssyncset.done $0x0  }
0xa0: {  	[sflag:s7] =	ssyncadd.s32 s5;
	_ =	sdelay $0x1  }
0xa1: {  	s23 =	simm.s32 $0x1B8B  }
0xa2: {  	_ =	swait.ge [sflag:s23], $0x1  }
0xa3: {  	[sflag:s23] =	ssyncset.done $0x0  }
0xa4: {  	[sflag:s23] =	ssyncadd.s32 $0xFFFFFFFF  }
0xa5: {  	s5 =	sld [smem:$0x0]  }
0xa6: {  	s6 =	sand.u32 $0xFFFFFFFE, s1  }
0xa7: {  	p0 =	sne.s32 s1, s6  }
0xa8: {  	s6 =	sshll.u32 @p0 s6, $0xE  }
0xa9: {  	s6 =	sadd.s32 @p0 $0x11B8D, s6;
	s7 =	sshll.u32 @p0 s5, $0x11  }
0xaa: {  	s6 =	sor.u32 @p0 s7, s6  }
0xab: {  	[sflag:s6] =	ssyncadd.remote.s32 @p0 $0x1;
	_ =	sdelay $0x1  }
0xac: {  	s6 =	simm.s32 @p0 $0x1B8D  }
0xad: {  	_ =	swait.eq @p0 [sflag:s6], $0x1  }
0xae: {  	[sflag:s6] =	ssyncadd.s32 @p0 $0xFFFFFFFF  }
0xaf: {  	s7 =	sshll.u32 @!p0 s1, $0xE  }
0xb0: {  	s7 =	sor.u32 @!p0 $0x4000, s7;
	s6 =	simm.s32 @!p0 $0x1B8D  }
0xb1: {  	s5 =	sshll.u32 @!p0 s5, $0x11;
	s7 =	sadd.s32 @!p0 $0x11B8D, s7;
	_ =	swait.eq @!p0 [sflag:s6], $0x1  }
0xb2: {  	s5 =	sor.u32 @!p0 s5, s7;
	[sflag:s6] =	ssyncadd.s32 @!p0 $0xFFFFFFFF  }
0xb3: {  	s25 =	simm.s32 $0x1B8E;
	s24 =	sld [smem:$0x3FFE];
	[sflag:s5] =	ssyncadd.remote.s32 @!p0 $0x1  }
0xb4: {  	s26 =	simm.s32 $execute0_lowered;
	[smem:$0x3FD2] =	sst s25  }
0xb5: {  	s6 =	sshll.u32 s26, $0x1;
	_ =	strace $0x8000004F;
	[dreg:$0x1] =	wrdreg $0xFFFFFFFF  }
0xb6: {  	s28 =	simm.s32 $_size_execute0_lowered;
	s4 =	sadd.s32 s4, s6;
	[dreg:$0x0] =	wrdreg $0x0  }
0xb7: {  	s6 =	sshll.u32 s28, $0x1;
	[dreg:$0x2] =	wrdreg s4  }
0xb8: {  	[dreg:$0x3] =	wrdreg s6  }
0xb9: {  	[dreg:$0x4] =	wrdreg $0xC0  }
0xba: {  	_ =	task [dreg:s22], $0x5FFFF  }
0xbb: {  	[dreg:$0x1] =	wrdreg $0xFFFFFFFF  }
0xbc: {  	[dreg:$0x0] =	wrdreg $0x60  }
0xbd: {  	[dreg:$0x2] =	wrdreg s18  }
0xbe: {  	[dreg:$0x3] =	wrdreg s24  }
0xbf: {  	[dreg:$0x4] =	wrdreg $0xC  }
0xc0: {  	_ =	task.clear_ibuf [dreg:s22], $0x5FFFF;
	_ =	strace $0x9000004F  }
0xc1: {  	s29 =	simm.s32 $0xC;
	_ =	strace $0x80000051  }
0xc2: {  	_ =	swait.ge [sflag:s29], $0x1  }
0xc3: {  	[sflag:s29] =	ssyncadd.s32 $0xFFFFFFFF  }
0xc4: {  	_ =	strace $0x90000051  }
0xc5: {  	_ =	sfence  }
0xc6: {  	s30 =	sld [smem:$0x0];
	_ =	sdelay $0x2  }
0xc7: {  	s31 =	sshll.u32 s1, $0xD;
	s1 =	sshrl.u32 s1, $0x2  }
0xc8: {  	s4 =	sand.u32 $0x4000, s31;
	s1 =	sadd.s32 s1, s30  }
0xc9: {  	s0 =	sor.u32 s4, s0;
	s1 =	sshll.u32 s1, $0x11  }
0xca: {  	s0 =	sor.u32 s1, s0  }
0xcb: {  	s0 =	sadd.s32 $0x8F2B, s0  }
0xcc: {  	[sflag:s0] =	ssyncadd.remote.s32 $0x1  }
0xcd: {  	_ =	sfence.sel $0xFFFF  }
0xce: {  	[dreg:$0x0] =	wrdreg $0xFFFFFFFF;
	(pc) =	sbr.abs _section_cstart, $3  }
0xcf: {  	[dreg:$0x1] =	wrdreg $0xFFFFFFFF  }
0xd0: {  	_ =	task.clear_ibuf [dreg:s22], $0x2FFFF;
	_ =	strace $0x9FFFFFFF  }
0xd1: {  	(tm) =	ssettm $0x7FFFFFFF  }
tec
execute0_lowered:
.L_overlay_start_1:
0x0: {  	(tag) =	ssettag $0x1  }
0x1: {  	s1 =	srdreg.scid  }
0x2: {  	s0 =	stileid.u32;
	s11 =	sand.u32 $0x1, s1  }
0x3: {  	s2 =	rddreg [dreg:$0x0];
	s31 =	sshll.u32 s0, $0xA;
	s3 =	sshll.u32 s11, $0x9  }
0x4: {  	s10 =	rddreg [dreg:$0x1];
	s12 =	sor.u32 s3, s31  }
0x5: {  	s1 =	rddreg [dreg:$0x2];
	s3 =	simm.s32 $0x0;
	s4 =	sshrl.u32 s12, $0x3  }
0x6: {  	[smem:$0x7FF] =	sst s3;
	s4 =	sadd.s32 s4, s10  }
0x7: {  	_ =	strace $0x80000050;
	s5 =	sadd.s32 $0xDD400, s4;
	s4 =	simm.s32 $0x3  }
0x8: {  	[tilespmem:s3], [sflag:$0x3] =	stream.linear.gather [hbm4b:s5+s3], $0x200, $0x38;
	[tilespmem:$0x10200] =	vst v63  }
0x9: {  	_ =	swait.ge [sflag:s4], $0x200  }
0xa: {  	[sflag:s4] =	ssyncset.done $0x0  }
0xb: {  	s6 =	simm.s32 $0x100;
	s7 =	simm.s32 $0x200;
	[sflag:s4] =	ssyncadd.s32 $0xFFFFFE00  }
0xc: {  	[tilespmem:s7], [sflag:$0x1] =	stream.indirect.gather [hbm4b:s2+s6], $0x80, s3, s6, $0xb8;
	[tilespmem:$0x10200] =	vst v63  }
0xd: {  	s8 =	simm.s32 $0x8200;
	s9 =	simm.s32 $0x1  }
0xe: {  	[tilespmem:s8], [sflag:$0x2] =	stream.indirect.gather [hbm4b:s2+s6], $0x80, s6, s6, $0xb8;
	[tilespmem:$0x10200] =	vst v63  }
0xf: {  	s12 =	sshll.u32 s12, $0x4;
	_ =	swait.ge [sflag:s9], $0x8000  }
0x10: {  	s12 =	sadd.s32 s12, s10;
	[sflag:s9] =	ssyncset.done $0x0  }
0x11: {  	s13 =	ssub.s32 $0x2, s11;
	s10 =	sadd.s32 $0xDDC00, s12;
	[sflag:s9] =	ssyncadd.s32 $0xFFFF8000  }
0x12: {  	[hbm4b:s10+s3] =	stream.linear.scatter [tilespmem:s7], [sflag:$0x3], $0x8000, $0x38;
	[tilespmem:$0x10200] =	vst v63  }
0x13: {  	s14 =	sshrl.u32 s13, $0x1;
	_ =	swait.ge [sflag:s4], $0x8000  }
0x14: {  	s13 =	ssub.s32 s13, s14;
	[sflag:s4] =	ssyncset.done $0x0  }
0x15: {  	s11 =	simm.s32 $0x2;
	s13 =	smax.u32 s13, $0x1;
	[sflag:s4] =	ssyncadd.s32 $0xFFFF8000  }
0x16: {  	p0 =	sne.s32 s13, $0x1;
	_ =	swait.ge [sflag:s11], $0x8000  }
.Ltmp0:
0x17: {  	[sflag:s11] =	ssyncset.done $0x0;
	(pc) =	sbr.rel @!p0 .LBB2_2-.Ltmp0, $4  }
0x18: {  	s12 =	sadd.s32 $0xDEC00, s12;
	[sflag:s11] =	ssyncadd.s32 $0xFFFF8000  }
0x19: {  	[hbm4b:s12+s3] =	stream.linear.scatter [tilespmem:s8], [sflag:$0x3], $0x8000, $0x38;
	[tilespmem:$0x10200] =	vst v63  }
0x1a: {  	_ =	swait.ge [sflag:s4], $0x8000  }
0x1b: {  	s13 =	sadd.s32 $0xFFFFFFFF, s13;
	[sflag:s4] =	ssyncset.done $0x0  }
.LBB2_1:
0x1c: {  	p0 =	sne.s32 s13, $0x1;
	s13 =	sadd.s32 $0xFFFFFFFF, s13;
	[sflag:s4] =	ssyncadd.s32 $0xFFFF8000  }
0x1d: {  	[tilespmem:s3], [sflag:$0x3] =	stream.linear.gather [hbm4b:s5+s3], $0x200, $0x38;
	[tilespmem:$0x10200] =	vst v63  }
0x1e: {  	_ =	swait.ge [sflag:s4], $0x200  }
0x1f: {  	[sflag:s4] =	ssyncset.done $0x0  }
0x20: {  	[sflag:s4] =	ssyncadd.s32 $0xFFFFFE00  }
0x21: {  	[tilespmem:s7], [sflag:$0x1] =	stream.indirect.gather [hbm4b:s2+s6], $0x80, s3, s6, $0xb8;
	[tilespmem:$0x10200] =	vst v63  }
0x22: {  	_ = 	snop  }
0x23: {  	[tilespmem:s8], [sflag:$0x2] =	stream.indirect.gather [hbm4b:s2+s6], $0x80, s6, s6, $0xb8;
	[tilespmem:$0x10200] =	vst v63  }
0x24: {  	_ =	swait.ge [sflag:s9], $0x8000  }
0x25: {  	[sflag:s9] =	ssyncset.done $0x0  }
0x26: {  	[sflag:s9] =	ssyncadd.s32 $0xFFFF8000  }
0x27: {  	[hbm4b:s10+s3] =	stream.linear.scatter [tilespmem:s7], [sflag:$0x3], $0x8000, $0x38;
	[tilespmem:$0x10200] =	vst v63  }
0x28: {  	_ =	swait.ge [sflag:s4], $0x8000  }
0x29: {  	[sflag:s4] =	ssyncset.done $0x0  }
0x2a: {  	[sflag:s4] =	ssyncadd.s32 $0xFFFF8000  }
0x2b: {  	_ =	swait.ge [sflag:s11], $0x8000  }
.Ltmp1:
0x2c: {  	[sflag:s11] =	ssyncset.done $0x0;
	(pc) =	sbr.rel @p0 .LBB2_1-.Ltmp1, $4  }
0x2d: {  	[sflag:s11] =	ssyncadd.s32 $0xFFFF8000  }
0x2e: {  	[hbm4b:s12+s3] =	stream.linear.scatter [tilespmem:s8], [sflag:$0x3], $0x8000, $0x38;
	[tilespmem:$0x10200] =	vst v63  }
0x2f: {  	_ =	swait.ge [sflag:s4], $0x8000  }
0x30: {  	[sflag:s4] =	ssyncset.done $0x0  }
.LBB2_2:
0x31: {  	[sflag:s4] =	ssyncadd.s32 $0xFFFF8000  }
0x32: {  	_ =	sfence.sel $0x180000  }
0x33: {  	[bflag:$0x0] =	sbarrier.arrive $0xFFFF  }
0x34: {  	p0 =	sne.s32 s0, $0x0;
	_ =	strace $0x90000050  }
0x35: {  	s0 =	sadd.s32 @!p0 $0x100000, s1;
	[bflag:$0x2] =	sbarrier.arrive $0xFFFF  }
0x36: {  	[sflag:s0] =	ssyncadd.tile.s32 @!p0 $0x1;
	_ =	shalt  }
.Lfunc_end2:
_tile_overlayer_lowered:
.L_overlay_start_2:
0x37: {  	(tag) =	ssettag $0x2  }
0x38: {  	s0 =	rddreg [dreg:$0x0];
	s2 =	stileid.u32  }
0x39: {  	s1 =	rddreg [dreg:$0x1];
	p0 =	sne.s32 s2, $0x0  }
0x3a: {  	s3 =	rddreg [dreg:$0x2];
	[bflag:$0x3] =	sbarrier.arrive $0xFFFF;
	s2 =	simm.s32 @!p0 $0x1C03  }
0x3b: {  	[timem:s3], [sflag:s2] =	dma.local @!p0 [hbm:s0], s1  }
0x3c: {  	s0 =	simm.s32 @!p0 $0x3  }
0x3d: {  	_ =	swait.ge @!p0 [sflag:s0], s1  }
0x3e: {  	s1 =	ssub.s32 @!p0 $0x0, s1;
	[sflag:s0] =	ssyncset.done @!p0 $0x0  }
0x3f: {  	[sflag:s0] =	ssyncadd.s32 @!p0 s1  }
0x40: {  	[bflag:$0x3] =	sbarrier.arrive $0xFFFF  }
0x41: {  	_ =	shalt  }

</sc_bundles>
